<compile_context>
chip_gen: v7x
topology: tpu7x:2x2x1
jax: 0.10.2.dev20260603
libtpu: 0.0.44.dev20260713+nightly
codegen_flags: <defaults>
</compile_context>

<pallas_src>
import functools

import jax
import jax.numpy as jnp
from jax import lax
from jax.experimental import pallas as pl
from jax.experimental.pallas import tpu as pltpu
from jax.experimental.pallas import tpu_sc as plsc


def _proj_body(TB, E, B, L, x_ref, w_ref, b_ref, n_ref, proj_ref, sumh_ref):
    i = pl.program_id(0)
    x2 = x_ref[...].reshape(TB, L)
    val = jnp.dot(x2, w_ref[...], preferred_element_type=jnp.float32)
    val = val + b_ref[...]
    ii = jax.lax.broadcasted_iota(jnp.int32, (TB, 128), 1)
    NR = B // 128
    srow = jax.lax.broadcasted_iota(jnp.int32, (TB, NR), 1)
    trow = jax.lax.broadcasted_iota(jnp.int32, (TB, NR), 0)
    A = (srow == i * (TB // 128) + trow // 128).astype(jnp.float32)
    Y = jnp.dot(A, n_ref[...], preferred_element_type=jnp.float32)
    tmod = jax.lax.broadcasted_iota(jnp.int32, (TB, 128), 0) % 128
    noise_col = jnp.sum(jnp.where(ii == tmod, Y, 0.0), axis=1, keepdims=True)
    val = val + jnp.where(ii < E, noise_col, 0.0)
    proj_ref[...] = val[:, :3 * E]
    sumh_p = jnp.sum(jnp.where(ii < E, val, 0.0), axis=0, keepdims=True)

    @pl.when(i == 0)
    def _():
        sumh_ref[...] = sumh_p

    @pl.when(i > 0)
    def _():
        sumh_ref[...] = sumh_ref[...] + sumh_p


def _sc_routing(E, TPW, proj, outb, dispb, cntb, projv, outv, dispv, cntv):
    c = lax.axis_index("c")
    s = lax.axis_index("s")
    wid = s * 2 + c
    base = wid * TPW
    pltpu.sync_copy(proj.at[pl.ds(base, TPW)], projv)
    zf = jnp.zeros((16,), jnp.float32)
    for i in range(TPW * E // 16):
        dispv[pl.ds(i * 16, 16)] = zf
    lane = lax.iota(jnp.int32, 16)
    cntacc = zf
    ones = jnp.ones((16,), jnp.float32)
    for g in range(TPW // 16):
        rows = lane + g * 16
        m = plsc.load_gather(projv, [rows, jnp.zeros((16,), jnp.int32)])
        idx = jnp.zeros((16,), jnp.int32)
        for e in range(1, E):
            ce = plsc.load_gather(projv, [rows, jnp.full((16,), e, jnp.int32)])
            upd = ce > m
            m = jnp.where(upd, ce, m)
            idx = jnp.where(upd, e, idx)
        sel0 = plsc.load_gather(projv, [rows, idx + E])
        sel1 = plsc.load_gather(projv, [rows, idx + 2 * E])
        plsc.store_scatter(outv, [rows * 2], m * sel0)
        plsc.store_scatter(outv, [rows * 2 + 1], m * sel1)
        plsc.store_scatter(dispv, [rows * E + idx], ones)
        for e in range(E):
            pc = plsc.all_reduce_population_count(idx == e)
            cntacc = cntacc + jnp.where(lane == e, pc.astype(jnp.float32), 0.0)
    cntv[...] = cntacc
    pltpu.sync_copy(outv, outb.at[pl.ds(base * 2, TPW * 2)])
    pltpu.sync_copy(dispv, dispb.at[pl.ds(base * E, TPW * E)])
    pltpu.sync_copy(cntv, cntb.at[pl.ds(wid * 16, 16)])


def kernel(x, gw, gb, ew, eb):
    B = x.shape[0]
    L = x.shape[2]
    E = gb.shape[0]
    PD = gw.shape[2]
    P = L // PD
    F = ew.shape[1] // 2
    xflat = x.reshape(B * (L // 128), 128)
    noise = jax.random.uniform(
        jax.random.key(42), (B // 128, 128), dtype=jnp.float32)

    Gt = gw[:, 0, :].T
    Wg = ew[:, :, 0, :].reshape(E, 2, F, PD).sum(axis=2)
    Wt = Wg.transpose(2, 1, 0).reshape(PD, 2 * E)
    cols = jnp.concatenate(
        [Gt, Wt, jnp.zeros((PD, 128 - 3 * E), jnp.float32)], axis=1)
    wcat = jnp.tile(cols, (P, 1))
    bsum = (P * eb.reshape(E, 2, F).sum(axis=-1)).T.reshape(2 * E)
    bias = jnp.concatenate(
        [gb * P, bsum, jnp.zeros((128 - 3 * E,), jnp.float32)])[None, :]

    TB = 1024
    grid = (B // TB,)
    proj, sumh = pl.pallas_call(
        functools.partial(_proj_body, TB, E, B, L),
        grid=grid,
        in_specs=[
            pl.BlockSpec((TB * (L // 128), 128), lambda i: (i, 0)),
            pl.BlockSpec((L, 128), lambda i: (0, 0)),
            pl.BlockSpec((1, 128), lambda i: (0, 0)),
            pl.BlockSpec((B // 128, 128), lambda i: (0, 0)),
        ],
        out_specs=[
            pl.BlockSpec((TB, 3 * E), lambda i: (i, 0)),
            pl.BlockSpec((1, 128), lambda i: (0, 0)),
        ],
        out_shape=[
            jax.ShapeDtypeStruct((B, 3 * E), jnp.float32),
            jax.ShapeDtypeStruct((1, 128), jnp.float32),
        ],
    )(xflat, wcat, bias, noise)

    NW = 32
    TPW = B // NW
    mesh = plsc.VectorSubcoreMesh(core_axis_name="c", subcore_axis_name="s")
    sc = functools.partial(
        pl.kernel,
        out_type=[
            jax.ShapeDtypeStruct((B * 2,), jnp.float32),
            jax.ShapeDtypeStruct((B * E,), jnp.float32),
            jax.ShapeDtypeStruct((NW * 16,), jnp.float32),
        ],
        mesh=mesh,
        compiler_params=pltpu.CompilerParams(needs_layout_passes=False),
        scratch_types=[
            pltpu.VMEM((TPW, 3 * E), jnp.float32),
            pltpu.VMEM((TPW * 2,), jnp.float32),
            pltpu.VMEM((TPW * E,), jnp.float32),
            pltpu.VMEM((16,), jnp.float32),
        ],
    )(functools.partial(_sc_routing, E, TPW))
    outf, dispf, cntp = sc(proj)

    out = outf.reshape(B, 2)
    disp = dispf.reshape(B, E)
    counts = cntp.reshape(NW, 16).sum(axis=0)[:E]
    loss = jnp.dot(sumh[0, :E], counts) * (E / (B * B))
    return (out, disp, loss)

# --- scband reference (transcript-rebuilt; emitter-appended) ---
"""Pipeline reference for scband-mo-e-3616362463841 (READ-ONLY COPY).

The authoritative reference and input builder live on the scoring server;
editing this copy changes nothing except your own understanding.
"""

import jax, jax.numpy as jnp
import numpy as np

B = 4096
L = 768
E = 8
P = 48
PD = 16
F = 32


def setup_inputs(seed: int = 0) -> dict:
    key = jax.random.key(seed)
    k1, k2, k3, k4 = jax.random.split(key, 4)
    x = jax.random.normal(k1, (B, 1, L), dtype=jnp.float32)
    # gating conv weight is zeroed in the torch module (weight * 0); bias keeps default init
    gw = jnp.zeros((E, 1, PD), dtype=jnp.float32)
    bound = 1.0 / np.sqrt(1 * PD)
    gb = jax.random.uniform(k2, (E,), dtype=jnp.float32, minval=-bound, maxval=bound)
    # expert conv params are scaled by 1e-4 (small_init=True)
    ew = jax.random.uniform(k3, (E, 2 * F, 1, PD), dtype=jnp.float32, minval=-bound, maxval=bound) * 1e-4
    eb = jax.random.uniform(k4, (E, 2 * F), dtype=jnp.float32, minval=-bound, maxval=bound) * 1e-4
    return {"x": x, "gw": gw, "gb": gb, "ew": ew, "eb": eb}


def reference(x, gw, gb, ew, eb):
    b = x.shape[0]
    # gating: Conv1d(in=1, out=E, kernel=PD, stride=PD) == patchify + matmul, then sum over patches
    xr = x.reshape(b, P, PD)
    h = jnp.einsum('bpk,ck->bc', xr, gw[:, 0, :]) + gb[None, :] * P  # [B, E]
    # torch.rand(x.shape[0], x.shape[1]) -> rand(B, 1), broadcasts across experts
    noise = jax.random.uniform(jax.random.key(42), (b, 1), dtype=jnp.float32)
    h = h + noise
    pi_val, pi_idx = jax.lax.top_k(h, 1)                      # [B,1]
    mask = jax.nn.one_hot(pi_idx, E, dtype=jnp.float32)        # [B,1,E]
    density = mask.mean(axis=0)                                # [1,E]
    density_h = h.mean(axis=0)                                 # [E]
    loss = (density_h * density).mean() * float(E ** 2)
    combine = pi_val[..., None] * mask                         # [B,1,E]
    dispatch = jnp.einsum('bne->ben', mask)                    # [B,E,1]
    expert_inputs = jnp.einsum('bnd,ben->ebd', x, dispatch)    # [E,B,L]  (memory-dominant dense dispatch)
    xe = expert_inputs.reshape(E, b, P, PD)
    # expert Custom_Conv1d: conv (kernel=stride=PD) then sum over patch axis; linear=True so no cubic
    s = jnp.einsum('ebpk,eck->ebc', xe, ew[:, :, 0, :]) + eb[:, None, :] * P  # [E,B,2F]
    out = jnp.stack([s[:, :, :F].sum(axis=-1), s[:, :, F:].sum(axis=-1)], axis=-1)  # [E,B,2]
    combine_t = jnp.swapaxes(combine, -2, -1)                  # [B,E,1]
    output = jnp.einsum('dei,edj->dj', combine_t, out)         # [B,2]
    return (output, dispatch.squeeze(-1), loss)

if __name__ == "__main__":
    import jax
    _d = setup_inputs()
    print(jax.jit(kernel)(*tuple(_d.values())))

</pallas_src>

<mosaic_0001>
#map = affine_map<(d0, d1) -> (0, 0)>
#map1 = affine_map<(d0, d1) -> (0)>
module attributes {stable_mosaic.version = 14 : i64} {
  func.func @_sc_routing(%arg0: i32, %arg1: i32, %arg2: memref<4096x24xf32, #tpu.memory_space<hbm>>, %arg3: memref<8192xf32, #tpu.memory_space<hbm>>, %arg4: memref<32768xf32, #tpu.memory_space<hbm>>, %arg5: memref<512xf32, #tpu.memory_space<hbm>>, %arg6: memref<128x24xf32, #tpu.memory_space<vmem>>, %arg7: memref<256xf32, #tpu.memory_space<vmem>>, %arg8: memref<1024xf32, #tpu.memory_space<vmem>>, %arg9: memref<16xf32, #tpu.memory_space<vmem>>) attributes {dimension_semantics = [#tpu.dimension_semantics<core_parallel>, #tpu.dimension_semantics<subcore_parallel>], iteration_bounds = array<i64: 2, 16>, scalar_prefetch = 0 : i64, scratch_operands = 4 : i64, tpu.core_type = #tpu.core_type<sc_vector_subcore>, window_params = [{transform_indices = #map}, {transform_indices = #map1}, {transform_indices = #map1}, {transform_indices = #map1}]} {
    %mul3A = arith.constant 2 : i32
    %mul3A_0 = arith.muli %arg1, %mul3A : i32
    %add3A = arith.addi %mul3A_0, %arg0 : i32
    %mul3A_1 = arith.constant 128 : i32
    %mul3A_2 = arith.muli %add3A, %mul3A_1 : i32
    "tpu.region"() ({
      %run_scoped3A = tpu.sem_alloc : memref<!tpu.dma_semaphore, #tpu.memory_space<semaphore_mem>>
      %dma_start3A = arith.constant 0 : i32
      %dma_start3A_1598 = tpu.memref_slice %arg2[%mul3A_2, %dma_start3A] : memref<4096x24xf32, #tpu.memory_space<hbm>> -> memref<128x24xf32, #tpu.memory_space<hbm>>
      %dma_start3A_1599 = arith.constant 0 : i32
      %dma_start3A_1600 = tpu.memref_slice %arg2[%mul3A_2, %dma_start3A_1599] : memref<4096x24xf32, #tpu.memory_space<hbm>> -> memref<128x24xf32, #tpu.memory_space<hbm>>
      tpu.enqueue_dma source(%dma_start3A_1600 : memref<128x24xf32, #tpu.memory_space<hbm>>) target(%arg6 : memref<128x24xf32, #tpu.memory_space<vmem>>) target_semaphore(%run_scoped3A : memref<!tpu.dma_semaphore, #tpu.memory_space<semaphore_mem>>)
      %dma_wait3A = arith.constant 0 : i32
      %dma_wait3A_1601 = tpu.memref_slice %arg2[%mul3A_2, %dma_wait3A] : memref<4096x24xf32, #tpu.memory_space<hbm>> -> memref<128x24xf32, #tpu.memory_space<hbm>>
      %dma_wait3A_1602 = arith.constant 0 : i32
      %dma_wait3A_1603 = tpu.memref_slice %arg2[%mul3A_2, %dma_wait3A_1602] : memref<4096x24xf32, #tpu.memory_space<hbm>> -> memref<128x24xf32, #tpu.memory_space<hbm>>
      tpu.wait_dma2 semaphore(%run_scoped3A : memref<!tpu.dma_semaphore, #tpu.memory_space<semaphore_mem>>) src(%dma_wait3A_1603 : memref<128x24xf32, #tpu.memory_space<hbm>>) dst(%arg6 : memref<128x24xf32, #tpu.memory_space<vmem>>)
      tpu.yield
    }) : () -> ()
    %broadcast_in_dim3A = arith.constant 0.000000e+00 : f32
    %broadcast_in_dim3A_3 = vector.broadcast %broadcast_in_dim3A : f32 to vector<16xf32>
    %swap3A = arith.constant 0 : index
    %swap3A_4 = tpu.vector_load %arg8[%swap3A] {strides = array<i32>} : memref<1024xf32, #tpu.memory_space<vmem>>, vector<16xf32>,
    tpu.vector_store %arg8[%swap3A], %broadcast_in_dim3A_3 {strides = array<i32>} : memref<1024xf32, #tpu.memory_space<vmem>>, vector<16xf32>,
    %swap3A_5 = arith.constant 16 : index
    %swap3A_6 = tpu.vector_load %arg8[%swap3A_5] {strides = array<i32>} : memref<1024xf32, #tpu.memory_space<vmem>>, vector<16xf32>,
    tpu.vector_store %arg8[%swap3A_5], %broadcast_in_dim3A_3 {strides = array<i32>} : memref<1024xf32, #tpu.memory_space<vmem>>, vector<16xf32>,
    %swap3A_7 = arith.constant 32 : index
    %swap3A_8 = tpu.vector_load %arg8[%swap3A_7] {strides = array<i32>} : memref<1024xf32, #tpu.memory_space<vmem>>, vector<16xf32>,
    tpu.vector_store %arg8[%swap3A_7], %broadcast_in_dim3A_3 {strides = array<i32>} : memref<1024xf32, #tpu.memory_space<vmem>>, vector<16xf32>,
    %swap3A_9 = arith.constant 48 : index
    %swap3A_10 = tpu.vector_load %arg8[%swap3A_9] {strides = array<i32>} : memref<1024xf32, #tpu.memory_space<vmem>>, vector<16xf32>,
    tpu.vector_store %arg8[%swap3A_9], %broadcast_in_dim3A_3 {strides = array<i32>} : memref<1024xf32, #tpu.memory_space<vmem>>, vector<16xf32>,
    %swap3A_11 = arith.constant 64 : index
    %swap3A_12 = tpu.vector_load %arg8[%swap3A_11] {strides = array<i32>} : memref<1024xf32, #tpu.memory_space<vmem>>, vector<16xf32>,
    tpu.vector_store %arg8[%swap3A_11], %broadcast_in_dim3A_3 {strides = array<i32>} : memref<1024xf32, #tpu.memory_space<vmem>>, vector<16xf32>,
    %swap3A_13 = arith.constant 80 : index
    %swap3A_14 = tpu.vector_load %arg8[%swap3A_13] {strides = array<i32>} : memref<1024xf32, #tpu.memory_space<vmem>>, vector<16xf32>,
    tpu.vector_store %arg8[%swap3A_13], %broadcast_in_dim3A_3 {strides = array<i32>} : memref<1024xf32, #tpu.memory_space<vmem>>, vector<16xf32>,
    %swap3A_15 = arith.constant 96 : index
    %swap3A_16 = tpu.vector_load %arg8[%swap3A_15] {strides = array<i32>} : memref<1024xf32, #tpu.memory_space<vmem>>, vector<16xf32>,
    tpu.vector_store %arg8[%swap3A_15], %broadcast_in_dim3A_3 {strides = array<i32>} : memref<1024xf32, #tpu.memory_space<vmem>>, vector<16xf32>,
    %swap3A_17 = arith.constant 112 : index
    %swap3A_18 = tpu.vector_load %arg8[%swap3A_17] {strides = array<i32>} : memref<1024xf32, #tpu.memory_space<vmem>>, vector<16xf32>,
    tpu.vector_store %arg8[%swap3A_17], %broadcast_in_dim3A_3 {strides = array<i32>} : memref<1024xf32, #tpu.memory_space<vmem>>, vector<16xf32>,
    %swap3A_19 = arith.constant 128 : index
    %swap3A_20 = tpu.vector_load %arg8[%swap3A_19] {strides = array<i32>} : memref<1024xf32, #tpu.memory_space<vmem>>, vector<16xf32>,
    tpu.vector_store %arg8[%swap3A_19], %broadcast_in_dim3A_3 {strides = array<i32>} : memref<1024xf32, #tpu.memory_space<vmem>>, vector<16xf32>,
    %swap3A_21 = arith.constant 144 : index
    %swap3A_22 = tpu.vector_load %arg8[%swap3A_21] {strides = array<i32>} : memref<1024xf32, #tpu.memory_space<vmem>>, vector<16xf32>,
    tpu.vector_store %arg8[%swap3A_21], %broadcast_in_dim3A_3 {strides = array<i32>} : memref<1024xf32, #tpu.memory_space<vmem>>, vector<16xf32>,
    %swap3A_23 = arith.constant 160 : index
    %swap3A_24 = tpu.vector_load %arg8[%swap3A_23] {strides = array<i32>} : memref<1024xf32, #tpu.memory_space<vmem>>, vector<16xf32>,
    tpu.vector_store %arg8[%swap3A_23], %broadcast_in_dim3A_3 {strides = array<i32>} : memref<1024xf32, #tpu.memory_space<vmem>>, vector<16xf32>,
    %swap3A_25 = arith.constant 176 : index
    %swap3A_26 = tpu.vector_load %arg8[%swap3A_25] {strides = array<i32>} : memref<1024xf32, #tpu.memory_space<vmem>>, vector<16xf32>,
    tpu.vector_store %arg8[%swap3A_25], %broadcast_in_dim3A_3 {strides = array<i32>} : memref<1024xf32, #tpu.memory_space<vmem>>, vector<16xf32>,
    %swap3A_27 = arith.constant 192 : index
    %swap3A_28 = tpu.vector_load %arg8[%swap3A_27] {strides = array<i32>} : memref<1024xf32, #tpu.memory_space<vmem>>, vector<16xf32>,
    tpu.vector_store %arg8[%swap3A_27], %broadcast_in_dim3A_3 {strides = array<i32>} : memref<1024xf32, #tpu.memory_space<vmem>>, vector<16xf32>,
    %swap3A_29 = arith.constant 208 : index
    %swap3A_30 = tpu.vector_load %arg8[%swap3A_29] {strides = array<i32>} : memref<1024xf32, #tpu.memory_space<vmem>>, vector<16xf32>,
    tpu.vector_store %arg8[%swap3A_29], %broadcast_in_dim3A_3 {strides = array<i32>} : memref<1024xf32, #tpu.memory_space<vmem>>, vector<16xf32>,
    %swap3A_31 = arith.constant 224 : index
    %swap3A_32 = tpu.vector_load %arg8[%swap3A_31] {strides = array<i32>} : memref<1024xf32, #tpu.memory_space<vmem>>, vector<16xf32>,
    tpu.vector_store %arg8[%swap3A_31], %broadcast_in_dim3A_3 {strides = array<i32>} : memref<1024xf32, #tpu.memory_space<vmem>>, vector<16xf32>,
    %swap3A_33 = arith.constant 240 : index
    %swap3A_34 = tpu.vector_load %arg8[%swap3A_33] {strides = array<i32>} : memref<1024xf32, #tpu.memory_space<vmem>>, vector<16xf32>,
    tpu.vector_store %arg8[%swap3A_33], %broadcast_in_dim3A_3 {strides = array<i32>} : memref<1024xf32, #tpu.memory_space<vmem>>, vector<16xf32>,
    %swap3A_35 = arith.constant 256 : index
    %swap3A_36 = tpu.vector_load %arg8[%swap3A_35] {strides = array<i32>} : memref<1024xf32, #tpu.memory_space<vmem>>, vector<16xf32>,
    tpu.vector_store %arg8[%swap3A_35], %broadcast_in_dim3A_3 {strides = array<i32>} : memref<1024xf32, #tpu.memory_space<vmem>>, vector<16xf32>,
    %swap3A_37 = arith.constant 272 : index
    %swap3A_38 = tpu.vector_load %arg8[%swap3A_37] {strides = array<i32>} : memref<1024xf32, #tpu.memory_space<vmem>>, vector<16xf32>,
    tpu.vector_store %arg8[%swap3A_37], %broadcast_in_dim3A_3 {strides = array<i32>} : memref<1024xf32, #tpu.memory_space<vmem>>, vector<16xf32>,
    %swap3A_39 = arith.constant 288 : index
    %swap3A_40 = tpu.vector_load %arg8[%swap3A_39] {strides = array<i32>} : memref<1024xf32, #tpu.memory_space<vmem>>, vector<16xf32>,
    tpu.vector_store %arg8[%swap3A_39], %broadcast_in_dim3A_3 {strides = array<i32>} : memref<1024xf32, #tpu.memory_space<vmem>>, vector<16xf32>,
    %swap3A_41 = arith.constant 304 : index
    %swap3A_42 = tpu.vector_load %arg8[%swap3A_41] {strides = array<i32>} : memref<1024xf32, #tpu.memory_space<vmem>>, vector<16xf32>,
    tpu.vector_store %arg8[%swap3A_41], %broadcast_in_dim3A_3 {strides = array<i32>} : memref<1024xf32, #tpu.memory_space<vmem>>, vector<16xf32>,
    %swap3A_43 = arith.constant 320 : index
    %swap3A_44 = tpu.vector_load %arg8[%swap3A_43] {strides = array<i32>} : memref<1024xf32, #tpu.memory_space<vmem>>, vector<16xf32>,
    tpu.vector_store %arg8[%swap3A_43], %broadcast_in_dim3A_3 {strides = array<i32>} : memref<1024xf32, #tpu.memory_space<vmem>>, vector<16xf32>,
    %swap3A_45 = arith.constant 336 : index
    %swap3A_46 = tpu.vector_load %arg8[%swap3A_45] {strides = array<i32>} : memref<1024xf32, #tpu.memory_space<vmem>>, vector<16xf32>,
    tpu.vector_store %arg8[%swap3A_45], %broadcast_in_dim3A_3 {strides = array<i32>} : memref<1024xf32, #tpu.memory_space<vmem>>, vector<16xf32>,
    %swap3A_47 = arith.constant 352 : index
    %swap3A_48 = tpu.vector_load %arg8[%swap3A_47] {strides = array<i32>} : memref<1024xf32, #tpu.memory_space<vmem>>, vector<16xf32>,
    tpu.vector_store %arg8[%swap3A_47], %broadcast_in_dim3A_3 {strides = array<i32>} : memref<1024xf32, #tpu.memory_space<vmem>>, vector<16xf32>,
    %swap3A_49 = arith.constant 368 : index
    %swap3A_50 = tpu.vector_load %arg8[%swap3A_49] {strides = array<i32>} : memref<1024xf32, #tpu.memory_space<vmem>>, vector<16xf32>,
    tpu.vector_store %arg8[%swap3A_49], %broadcast_in_dim3A_3 {strides = array<i32>} : memref<1024xf32, #tpu.memory_space<vmem>>, vector<16xf32>,
    %swap3A_51 = arith.constant 384 : index
    %swap3A_52 = tpu.vector_load %arg8[%swap3A_51] {strides = array<i32>} : memref<1024xf32, #tpu.memory_space<vmem>>, vector<16xf32>,
    tpu.vector_store %arg8[%swap3A_51], %broadcast_in_dim3A_3 {strides = array<i32>} : memref<1024xf32, #tpu.memory_space<vmem>>, vector<16xf32>,
    %swap3A_53 = arith.constant 400 : index
    %swap3A_54 = tpu.vector_load %arg8[%swap3A_53] {strides = array<i32>} : memref<1024xf32, #tpu.memory_space<vmem>>, vector<16xf32>,
    tpu.vector_store %arg8[%swap3A_53], %broadcast_in_dim3A_3 {strides = array<i32>} : memref<1024xf32, #tpu.memory_space<vmem>>, vector<16xf32>,
    %swap3A_55 = arith.constant 416 : index
    %swap3A_56 = tpu.vector_load %arg8[%swap3A_55] {strides = array<i32>} : memref<1024xf32, #tpu.memory_space<vmem>>, vector<16xf32>,
    tpu.vector_store %arg8[%swap3A_55], %broadcast_in_dim3A_3 {strides = array<i32>} : memref<1024xf32, #tpu.memory_space<vmem>>, vector<16xf32>,
    %swap3A_57 = arith.constant 432 : index
    %swap3A_58 = tpu.vector_load %arg8[%swap3A_57] {strides = array<i32>} : memref<1024xf32, #tpu.memory_space<vmem>>, vector<16xf32>,
    tpu.vector_store %arg8[%swap3A_57], %broadcast_in_dim3A_3 {strides = array<i32>} : memref<1024xf32, #tpu.memory_space<vmem>>, vector<16xf32>,
    %swap3A_59 = arith.constant 448 : index
    %swap3A_60 = tpu.vector_load %arg8[%swap3A_59] {strides = array<i32>} : memref<1024xf32, #tpu.memory_space<vmem>>, vector<16xf32>,
    tpu.vector_store %arg8[%swap3A_59], %broadcast_in_dim3A_3 {strides = array<i32>} : memref<1024xf32, #tpu.memory_space<vmem>>, vector<16xf32>,
    %swap3A_61 = arith.constant 464 : index
    %swap3A_62 = tpu.vector_load %arg8[%swap3A_61] {strides = array<i32>} : memref<1024xf32, #tpu.memory_space<vmem>>, vector<16xf32>,
    tpu.vector_store %arg8[%swap3A_61], %broadcast_in_dim3A_3 {strides = array<i32>} : memref<1024xf32, #tpu.memory_space<vmem>>, vector<16xf32>,
    %swap3A_63 = arith.constant 480 : index
    %swap3A_64 = tpu.vector_load %arg8[%swap3A_63] {strides = array<i32>} : memref<1024xf32, #tpu.memory_space<vmem>>, vector<16xf32>,
    tpu.vector_store %arg8[%swap3A_63], %broadcast_in_dim3A_3 {strides = array<i32>} : memref<1024xf32, #tpu.memory_space<vmem>>, vector<16xf32>,
    %swap3A_65 = arith.constant 496 : index
    %swap3A_66 = tpu.vector_load %arg8[%swap3A_65] {strides = array<i32>} : memref<1024xf32, #tpu.memory_space<vmem>>, vector<16xf32>,
    tpu.vector_store %arg8[%swap3A_65], %broadcast_in_dim3A_3 {strides = array<i32>} : memref<1024xf32, #tpu.memory_space<vmem>>, vector<16xf32>,
    %swap3A_67 = arith.constant 512 : index
    %swap3A_68 = tpu.vector_load %arg8[%swap3A_67] {strides = array<i32>} : memref<1024xf32, #tpu.memory_space<vmem>>, vector<16xf32>,
    tpu.vector_store %arg8[%swap3A_67], %broadcast_in_dim3A_3 {strides = array<i32>} : memref<1024xf32, #tpu.memory_space<vmem>>, vector<16xf32>,
    %swap3A_69 = arith.constant 528 : index
    %swap3A_70 = tpu.vector_load %arg8[%swap3A_69] {strides = array<i32>} : memref<1024xf32, #tpu.memory_space<vmem>>, vector<16xf32>,
    tpu.vector_store %arg8[%swap3A_69], %broadcast_in_dim3A_3 {strides = array<i32>} : memref<1024xf32, #tpu.memory_space<vmem>>, vector<16xf32>,
    %swap3A_71 = arith.constant 544 : index
    %swap3A_72 = tpu.vector_load %arg8[%swap3A_71] {strides = array<i32>} : memref<1024xf32, #tpu.memory_space<vmem>>, vector<16xf32>,
    tpu.vector_store %arg8[%swap3A_71], %broadcast_in_dim3A_3 {strides = array<i32>} : memref<1024xf32, #tpu.memory_space<vmem>>, vector<16xf32>,
    %swap3A_73 = arith.constant 560 : index
    %swap3A_74 = tpu.vector_load %arg8[%swap3A_73] {strides = array<i32>} : memref<1024xf32, #tpu.memory_space<vmem>>, vector<16xf32>,
    tpu.vector_store %arg8[%swap3A_73], %broadcast_in_dim3A_3 {strides = array<i32>} : memref<1024xf32, #tpu.memory_space<vmem>>, vector<16xf32>,
    %swap3A_75 = arith.constant 576 : index
    %swap3A_76 = tpu.vector_load %arg8[%swap3A_75] {strides = array<i32>} : memref<1024xf32, #tpu.memory_space<vmem>>, vector<16xf32>,
    tpu.vector_store %arg8[%swap3A_75], %broadcast_in_dim3A_3 {strides = array<i32>} : memref<1024xf32, #tpu.memory_space<vmem>>, vector<16xf32>,
    %swap3A_77 = arith.constant 592 : index
    %swap3A_78 = tpu.vector_load %arg8[%swap3A_77] {strides = array<i32>} : memref<1024xf32, #tpu.memory_space<vmem>>, vector<16xf32>,
    tpu.vector_store %arg8[%swap3A_77], %broadcast_in_dim3A_3 {strides = array<i32>} : memref<1024xf32, #tpu.memory_space<vmem>>, vector<16xf32>,
    %swap3A_79 = arith.constant 608 : index
    %swap3A_80 = tpu.vector_load %arg8[%swap3A_79] {strides = array<i32>} : memref<1024xf32, #tpu.memory_space<vmem>>, vector<16xf32>,
    tpu.vector_store %arg8[%swap3A_79], %broadcast_in_dim3A_3 {strides = array<i32>} : memref<1024xf32, #tpu.memory_space<vmem>>, vector<16xf32>,
    %swap3A_81 = arith.constant 624 : index
    %swap3A_82 = tpu.vector_load %arg8[%swap3A_81] {strides = array<i32>} : memref<1024xf32, #tpu.memory_space<vmem>>, vector<16xf32>,
    tpu.vector_store %arg8[%swap3A_81], %broadcast_in_dim3A_3 {strides = array<i32>} : memref<1024xf32, #tpu.memory_space<vmem>>, vector<16xf32>,
    %swap3A_83 = arith.constant 640 : index
    %swap3A_84 = tpu.vector_load %arg8[%swap3A_83] {strides = array<i32>} : memref<1024xf32, #tpu.memory_space<vmem>>, vector<16xf32>,
    tpu.vector_store %arg8[%swap3A_83], %broadcast_in_dim3A_3 {strides = array<i32>} : memref<1024xf32, #tpu.memory_space<vmem>>, vector<16xf32>,
    %swap3A_85 = arith.constant 656 : index
    %swap3A_86 = tpu.vector_load %arg8[%swap3A_85] {strides = array<i32>} : memref<1024xf32, #tpu.memory_space<vmem>>, vector<16xf32>,
    tpu.vector_store %arg8[%swap3A_85], %broadcast_in_dim3A_3 {strides = array<i32>} : memref<1024xf32, #tpu.memory_space<vmem>>, vector<16xf32>,
    %swap3A_87 = arith.constant 672 : index
    %swap3A_88 = tpu.vector_load %arg8[%swap3A_87] {strides = array<i32>} : memref<1024xf32, #tpu.memory_space<vmem>>, vector<16xf32>,
    tpu.vector_store %arg8[%swap3A_87], %broadcast_in_dim3A_3 {strides = array<i32>} : memref<1024xf32, #tpu.memory_space<vmem>>, vector<16xf32>,
    %swap3A_89 = arith.constant 688 : index
    %swap3A_90 = tpu.vector_load %arg8[%swap3A_89] {strides = array<i32>} : memref<1024xf32, #tpu.memory_space<vmem>>, vector<16xf32>,
    tpu.vector_store %arg8[%swap3A_89], %broadcast_in_dim3A_3 {strides = array<i32>} : memref<1024xf32, #tpu.memory_space<vmem>>, vector<16xf32>,
    %swap3A_91 = arith.constant 704 : index
    %swap3A_92 = tpu.vector_load %arg8[%swap3A_91] {strides = array<i32>} : memref<1024xf32, #tpu.memory_space<vmem>>, vector<16xf32>,
    tpu.vector_store %arg8[%swap3A_91], %broadcast_in_dim3A_3 {strides = array<i32>} : memref<1024xf32, #tpu.memory_space<vmem>>, vector<16xf32>,
    %swap3A_93 = arith.constant 720 : index
    %swap3A_94 = tpu.vector_load %arg8[%swap3A_93] {strides = array<i32>} : memref<1024xf32, #tpu.memory_space<vmem>>, vector<16xf32>,
    tpu.vector_store %arg8[%swap3A_93], %broadcast_in_dim3A_3 {strides = array<i32>} : memref<1024xf32, #tpu.memory_space<vmem>>, vector<16xf32>,
    %swap3A_95 = arith.constant 736 : index
    %swap3A_96 = tpu.vector_load %arg8[%swap3A_95] {strides = array<i32>} : memref<1024xf32, #tpu.memory_space<vmem>>, vector<16xf32>,
    tpu.vector_store %arg8[%swap3A_95], %broadcast_in_dim3A_3 {strides = array<i32>} : memref<1024xf32, #tpu.memory_space<vmem>>, vector<16xf32>,
    %swap3A_97 = arith.constant 752 : index
    %swap3A_98 = tpu.vector_load %arg8[%swap3A_97] {strides = array<i32>} : memref<1024xf32, #tpu.memory_space<vmem>>, vector<16xf32>,
    tpu.vector_store %arg8[%swap3A_97], %broadcast_in_dim3A_3 {strides = array<i32>} : memref<1024xf32, #tpu.memory_space<vmem>>, vector<16xf32>,
    %swap3A_99 = arith.constant 768 : index
    %swap3A_100 = tpu.vector_load %arg8[%swap3A_99] {strides = array<i32>} : memref<1024xf32, #tpu.memory_space<vmem>>, vector<16xf32>,
    tpu.vector_store %arg8[%swap3A_99], %broadcast_in_dim3A_3 {strides = array<i32>} : memref<1024xf32, #tpu.memory_space<vmem>>, vector<16xf32>,
    %swap3A_101 = arith.constant 784 : index
    %swap3A_102 = tpu.vector_load %arg8[%swap3A_101] {strides = array<i32>} : memref<1024xf32, #tpu.memory_space<vmem>>, vector<16xf32>,
    tpu.vector_store %arg8[%swap3A_101], %broadcast_in_dim3A_3 {strides = array<i32>} : memref<1024xf32, #tpu.memory_space<vmem>>, vector<16xf32>,
    %swap3A_103 = arith.constant 800 : index
    %swap3A_104 = tpu.vector_load %arg8[%swap3A_103] {strides = array<i32>} : memref<1024xf32, #tpu.memory_space<vmem>>, vector<16xf32>,
    tpu.vector_store %arg8[%swap3A_103], %broadcast_in_dim3A_3 {strides = array<i32>} : memref<1024xf32, #tpu.memory_space<vmem>>, vector<16xf32>,
    %swap3A_105 = arith.constant 816 : index
    %swap3A_106 = tpu.vector_load %arg8[%swap3A_105] {strides = array<i32>} : memref<1024xf32, #tpu.memory_space<vmem>>, vector<16xf32>,
    tpu.vector_store %arg8[%swap3A_105], %broadcast_in_dim3A_3 {strides = array<i32>} : memref<1024xf32, #tpu.memory_space<vmem>>, vector<16xf32>,
    %swap3A_107 = arith.constant 832 : index
    %swap3A_108 = tpu.vector_load %arg8[%swap3A_107] {strides = array<i32>} : memref<1024xf32, #tpu.memory_space<vmem>>, vector<16xf32>,
    tpu.vector_store %arg8[%swap3A_107], %broadcast_in_dim3A_3 {strides = array<i32>} : memref<1024xf32, #tpu.memory_space<vmem>>, vector<16xf32>,
    %swap3A_109 = arith.constant 848 : index
    %swap3A_110 = tpu.vector_load %arg8[%swap3A_109] {strides = array<i32>} : memref<1024xf32, #tpu.memory_space<vmem>>, vector<16xf32>,
    tpu.vector_store %arg8[%swap3A_109], %broadcast_in_dim3A_3 {strides = array<i32>} : memref<1024xf32, #tpu.memory_space<vmem>>, vector<16xf32>,
    %swap3A_111 = arith.constant 864 : index
    %swap3A_112 = tpu.vector_load %arg8[%swap3A_111] {strides = array<i32>} : memref<1024xf32, #tpu.memory_space<vmem>>, vector<16xf32>,
    tpu.vector_store %arg8[%swap3A_111], %broadcast_in_dim3A_3 {strides = array<i32>} : memref<1024xf32, #tpu.memory_space<vmem>>, vector<16xf32>,
    %swap3A_113 = arith.constant 880 : index
    %swap3A_114 = tpu.vector_load %arg8[%swap3A_113] {strides = array<i32>} : memref<1024xf32, #tpu.memory_space<vmem>>, vector<16xf32>,
    tpu.vector_store %arg8[%swap3A_113], %broadcast_in_dim3A_3 {strides = array<i32>} : memref<1024xf32, #tpu.memory_space<vmem>>, vector<16xf32>,
    %swap3A_115 = arith.constant 896 : index
    %swap3A_116 = tpu.vector_load %arg8[%swap3A_115] {strides = array<i32>} : memref<1024xf32, #tpu.memory_space<vmem>>, vector<16xf32>,
    tpu.vector_store %arg8[%swap3A_115], %broadcast_in_dim3A_3 {strides = array<i32>} : memref<1024xf32, #tpu.memory_space<vmem>>, vector<16xf32>,
    %swap3A_117 = arith.constant 912 : index
    %swap3A_118 = tpu.vector_load %arg8[%swap3A_117] {strides = array<i32>} : memref<1024xf32, #tpu.memory_space<vmem>>, vector<16xf32>,
    tpu.vector_store %arg8[%swap3A_117], %broadcast_in_dim3A_3 {strides = array<i32>} : memref<1024xf32, #tpu.memory_space<vmem>>, vector<16xf32>,
    %swap3A_119 = arith.constant 928 : index
    %swap3A_120 = tpu.vector_load %arg8[%swap3A_119] {strides = array<i32>} : memref<1024xf32, #tpu.memory_space<vmem>>, vector<16xf32>,
    tpu.vector_store %arg8[%swap3A_119], %broadcast_in_dim3A_3 {strides = array<i32>} : memref<1024xf32, #tpu.memory_space<vmem>>, vector<16xf32>,
    %swap3A_121 = arith.constant 944 : index
    %swap3A_122 = tpu.vector_load %arg8[%swap3A_121] {strides = array<i32>} : memref<1024xf32, #tpu.memory_space<vmem>>, vector<16xf32>,
    tpu.vector_store %arg8[%swap3A_121], %broadcast_in_dim3A_3 {strides = array<i32>} : memref<1024xf32, #tpu.memory_space<vmem>>, vector<16xf32>,
    %swap3A_123 = arith.constant 960 : index
    %swap3A_124 = tpu.vector_load %arg8[%swap3A_123] {strides = array<i32>} : memref<1024xf32, #tpu.memory_space<vmem>>, vector<16xf32>,
    tpu.vector_store %arg8[%swap3A_123], %broadcast_in_dim3A_3 {strides = array<i32>} : memref<1024xf32, #tpu.memory_space<vmem>>, vector<16xf32>,
    %swap3A_125 = arith.constant 976 : index
    %swap3A_126 = tpu.vector_load %arg8[%swap3A_125] {strides = array<i32>} : memref<1024xf32, #tpu.memory_space<vmem>>, vector<16xf32>,
    tpu.vector_store %arg8[%swap3A_125], %broadcast_in_dim3A_3 {strides = array<i32>} : memref<1024xf32, #tpu.memory_space<vmem>>, vector<16xf32>,
    %swap3A_127 = arith.constant 992 : index
    %swap3A_128 = tpu.vector_load %arg8[%swap3A_127] {strides = array<i32>} : memref<1024xf32, #tpu.memory_space<vmem>>, vector<16xf32>,
    tpu.vector_store %arg8[%swap3A_127], %broadcast_in_dim3A_3 {strides = array<i32>} : memref<1024xf32, #tpu.memory_space<vmem>>, vector<16xf32>,
    %swap3A_129 = arith.constant 1008 : index
    %swap3A_130 = tpu.vector_load %arg8[%swap3A_129] {strides = array<i32>} : memref<1024xf32, #tpu.memory_space<vmem>>, vector<16xf32>,
    tpu.vector_store %arg8[%swap3A_129], %broadcast_in_dim3A_3 {strides = array<i32>} : memref<1024xf32, #tpu.memory_space<vmem>>, vector<16xf32>,
    %iota3A = tpu.iota {dimensions = array<i32: 0>} : vector<16xi32>
    %broadcast_in_dim3A_131 = arith.constant 1.000000e+00 : f32
    %broadcast_in_dim3A_132 = vector.broadcast %broadcast_in_dim3A_131 : f32 to vector<16xf32>
    %add3A_133 = arith.constant 0 : i32
    %add3A_134 = vector.broadcast %add3A_133 : i32 to vector<16xi32>
    %add3A_135 = arith.addi %iota3A, %add3A_134 : vector<16xi32>
    %broadcast_in_dim3A_136 = arith.constant 0 : i32
    %broadcast_in_dim3A_137 = vector.broadcast %broadcast_in_dim3A_136 : i32 to vector<16xi32>
    %gather3A = tpu.vector_load_idx %arg6[%add3A_135, %broadcast_in_dim3A_137] : memref<128x24xf32, #tpu.memory_space<vmem>>[vector<16xi32>, vector<16xi32>], vector<16xf32>,
    %broadcast_in_dim3A_138 = arith.constant 0 : i32
    %broadcast_in_dim3A_139 = vector.broadcast %broadcast_in_dim3A_138 : i32 to vector<16xi32>
    %broadcast_in_dim3A_140 = arith.constant 1 : i32
    %broadcast_in_dim3A_141 = vector.broadcast %broadcast_in_dim3A_140 : i32 to vector<16xi32>
    %gather3A_142 = tpu.vector_load_idx %arg6[%add3A_135, %broadcast_in_dim3A_141] : memref<128x24xf32, #tpu.memory_space<vmem>>[vector<16xi32>, vector<16xi32>], vector<16xf32>,
    %gt3A = arith.cmpf ogt, %gather3A_142, %gather3A : vector<16xf32>
    %select_n3A = arith.select %gt3A, %gather3A_142, %gather3A : vector<16xi1>, vector<16xf32>
    %jit3A = arith.constant 1 : i32
    %broadcast_in_dim3A_143 = vector.broadcast %jit3A : i32 to vector<16xi32>
    %select_n3A_144 = arith.select %gt3A, %broadcast_in_dim3A_143, %broadcast_in_dim3A_139 : vector<16xi1>, vector<16xi32>
    %broadcast_in_dim3A_145 = arith.constant 2 : i32
    %broadcast_in_dim3A_146 = vector.broadcast %broadcast_in_dim3A_145 : i32 to vector<16xi32>
    %gather3A_147 = tpu.vector_load_idx %arg6[%add3A_135, %broadcast_in_dim3A_146] : memref<128x24xf32, #tpu.memory_space<vmem>>[vector<16xi32>, vector<16xi32>], vector<16xf32>,
    %gt3A_148 = arith.cmpf ogt, %gather3A_147, %select_n3A : vector<16xf32>
    %select_n3A_149 = arith.select %gt3A_148, %gather3A_147, %select_n3A : vector<16xi1>, vector<16xf32>
    %jit3A_150 = arith.constant 2 : i32
    %broadcast_in_dim3A_151 = vector.broadcast %jit3A_150 : i32 to vector<16xi32>
    %select_n3A_152 = arith.select %gt3A_148, %broadcast_in_dim3A_151, %select_n3A_144 : vector<16xi1>, vector<16xi32>
    %broadcast_in_dim3A_153 = arith.constant 3 : i32
    %broadcast_in_dim3A_154 = vector.broadcast %broadcast_in_dim3A_153 : i32 to vector<16xi32>
    %gather3A_155 = tpu.vector_load_idx %arg6[%add3A_135, %broadcast_in_dim3A_154] : memref<128x24xf32, #tpu.memory_space<vmem>>[vector<16xi32>, vector<16xi32>], vector<16xf32>,
    %gt3A_156 = arith.cmpf ogt, %gather3A_155, %select_n3A_149 : vector<16xf32>
    %select_n3A_157 = arith.select %gt3A_156, %gather3A_155, %select_n3A_149 : vector<16xi1>, vector<16xf32>
    %jit3A_158 = arith.constant 3 : i32
    %broadcast_in_dim3A_159 = vector.broadcast %jit3A_158 : i32 to vector<16xi32>
    %select_n3A_160 = arith.select %gt3A_156, %broadcast_in_dim3A_159, %select_n3A_152 : vector<16xi1>, vector<16xi32>
    %broadcast_in_dim3A_161 = arith.constant 4 : i32
    %broadcast_in_dim3A_162 = vector.broadcast %broadcast_in_dim3A_161 : i32 to vector<16xi32>
    %gather3A_163 = tpu.vector_load_idx %arg6[%add3A_135, %broadcast_in_dim3A_162] : memref<128x24xf32, #tpu.memory_space<vmem>>[vector<16xi32>, vector<16xi32>], vector<16xf32>,
    %gt3A_164 = arith.cmpf ogt, %gather3A_163, %select_n3A_157 : vector<16xf32>
    %select_n3A_165 = arith.select %gt3A_164, %gather3A_163, %select_n3A_157 : vector<16xi1>, vector<16xf32>
    %jit3A_166 = arith.constant 4 : i32
    %broadcast_in_dim3A_167 = vector.broadcast %jit3A_166 : i32 to vector<16xi32>
    %select_n3A_168 = arith.select %gt3A_164, %broadcast_in_dim3A_167, %select_n3A_160 : vector<16xi1>, vector<16xi32>
    %broadcast_in_dim3A_169 = arith.constant 5 : i32
    %broadcast_in_dim3A_170 = vector.broadcast %broadcast_in_dim3A_169 : i32 to vector<16xi32>
    %gather3A_171 = tpu.vector_load_idx %arg6[%add3A_135, %broadcast_in_dim3A_170] : memref<128x24xf32, #tpu.memory_space<vmem>>[vector<16xi32>, vector<16xi32>], vector<16xf32>,
    %gt3A_172 = arith.cmpf ogt, %gather3A_171, %select_n3A_165 : vector<16xf32>
    %select_n3A_173 = arith.select %gt3A_172, %gather3A_171, %select_n3A_165 : vector<16xi1>, vector<16xf32>
    %jit3A_174 = arith.constant 5 : i32
    %broadcast_in_dim3A_175 = vector.broadcast %jit3A_174 : i32 to vector<16xi32>
    %select_n3A_176 = arith.select %gt3A_172, %broadcast_in_dim3A_175, %select_n3A_168 : vector<16xi1>, vector<16xi32>
    %broadcast_in_dim3A_177 = arith.constant 6 : i32
    %broadcast_in_dim3A_178 = vector.broadcast %broadcast_in_dim3A_177 : i32 to vector<16xi32>
    %gather3A_179 = tpu.vector_load_idx %arg6[%add3A_135, %broadcast_in_dim3A_178] : memref<128x24xf32, #tpu.memory_space<vmem>>[vector<16xi32>, vector<16xi32>], vector<16xf32>,
    %gt3A_180 = arith.cmpf ogt, %gather3A_179, %select_n3A_173 : vector<16xf32>
    %select_n3A_181 = arith.select %gt3A_180, %gather3A_179, %select_n3A_173 : vector<16xi1>, vector<16xf32>
    %jit3A_182 = arith.constant 6 : i32
    %broadcast_in_dim3A_183 = vector.broadcast %jit3A_182 : i32 to vector<16xi32>
    %select_n3A_184 = arith.select %gt3A_180, %broadcast_in_dim3A_183, %select_n3A_176 : vector<16xi1>, vector<16xi32>
    %broadcast_in_dim3A_185 = arith.constant 7 : i32
    %broadcast_in_dim3A_186 = vector.broadcast %broadcast_in_dim3A_185 : i32 to vector<16xi32>
    %gather3A_187 = tpu.vector_load_idx %arg6[%add3A_135, %broadcast_in_dim3A_186] : memref<128x24xf32, #tpu.memory_space<vmem>>[vector<16xi32>, vector<16xi32>], vector<16xf32>,
    %gt3A_188 = arith.cmpf ogt, %gather3A_187, %select_n3A_181 : vector<16xf32>
    %select_n3A_189 = arith.select %gt3A_188, %gather3A_187, %select_n3A_181 : vector<16xi1>, vector<16xf32>
    %jit3A_190 = arith.constant 7 : i32
    %broadcast_in_dim3A_191 = vector.broadcast %jit3A_190 : i32 to vector<16xi32>
    %select_n3A_192 = arith.select %gt3A_188, %broadcast_in_dim3A_191, %select_n3A_184 : vector<16xi1>, vector<16xi32>
    %add3A_193 = arith.constant 8 : i32
    %add3A_194 = vector.broadcast %add3A_193 : i32 to vector<16xi32>
    %add3A_195 = arith.addi %select_n3A_192, %add3A_194 : vector<16xi32>
    %gather3A_196 = tpu.vector_load_idx %arg6[%add3A_135, %add3A_195] : memref<128x24xf32, #tpu.memory_space<vmem>>[vector<16xi32>, vector<16xi32>], vector<16xf32>,
    %add3A_197 = arith.constant 16 : i32
    %add3A_198 = vector.broadcast %add3A_197 : i32 to vector<16xi32>
    %add3A_199 = arith.addi %select_n3A_192, %add3A_198 : vector<16xi32>
    %gather3A_200 = tpu.vector_load_idx %arg6[%add3A_135, %add3A_199] : memref<128x24xf32, #tpu.memory_space<vmem>>[vector<16xi32>, vector<16xi32>], vector<16xf32>,
    %mul3A_201 = arith.constant 2 : i32
    %mul3A_202 = vector.broadcast %mul3A_201 : i32 to vector<16xi32>
    %mul3A_203 = arith.muli %add3A_135, %mul3A_202 : vector<16xi32>
    %mul3A_204 = arith.mulf %select_n3A_189, %gather3A_196 : vector<16xf32>
    tpu.vector_store_idx %arg7[%mul3A_203], %mul3A_204 : memref<256xf32, #tpu.memory_space<vmem>>[vector<16xi32>], vector<16xf32>,
    %mul3A_205 = arith.constant 2 : i32
    %mul3A_206 = vector.broadcast %mul3A_205 : i32 to vector<16xi32>
    %mul3A_207 = arith.muli %add3A_135, %mul3A_206 : vector<16xi32>
    %add3A_208 = arith.constant 1 : i32
    %add3A_209 = vector.broadcast %add3A_208 : i32 to vector<16xi32>
    %add3A_210 = arith.addi %mul3A_207, %add3A_209 : vector<16xi32>
    %mul3A_211 = arith.mulf %select_n3A_189, %gather3A_200 : vector<16xf32>
    tpu.vector_store_idx %arg7[%add3A_210], %mul3A_211 : memref<256xf32, #tpu.memory_space<vmem>>[vector<16xi32>], vector<16xf32>,
    %mul3A_212 = arith.constant 8 : i32
    %mul3A_213 = vector.broadcast %mul3A_212 : i32 to vector<16xi32>
    %mul3A_214 = arith.muli %add3A_135, %mul3A_213 : vector<16xi32>
    %add3A_215 = arith.addi %mul3A_214, %select_n3A_192 : vector<16xi32>
    tpu.vector_store_idx %arg8[%add3A_215], %broadcast_in_dim3A_132 : memref<1024xf32, #tpu.memory_space<vmem>>[vector<16xi32>], vector<16xf32>,
    %eq3A = arith.constant 0 : i32
    %eq3A_216 = vector.broadcast %eq3A : i32 to vector<16xi32>
    %eq3A_217 = arith.cmpi eq, %select_n3A_192, %eq3A_216 : vector<16xi32>
    %all_reduce_population_count3A = tpu.all_reduce %eq3A_217 {dim = 0 : i64, kind = #tpu.reduction_kind<sum>} : vector<16xi1> -> vector<16xi32>
    %eq3A_218 = arith.constant 0 : i32
    %eq3A_219 = vector.broadcast %eq3A_218 : i32 to vector<16xi32>
    %eq3A_220 = arith.cmpi eq, %iota3A, %eq3A_219 : vector<16xi32>
    %convert_element_type3A = arith.sitofp %all_reduce_population_count3A : vector<16xi32> to vector<16xf32>
    %jit3A_221 = arith.constant 0.000000e+00 : f32
    %broadcast_in_dim3A_222 = vector.broadcast %jit3A_221 : f32 to vector<16xf32>
    %select_n3A_223 = arith.select %eq3A_220, %convert_element_type3A, %broadcast_in_dim3A_222 : vector<16xi1>, vector<16xf32>
    %add3A_224 = arith.addf %broadcast_in_dim3A_3, %select_n3A_223 : vector<16xf32>
    %eq3A_225 = arith.constant 1 : i32
    %eq3A_226 = vector.broadcast %eq3A_225 : i32 to vector<16xi32>
    %eq3A_227 = arith.cmpi eq, %select_n3A_192, %eq3A_226 : vector<16xi32>
    %all_reduce_population_count3A_228 = tpu.all_reduce %eq3A_227 {dim = 0 : i64, kind = #tpu.reduction_kind<sum>} : vector<16xi1> -> vector<16xi32>
    %eq3A_229 = arith.constant 1 : i32
    %eq3A_230 = vector.broadcast %eq3A_229 : i32 to vector<16xi32>
    %eq3A_231 = arith.cmpi eq, %iota3A, %eq3A_230 : vector<16xi32>
    %convert_element_type3A_232 = arith.sitofp %all_reduce_population_count3A_228 : vector<16xi32> to vector<16xf32>
    %jit3A_233 = arith.constant 0.000000e+00 : f32
    %broadcast_in_dim3A_234 = vector.broadcast %jit3A_233 : f32 to vector<16xf32>
    %select_n3A_235 = arith.select %eq3A_231, %convert_element_type3A_232, %broadcast_in_dim3A_234 : vector<16xi1>, vector<16xf32>
    %add3A_236 = arith.addf %add3A_224, %select_n3A_235 : vector<16xf32>
    %eq3A_237 = arith.constant 2 : i32
    %eq3A_238 = vector.broadcast %eq3A_237 : i32 to vector<16xi32>
    %eq3A_239 = arith.cmpi eq, %select_n3A_192, %eq3A_238 : vector<16xi32>
    %all_reduce_population_count3A_240 = tpu.all_reduce %eq3A_239 {dim = 0 : i64, kind = #tpu.reduction_kind<sum>} : vector<16xi1> -> vector<16xi32>
    %eq3A_241 = arith.constant 2 : i32
    %eq3A_242 = vector.broadcast %eq3A_241 : i32 to vector<16xi32>
    %eq3A_243 = arith.cmpi eq, %iota3A, %eq3A_242 : vector<16xi32>
    %convert_element_type3A_244 = arith.sitofp %all_reduce_population_count3A_240 : vector<16xi32> to vector<16xf32>
    %jit3A_245 = arith.constant 0.000000e+00 : f32
    %broadcast_in_dim3A_246 = vector.broadcast %jit3A_245 : f32 to vector<16xf32>
    %select_n3A_247 = arith.select %eq3A_243, %convert_element_type3A_244, %broadcast_in_dim3A_246 : vector<16xi1>, vector<16xf32>
    %add3A_248 = arith.addf %add3A_236, %select_n3A_247 : vector<16xf32>
    %eq3A_249 = arith.constant 3 : i32
    %eq3A_250 = vector.broadcast %eq3A_249 : i32 to vector<16xi32>
    %eq3A_251 = arith.cmpi eq, %select_n3A_192, %eq3A_250 : vector<16xi32>
    %all_reduce_population_count3A_252 = tpu.all_reduce %eq3A_251 {dim = 0 : i64, kind = #tpu.reduction_kind<sum>} : vector<16xi1> -> vector<16xi32>
    %eq3A_253 = arith.constant 3 : i32
    %eq3A_254 = vector.broadcast %eq3A_253 : i32 to vector<16xi32>
    %eq3A_255 = arith.cmpi eq, %iota3A, %eq3A_254 : vector<16xi32>
    %convert_element_type3A_256 = arith.sitofp %all_reduce_population_count3A_252 : vector<16xi32> to vector<16xf32>
    %jit3A_257 = arith.constant 0.000000e+00 : f32
    %broadcast_in_dim3A_258 = vector.broadcast %jit3A_257 : f32 to vector<16xf32>
    %select_n3A_259 = arith.select %eq3A_255, %convert_element_type3A_256, %broadcast_in_dim3A_258 : vector<16xi1>, vector<16xf32>
    %add3A_260 = arith.addf %add3A_248, %select_n3A_259 : vector<16xf32>
    %eq3A_261 = arith.constant 4 : i32
    %eq3A_262 = vector.broadcast %eq3A_261 : i32 to vector<16xi32>
    %eq3A_263 = arith.cmpi eq, %select_n3A_192, %eq3A_262 : vector<16xi32>
    %all_reduce_population_count3A_264 = tpu.all_reduce %eq3A_263 {dim = 0 : i64, kind = #tpu.reduction_kind<sum>} : vector<16xi1> -> vector<16xi32>
    %eq3A_265 = arith.constant 4 : i32
    %eq3A_266 = vector.broadcast %eq3A_265 : i32 to vector<16xi32>
    %eq3A_267 = arith.cmpi eq, %iota3A, %eq3A_266 : vector<16xi32>
    %convert_element_type3A_268 = arith.sitofp %all_reduce_population_count3A_264 : vector<16xi32> to vector<16xf32>
    %jit3A_269 = arith.constant 0.000000e+00 : f32
    %broadcast_in_dim3A_270 = vector.broadcast %jit3A_269 : f32 to vector<16xf32>
    %select_n3A_271 = arith.select %eq3A_267, %convert_element_type3A_268, %broadcast_in_dim3A_270 : vector<16xi1>, vector<16xf32>
    %add3A_272 = arith.addf %add3A_260, %select_n3A_271 : vector<16xf32>
    %eq3A_273 = arith.constant 5 : i32
    %eq3A_274 = vector.broadcast %eq3A_273 : i32 to vector<16xi32>
    %eq3A_275 = arith.cmpi eq, %select_n3A_192, %eq3A_274 : vector<16xi32>
    %all_reduce_population_count3A_276 = tpu.all_reduce %eq3A_275 {dim = 0 : i64, kind = #tpu.reduction_kind<sum>} : vector<16xi1> -> vector<16xi32>
    %eq3A_277 = arith.constant 5 : i32
    %eq3A_278 = vector.broadcast %eq3A_277 : i32 to vector<16xi32>
    %eq3A_279 = arith.cmpi eq, %iota3A, %eq3A_278 : vector<16xi32>
    %convert_element_type3A_280 = arith.sitofp %all_reduce_population_count3A_276 : vector<16xi32> to vector<16xf32>
    %jit3A_281 = arith.constant 0.000000e+00 : f32
    %broadcast_in_dim3A_282 = vector.broadcast %jit3A_281 : f32 to vector<16xf32>
    %select_n3A_283 = arith.select %eq3A_279, %convert_element_type3A_280, %broadcast_in_dim3A_282 : vector<16xi1>, vector<16xf32>
    %add3A_284 = arith.addf %add3A_272, %select_n3A_283 : vector<16xf32>
    %eq3A_285 = arith.constant 6 : i32
    %eq3A_286 = vector.broadcast %eq3A_285 : i32 to vector<16xi32>
    %eq3A_287 = arith.cmpi eq, %select_n3A_192, %eq3A_286 : vector<16xi32>
    %all_reduce_population_count3A_288 = tpu.all_reduce %eq3A_287 {dim = 0 : i64, kind = #tpu.reduction_kind<sum>} : vector<16xi1> -> vector<16xi32>
    %eq3A_289 = arith.constant 6 : i32
    %eq3A_290 = vector.broadcast %eq3A_289 : i32 to vector<16xi32>
    %eq3A_291 = arith.cmpi eq, %iota3A, %eq3A_290 : vector<16xi32>
    %convert_element_type3A_292 = arith.sitofp %all_reduce_population_count3A_288 : vector<16xi32> to vector<16xf32>
    %jit3A_293 = arith.constant 0.000000e+00 : f32
    %broadcast_in_dim3A_294 = vector.broadcast %jit3A_293 : f32 to vector<16xf32>
    %select_n3A_295 = arith.select %eq3A_291, %convert_element_type3A_292, %broadcast_in_dim3A_294 : vector<16xi1>, vector<16xf32>
    %add3A_296 = arith.addf %add3A_284, %select_n3A_295 : vector<16xf32>
    %eq3A_297 = arith.constant 7 : i32
    %eq3A_298 = vector.broadcast %eq3A_297 : i32 to vector<16xi32>
    %eq3A_299 = arith.cmpi eq, %select_n3A_192, %eq3A_298 : vector<16xi32>
    %all_reduce_population_count3A_300 = tpu.all_reduce %eq3A_299 {dim = 0 : i64, kind = #tpu.reduction_kind<sum>} : vector<16xi1> -> vector<16xi32>
    %eq3A_301 = arith.constant 7 : i32
    %eq3A_302 = vector.broadcast %eq3A_301 : i32 to vector<16xi32>
    %eq3A_303 = arith.cmpi eq, %iota3A, %eq3A_302 : vector<16xi32>
    %convert_element_type3A_304 = arith.sitofp %all_reduce_population_count3A_300 : vector<16xi32> to vector<16xf32>
    %jit3A_305 = arith.constant 0.000000e+00 : f32
    %broadcast_in_dim3A_306 = vector.broadcast %jit3A_305 : f32 to vector<16xf32>
    %select_n3A_307 = arith.select %eq3A_303, %convert_element_type3A_304, %broadcast_in_dim3A_306 : vector<16xi1>, vector<16xf32>
    %add3A_308 = arith.addf %add3A_296, %select_n3A_307 : vector<16xf32>
    %add3A_309 = arith.constant 16 : i32
    %add3A_310 = vector.broadcast %add3A_309 : i32 to vector<16xi32>
    %add3A_311 = arith.addi %iota3A, %add3A_310 : vector<16xi32>
    %broadcast_in_dim3A_312 = arith.constant 0 : i32
    %broadcast_in_dim3A_313 = vector.broadcast %broadcast_in_dim3A_312 : i32 to vector<16xi32>
    %gather3A_314 = tpu.vector_load_idx %arg6[%add3A_311, %broadcast_in_dim3A_313] : memref<128x24xf32, #tpu.memory_space<vmem>>[vector<16xi32>, vector<16xi32>], vector<16xf32>,
    %broadcast_in_dim3A_315 = arith.constant 0 : i32
    %broadcast_in_dim3A_316 = vector.broadcast %broadcast_in_dim3A_315 : i32 to vector<16xi32>
    %broadcast_in_dim3A_317 = arith.constant 1 : i32
    %broadcast_in_dim3A_318 = vector.broadcast %broadcast_in_dim3A_317 : i32 to vector<16xi32>
    %gather3A_319 = tpu.vector_load_idx %arg6[%add3A_311, %broadcast_in_dim3A_318] : memref<128x24xf32, #tpu.memory_space<vmem>>[vector<16xi32>, vector<16xi32>], vector<16xf32>,
    %gt3A_320 = arith.cmpf ogt, %gather3A_319, %gather3A_314 : vector<16xf32>
    %select_n3A_321 = arith.select %gt3A_320, %gather3A_319, %gather3A_314 : vector<16xi1>, vector<16xf32>
    %jit3A_322 = arith.constant 1 : i32
    %broadcast_in_dim3A_323 = vector.broadcast %jit3A_322 : i32 to vector<16xi32>
    %select_n3A_324 = arith.select %gt3A_320, %broadcast_in_dim3A_323, %broadcast_in_dim3A_316 : vector<16xi1>, vector<16xi32>
    %broadcast_in_dim3A_325 = arith.constant 2 : i32
    %broadcast_in_dim3A_326 = vector.broadcast %broadcast_in_dim3A_325 : i32 to vector<16xi32>
    %gather3A_327 = tpu.vector_load_idx %arg6[%add3A_311, %broadcast_in_dim3A_326] : memref<128x24xf32, #tpu.memory_space<vmem>>[vector<16xi32>, vector<16xi32>], vector<16xf32>,
    %gt3A_328 = arith.cmpf ogt, %gather3A_327, %select_n3A_321 : vector<16xf32>
    %select_n3A_329 = arith.select %gt3A_328, %gather3A_327, %select_n3A_321 : vector<16xi1>, vector<16xf32>
    %jit3A_330 = arith.constant 2 : i32
    %broadcast_in_dim3A_331 = vector.broadcast %jit3A_330 : i32 to vector<16xi32>
    %select_n3A_332 = arith.select %gt3A_328, %broadcast_in_dim3A_331, %select_n3A_324 : vector<16xi1>, vector<16xi32>
    %broadcast_in_dim3A_333 = arith.constant 3 : i32
    %broadcast_in_dim3A_334 = vector.broadcast %broadcast_in_dim3A_333 : i32 to vector<16xi32>
    %gather3A_335 = tpu.vector_load_idx %arg6[%add3A_311, %broadcast_in_dim3A_334] : memref<128x24xf32, #tpu.memory_space<vmem>>[vector<16xi32>, vector<16xi32>], vector<16xf32>,
    %gt3A_336 = arith.cmpf ogt, %gather3A_335, %select_n3A_329 : vector<16xf32>
    %select_n3A_337 = arith.select %gt3A_336, %gather3A_335, %select_n3A_329 : vector<16xi1>, vector<16xf32>
    %jit3A_338 = arith.constant 3 : i32
    %broadcast_in_dim3A_339 = vector.broadcast %jit3A_338 : i32 to vector<16xi32>
    %select_n3A_340 = arith.select %gt3A_336, %broadcast_in_dim3A_339, %select_n3A_332 : vector<16xi1>, vector<16xi32>
    %broadcast_in_dim3A_341 = arith.constant 4 : i32
    %broadcast_in_dim3A_342 = vector.broadcast %broadcast_in_dim3A_341 : i32 to vector<16xi32>
    %gather3A_343 = tpu.vector_load_idx %arg6[%add3A_311, %broadcast_in_dim3A_342] : memref<128x24xf32, #tpu.memory_space<vmem>>[vector<16xi32>, vector<16xi32>], vector<16xf32>,
    %gt3A_344 = arith.cmpf ogt, %gather3A_343, %select_n3A_337 : vector<16xf32>
    %select_n3A_345 = arith.select %gt3A_344, %gather3A_343, %select_n3A_337 : vector<16xi1>, vector<16xf32>
    %jit3A_346 = arith.constant 4 : i32
    %broadcast_in_dim3A_347 = vector.broadcast %jit3A_346 : i32 to vector<16xi32>
    %select_n3A_348 = arith.select %gt3A_344, %broadcast_in_dim3A_347, %select_n3A_340 : vector<16xi1>, vector<16xi32>
    %broadcast_in_dim3A_349 = arith.constant 5 : i32
    %broadcast_in_dim3A_350 = vector.broadcast %broadcast_in_dim3A_349 : i32 to vector<16xi32>
    %gather3A_351 = tpu.vector_load_idx %arg6[%add3A_311, %broadcast_in_dim3A_350] : memref<128x24xf32, #tpu.memory_space<vmem>>[vector<16xi32>, vector<16xi32>], vector<16xf32>,
    %gt3A_352 = arith.cmpf ogt, %gather3A_351, %select_n3A_345 : vector<16xf32>
    %select_n3A_353 = arith.select %gt3A_352, %gather3A_351, %select_n3A_345 : vector<16xi1>, vector<16xf32>
    %jit3A_354 = arith.constant 5 : i32
    %broadcast_in_dim3A_355 = vector.broadcast %jit3A_354 : i32 to vector<16xi32>
    %select_n3A_356 = arith.select %gt3A_352, %broadcast_in_dim3A_355, %select_n3A_348 : vector<16xi1>, vector<16xi32>
    %broadcast_in_dim3A_357 = arith.constant 6 : i32
    %broadcast_in_dim3A_358 = vector.broadcast %broadcast_in_dim3A_357 : i32 to vector<16xi32>
    %gather3A_359 = tpu.vector_load_idx %arg6[%add3A_311, %broadcast_in_dim3A_358] : memref<128x24xf32, #tpu.memory_space<vmem>>[vector<16xi32>, vector<16xi32>], vector<16xf32>,
    %gt3A_360 = arith.cmpf ogt, %gather3A_359, %select_n3A_353 : vector<16xf32>
    %select_n3A_361 = arith.select %gt3A_360, %gather3A_359, %select_n3A_353 : vector<16xi1>, vector<16xf32>
    %jit3A_362 = arith.constant 6 : i32
    %broadcast_in_dim3A_363 = vector.broadcast %jit3A_362 : i32 to vector<16xi32>
    %select_n3A_364 = arith.select %gt3A_360, %broadcast_in_dim3A_363, %select_n3A_356 : vector<16xi1>, vector<16xi32>
    %broadcast_in_dim3A_365 = arith.constant 7 : i32
    %broadcast_in_dim3A_366 = vector.broadcast %broadcast_in_dim3A_365 : i32 to vector<16xi32>
    %gather3A_367 = tpu.vector_load_idx %arg6[%add3A_311, %broadcast_in_dim3A_366] : memref<128x24xf32, #tpu.memory_space<vmem>>[vector<16xi32>, vector<16xi32>], vector<16xf32>,
    %gt3A_368 = arith.cmpf ogt, %gather3A_367, %select_n3A_361 : vector<16xf32>
    %select_n3A_369 = arith.select %gt3A_368, %gather3A_367, %select_n3A_361 : vector<16xi1>, vector<16xf32>
    %jit3A_370 = arith.constant 7 : i32
    %broadcast_in_dim3A_371 = vector.broadcast %jit3A_370 : i32 to vector<16xi32>
    %select_n3A_372 = arith.select %gt3A_368, %broadcast_in_dim3A_371, %select_n3A_364 : vector<16xi1>, vector<16xi32>
    %add3A_373 = arith.constant 8 : i32
    %add3A_374 = vector.broadcast %add3A_373 : i32 to vector<16xi32>
    %add3A_375 = arith.addi %select_n3A_372, %add3A_374 : vector<16xi32>
    %gather3A_376 = tpu.vector_load_idx %arg6[%add3A_311, %add3A_375] : memref<128x24xf32, #tpu.memory_space<vmem>>[vector<16xi32>, vector<16xi32>], vector<16xf32>,
    %add3A_377 = arith.constant 16 : i32
    %add3A_378 = vector.broadcast %add3A_377 : i32 to vector<16xi32>
    %add3A_379 = arith.addi %select_n3A_372, %add3A_378 : vector<16xi32>
    %gather3A_380 = tpu.vector_load_idx %arg6[%add3A_311, %add3A_379] : memref<128x24xf32, #tpu.memory_space<vmem>>[vector<16xi32>, vector<16xi32>], vector<16xf32>,
    %mul3A_381 = arith.constant 2 : i32
    %mul3A_382 = vector.broadcast %mul3A_381 : i32 to vector<16xi32>
    %mul3A_383 = arith.muli %add3A_311, %mul3A_382 : vector<16xi32>
    %mul3A_384 = arith.mulf %select_n3A_369, %gather3A_376 : vector<16xf32>
    tpu.vector_store_idx %arg7[%mul3A_383], %mul3A_384 : memref<256xf32, #tpu.memory_space<vmem>>[vector<16xi32>], vector<16xf32>,
    %mul3A_385 = arith.constant 2 : i32
    %mul3A_386 = vector.broadcast %mul3A_385 : i32 to vector<16xi32>
    %mul3A_387 = arith.muli %add3A_311, %mul3A_386 : vector<16xi32>
    %add3A_388 = arith.constant 1 : i32
    %add3A_389 = vector.broadcast %add3A_388 : i32 to vector<16xi32>
    %add3A_390 = arith.addi %mul3A_387, %add3A_389 : vector<16xi32>
    %mul3A_391 = arith.mulf %select_n3A_369, %gather3A_380 : vector<16xf32>
    tpu.vector_store_idx %arg7[%add3A_390], %mul3A_391 : memref<256xf32, #tpu.memory_space<vmem>>[vector<16xi32>], vector<16xf32>,
    %mul3A_392 = arith.constant 8 : i32
    %mul3A_393 = vector.broadcast %mul3A_392 : i32 to vector<16xi32>
    %mul3A_394 = arith.muli %add3A_311, %mul3A_393 : vector<16xi32>
    %add3A_395 = arith.addi %mul3A_394, %select_n3A_372 : vector<16xi32>
    tpu.vector_store_idx %arg8[%add3A_395], %broadcast_in_dim3A_132 : memref<1024xf32, #tpu.memory_space<vmem>>[vector<16xi32>], vector<16xf32>,
    %eq3A_396 = arith.constant 0 : i32
    %eq3A_397 = vector.broadcast %eq3A_396 : i32 to vector<16xi32>
    %eq3A_398 = arith.cmpi eq, %select_n3A_372, %eq3A_397 : vector<16xi32>
    %all_reduce_population_count3A_399 = tpu.all_reduce %eq3A_398 {dim = 0 : i64, kind = #tpu.reduction_kind<sum>} : vector<16xi1> -> vector<16xi32>
    %eq3A_400 = arith.constant 0 : i32
    %eq3A_401 = vector.broadcast %eq3A_400 : i32 to vector<16xi32>
    %eq3A_402 = arith.cmpi eq, %iota3A, %eq3A_401 : vector<16xi32>
    %convert_element_type3A_403 = arith.sitofp %all_reduce_population_count3A_399 : vector<16xi32> to vector<16xf32>
    %jit3A_404 = arith.constant 0.000000e+00 : f32
    %broadcast_in_dim3A_405 = vector.broadcast %jit3A_404 : f32 to vector<16xf32>
    %select_n3A_406 = arith.select %eq3A_402, %convert_element_type3A_403, %broadcast_in_dim3A_405 : vector<16xi1>, vector<16xf32>
    %add3A_407 = arith.addf %add3A_308, %select_n3A_406 : vector<16xf32>
    %eq3A_408 = arith.constant 1 : i32
    %eq3A_409 = vector.broadcast %eq3A_408 : i32 to vector<16xi32>
    %eq3A_410 = arith.cmpi eq, %select_n3A_372, %eq3A_409 : vector<16xi32>
    %all_reduce_population_count3A_411 = tpu.all_reduce %eq3A_410 {dim = 0 : i64, kind = #tpu.reduction_kind<sum>} : vector<16xi1> -> vector<16xi32>
    %eq3A_412 = arith.constant 1 : i32
    %eq3A_413 = vector.broadcast %eq3A_412 : i32 to vector<16xi32>
    %eq3A_414 = arith.cmpi eq, %iota3A, %eq3A_413 : vector<16xi32>
    %convert_element_type3A_415 = arith.sitofp %all_reduce_population_count3A_411 : vector<16xi32> to vector<16xf32>
    %jit3A_416 = arith.constant 0.000000e+00 : f32
    %broadcast_in_dim3A_417 = vector.broadcast %jit3A_416 : f32 to vector<16xf32>
    %select_n3A_418 = arith.select %eq3A_414, %convert_element_type3A_415, %broadcast_in_dim3A_417 : vector<16xi1>, vector<16xf32>
    %add3A_419 = arith.addf %add3A_407, %select_n3A_418 : vector<16xf32>
    %eq3A_420 = arith.constant 2 : i32
    %eq3A_421 = vector.broadcast %eq3A_420 : i32 to vector<16xi32>
    %eq3A_422 = arith.cmpi eq, %select_n3A_372, %eq3A_421 : vector<16xi32>
    %all_reduce_population_count3A_423 = tpu.all_reduce %eq3A_422 {dim = 0 : i64, kind = #tpu.reduction_kind<sum>} : vector<16xi1> -> vector<16xi32>
    %eq3A_424 = arith.constant 2 : i32
    %eq3A_425 = vector.broadcast %eq3A_424 : i32 to vector<16xi32>
    %eq3A_426 = arith.cmpi eq, %iota3A, %eq3A_425 : vector<16xi32>
    %convert_element_type3A_427 = arith.sitofp %all_reduce_population_count3A_423 : vector<16xi32> to vector<16xf32>
    %jit3A_428 = arith.constant 0.000000e+00 : f32
    %broadcast_in_dim3A_429 = vector.broadcast %jit3A_428 : f32 to vector<16xf32>
    %select_n3A_430 = arith.select %eq3A_426, %convert_element_type3A_427, %broadcast_in_dim3A_429 : vector<16xi1>, vector<16xf32>
    %add3A_431 = arith.addf %add3A_419, %select_n3A_430 : vector<16xf32>
    %eq3A_432 = arith.constant 3 : i32
    %eq3A_433 = vector.broadcast %eq3A_432 : i32 to vector<16xi32>
    %eq3A_434 = arith.cmpi eq, %select_n3A_372, %eq3A_433 : vector<16xi32>
    %all_reduce_population_count3A_435 = tpu.all_reduce %eq3A_434 {dim = 0 : i64, kind = #tpu.reduction_kind<sum>} : vector<16xi1> -> vector<16xi32>
    %eq3A_436 = arith.constant 3 : i32
    %eq3A_437 = vector.broadcast %eq3A_436 : i32 to vector<16xi32>
    %eq3A_438 = arith.cmpi eq, %iota3A, %eq3A_437 : vector<16xi32>
    %convert_element_type3A_439 = arith.sitofp %all_reduce_population_count3A_435 : vector<16xi32> to vector<16xf32>
    %jit3A_440 = arith.constant 0.000000e+00 : f32
    %broadcast_in_dim3A_441 = vector.broadcast %jit3A_440 : f32 to vector<16xf32>
    %select_n3A_442 = arith.select %eq3A_438, %convert_element_type3A_439, %broadcast_in_dim3A_441 : vector<16xi1>, vector<16xf32>
    %add3A_443 = arith.addf %add3A_431, %select_n3A_442 : vector<16xf32>
    %eq3A_444 = arith.constant 4 : i32
    %eq3A_445 = vector.broadcast %eq3A_444 : i32 to vector<16xi32>
    %eq3A_446 = arith.cmpi eq, %select_n3A_372, %eq3A_445 : vector<16xi32>
    %all_reduce_population_count3A_447 = tpu.all_reduce %eq3A_446 {dim = 0 : i64, kind = #tpu.reduction_kind<sum>} : vector<16xi1> -> vector<16xi32>
    %eq3A_448 = arith.constant 4 : i32
    %eq3A_449 = vector.broadcast %eq3A_448 : i32 to vector<16xi32>
    %eq3A_450 = arith.cmpi eq, %iota3A, %eq3A_449 : vector<16xi32>
    %convert_element_type3A_451 = arith.sitofp %all_reduce_population_count3A_447 : vector<16xi32> to vector<16xf32>
    %jit3A_452 = arith.constant 0.000000e+00 : f32
    %broadcast_in_dim3A_453 = vector.broadcast %jit3A_452 : f32 to vector<16xf32>
    %select_n3A_454 = arith.select %eq3A_450, %convert_element_type3A_451, %broadcast_in_dim3A_453 : vector<16xi1>, vector<16xf32>
    %add3A_455 = arith.addf %add3A_443, %select_n3A_454 : vector<16xf32>
    %eq3A_456 = arith.constant 5 : i32
    %eq3A_457 = vector.broadcast %eq3A_456 : i32 to vector<16xi32>
    %eq3A_458 = arith.cmpi eq, %select_n3A_372, %eq3A_457 : vector<16xi32>
    %all_reduce_population_count3A_459 = tpu.all_reduce %eq3A_458 {dim = 0 : i64, kind = #tpu.reduction_kind<sum>} : vector<16xi1> -> vector<16xi32>
    %eq3A_460 = arith.constant 5 : i32
    %eq3A_461 = vector.broadcast %eq3A_460 : i32 to vector<16xi32>
    %eq3A_462 = arith.cmpi eq, %iota3A, %eq3A_461 : vector<16xi32>
    %convert_element_type3A_463 = arith.sitofp %all_reduce_population_count3A_459 : vector<16xi32> to vector<16xf32>
    %jit3A_464 = arith.constant 0.000000e+00 : f32
    %broadcast_in_dim3A_465 = vector.broadcast %jit3A_464 : f32 to vector<16xf32>
    %select_n3A_466 = arith.select %eq3A_462, %convert_element_type3A_463, %broadcast_in_dim3A_465 : vector<16xi1>, vector<16xf32>
    %add3A_467 = arith.addf %add3A_455, %select_n3A_466 : vector<16xf32>
    %eq3A_468 = arith.constant 6 : i32
    %eq3A_469 = vector.broadcast %eq3A_468 : i32 to vector<16xi32>
    %eq3A_470 = arith.cmpi eq, %select_n3A_372, %eq3A_469 : vector<16xi32>
    %all_reduce_population_count3A_471 = tpu.all_reduce %eq3A_470 {dim = 0 : i64, kind = #tpu.reduction_kind<sum>} : vector<16xi1> -> vector<16xi32>
    %eq3A_472 = arith.constant 6 : i32
    %eq3A_473 = vector.broadcast %eq3A_472 : i32 to vector<16xi32>
    %eq3A_474 = arith.cmpi eq, %iota3A, %eq3A_473 : vector<16xi32>
    %convert_element_type3A_475 = arith.sitofp %all_reduce_population_count3A_471 : vector<16xi32> to vector<16xf32>
    %jit3A_476 = arith.constant 0.000000e+00 : f32
    %broadcast_in_dim3A_477 = vector.broadcast %jit3A_476 : f32 to vector<16xf32>
    %select_n3A_478 = arith.select %eq3A_474, %convert_element_type3A_475, %broadcast_in_dim3A_477 : vector<16xi1>, vector<16xf32>
    %add3A_479 = arith.addf %add3A_467, %select_n3A_478 : vector<16xf32>
    %eq3A_480 = arith.constant 7 : i32
    %eq3A_481 = vector.broadcast %eq3A_480 : i32 to vector<16xi32>
    %eq3A_482 = arith.cmpi eq, %select_n3A_372, %eq3A_481 : vector<16xi32>
    %all_reduce_population_count3A_483 = tpu.all_reduce %eq3A_482 {dim = 0 : i64, kind = #tpu.reduction_kind<sum>} : vector<16xi1> -> vector<16xi32>
    %eq3A_484 = arith.constant 7 : i32
    %eq3A_485 = vector.broadcast %eq3A_484 : i32 to vector<16xi32>
    %eq3A_486 = arith.cmpi eq, %iota3A, %eq3A_485 : vector<16xi32>
    %convert_element_type3A_487 = arith.sitofp %all_reduce_population_count3A_483 : vector<16xi32> to vector<16xf32>
    %jit3A_488 = arith.constant 0.000000e+00 : f32
    %broadcast_in_dim3A_489 = vector.broadcast %jit3A_488 : f32 to vector<16xf32>
    %select_n3A_490 = arith.select %eq3A_486, %convert_element_type3A_487, %broadcast_in_dim3A_489 : vector<16xi1>, vector<16xf32>
    %add3A_491 = arith.addf %add3A_479, %select_n3A_490 : vector<16xf32>
    %add3A_492 = arith.constant 32 : i32
    %add3A_493 = vector.broadcast %add3A_492 : i32 to vector<16xi32>
    %add3A_494 = arith.addi %iota3A, %add3A_493 : vector<16xi32>
    %broadcast_in_dim3A_495 = arith.constant 0 : i32
    %broadcast_in_dim3A_496 = vector.broadcast %broadcast_in_dim3A_495 : i32 to vector<16xi32>
    %gather3A_497 = tpu.vector_load_idx %arg6[%add3A_494, %broadcast_in_dim3A_496] : memref<128x24xf32, #tpu.memory_space<vmem>>[vector<16xi32>, vector<16xi32>], vector<16xf32>,
    %broadcast_in_dim3A_498 = arith.constant 0 : i32
    %broadcast_in_dim3A_499 = vector.broadcast %broadcast_in_dim3A_498 : i32 to vector<16xi32>
    %broadcast_in_dim3A_500 = arith.constant 1 : i32
    %broadcast_in_dim3A_501 = vector.broadcast %broadcast_in_dim3A_500 : i32 to vector<16xi32>
    %gather3A_502 = tpu.vector_load_idx %arg6[%add3A_494, %broadcast_in_dim3A_501] : memref<128x24xf32, #tpu.memory_space<vmem>>[vector<16xi32>, vector<16xi32>], vector<16xf32>,
    %gt3A_503 = arith.cmpf ogt, %gather3A_502, %gather3A_497 : vector<16xf32>
    %select_n3A_504 = arith.select %gt3A_503, %gather3A_502, %gather3A_497 : vector<16xi1>, vector<16xf32>
    %jit3A_505 = arith.constant 1 : i32
    %broadcast_in_dim3A_506 = vector.broadcast %jit3A_505 : i32 to vector<16xi32>
    %select_n3A_507 = arith.select %gt3A_503, %broadcast_in_dim3A_506, %broadcast_in_dim3A_499 : vector<16xi1>, vector<16xi32>
    %broadcast_in_dim3A_508 = arith.constant 2 : i32
    %broadcast_in_dim3A_509 = vector.broadcast %broadcast_in_dim3A_508 : i32 to vector<16xi32>
    %gather3A_510 = tpu.vector_load_idx %arg6[%add3A_494, %broadcast_in_dim3A_509] : memref<128x24xf32, #tpu.memory_space<vmem>>[vector<16xi32>, vector<16xi32>], vector<16xf32>,
    %gt3A_511 = arith.cmpf ogt, %gather3A_510, %select_n3A_504 : vector<16xf32>
    %select_n3A_512 = arith.select %gt3A_511, %gather3A_510, %select_n3A_504 : vector<16xi1>, vector<16xf32>
    %jit3A_513 = arith.constant 2 : i32
    %broadcast_in_dim3A_514 = vector.broadcast %jit3A_513 : i32 to vector<16xi32>
    %select_n3A_515 = arith.select %gt3A_511, %broadcast_in_dim3A_514, %select_n3A_507 : vector<16xi1>, vector<16xi32>
    %broadcast_in_dim3A_516 = arith.constant 3 : i32
    %broadcast_in_dim3A_517 = vector.broadcast %broadcast_in_dim3A_516 : i32 to vector<16xi32>
    %gather3A_518 = tpu.vector_load_idx %arg6[%add3A_494, %broadcast_in_dim3A_517] : memref<128x24xf32, #tpu.memory_space<vmem>>[vector<16xi32>, vector<16xi32>], vector<16xf32>,
    %gt3A_519 = arith.cmpf ogt, %gather3A_518, %select_n3A_512 : vector<16xf32>
    %select_n3A_520 = arith.select %gt3A_519, %gather3A_518, %select_n3A_512 : vector<16xi1>, vector<16xf32>
    %jit3A_521 = arith.constant 3 : i32
    %broadcast_in_dim3A_522 = vector.broadcast %jit3A_521 : i32 to vector<16xi32>
    %select_n3A_523 = arith.select %gt3A_519, %broadcast_in_dim3A_522, %select_n3A_515 : vector<16xi1>, vector<16xi32>
    %broadcast_in_dim3A_524 = arith.constant 4 : i32
    %broadcast_in_dim3A_525 = vector.broadcast %broadcast_in_dim3A_524 : i32 to vector<16xi32>
    %gather3A_526 = tpu.vector_load_idx %arg6[%add3A_494, %broadcast_in_dim3A_525] : memref<128x24xf32, #tpu.memory_space<vmem>>[vector<16xi32>, vector<16xi32>], vector<16xf32>,
    %gt3A_527 = arith.cmpf ogt, %gather3A_526, %select_n3A_520 : vector<16xf32>
    %select_n3A_528 = arith.select %gt3A_527, %gather3A_526, %select_n3A_520 : vector<16xi1>, vector<16xf32>
    %jit3A_529 = arith.constant 4 : i32
    %broadcast_in_dim3A_530 = vector.broadcast %jit3A_529 : i32 to vector<16xi32>
    %select_n3A_531 = arith.select %gt3A_527, %broadcast_in_dim3A_530, %select_n3A_523 : vector<16xi1>, vector<16xi32>
    %broadcast_in_dim3A_532 = arith.constant 5 : i32
    %broadcast_in_dim3A_533 = vector.broadcast %broadcast_in_dim3A_532 : i32 to vector<16xi32>
    %gather3A_534 = tpu.vector_load_idx %arg6[%add3A_494, %broadcast_in_dim3A_533] : memref<128x24xf32, #tpu.memory_space<vmem>>[vector<16xi32>, vector<16xi32>], vector<16xf32>,
    %gt3A_535 = arith.cmpf ogt, %gather3A_534, %select_n3A_528 : vector<16xf32>
    %select_n3A_536 = arith.select %gt3A_535, %gather3A_534, %select_n3A_528 : vector<16xi1>, vector<16xf32>
    %jit3A_537 = arith.constant 5 : i32
    %broadcast_in_dim3A_538 = vector.broadcast %jit3A_537 : i32 to vector<16xi32>
    %select_n3A_539 = arith.select %gt3A_535, %broadcast_in_dim3A_538, %select_n3A_531 : vector<16xi1>, vector<16xi32>
    %broadcast_in_dim3A_540 = arith.constant 6 : i32
    %broadcast_in_dim3A_541 = vector.broadcast %broadcast_in_dim3A_540 : i32 to vector<16xi32>
    %gather3A_542 = tpu.vector_load_idx %arg6[%add3A_494, %broadcast_in_dim3A_541] : memref<128x24xf32, #tpu.memory_space<vmem>>[vector<16xi32>, vector<16xi32>], vector<16xf32>,
    %gt3A_543 = arith.cmpf ogt, %gather3A_542, %select_n3A_536 : vector<16xf32>
    %select_n3A_544 = arith.select %gt3A_543, %gather3A_542, %select_n3A_536 : vector<16xi1>, vector<16xf32>
    %jit3A_545 = arith.constant 6 : i32
    %broadcast_in_dim3A_546 = vector.broadcast %jit3A_545 : i32 to vector<16xi32>
    %select_n3A_547 = arith.select %gt3A_543, %broadcast_in_dim3A_546, %select_n3A_539 : vector<16xi1>, vector<16xi32>
    %broadcast_in_dim3A_548 = arith.constant 7 : i32
    %broadcast_in_dim3A_549 = vector.broadcast %broadcast_in_dim3A_548 : i32 to vector<16xi32>
    %gather3A_550 = tpu.vector_load_idx %arg6[%add3A_494, %broadcast_in_dim3A_549] : memref<128x24xf32, #tpu.memory_space<vmem>>[vector<16xi32>, vector<16xi32>], vector<16xf32>,
    %gt3A_551 = arith.cmpf ogt, %gather3A_550, %select_n3A_544 : vector<16xf32>
    %select_n3A_552 = arith.select %gt3A_551, %gather3A_550, %select_n3A_544 : vector<16xi1>, vector<16xf32>
    %jit3A_553 = arith.constant 7 : i32
    %broadcast_in_dim3A_554 = vector.broadcast %jit3A_553 : i32 to vector<16xi32>
    %select_n3A_555 = arith.select %gt3A_551, %broadcast_in_dim3A_554, %select_n3A_547 : vector<16xi1>, vector<16xi32>
    %add3A_556 = arith.constant 8 : i32
    %add3A_557 = vector.broadcast %add3A_556 : i32 to vector<16xi32>
    %add3A_558 = arith.addi %select_n3A_555, %add3A_557 : vector<16xi32>
    %gather3A_559 = tpu.vector_load_idx %arg6[%add3A_494, %add3A_558] : memref<128x24xf32, #tpu.memory_space<vmem>>[vector<16xi32>, vector<16xi32>], vector<16xf32>,
    %add3A_560 = arith.constant 16 : i32
    %add3A_561 = vector.broadcast %add3A_560 : i32 to vector<16xi32>
    %add3A_562 = arith.addi %select_n3A_555, %add3A_561 : vector<16xi32>
    %gather3A_563 = tpu.vector_load_idx %arg6[%add3A_494, %add3A_562] : memref<128x24xf32, #tpu.memory_space<vmem>>[vector<16xi32>, vector<16xi32>], vector<16xf32>,
    %mul3A_564 = arith.constant 2 : i32
    %mul3A_565 = vector.broadcast %mul3A_564 : i32 to vector<16xi32>
    %mul3A_566 = arith.muli %add3A_494, %mul3A_565 : vector<16xi32>
    %mul3A_567 = arith.mulf %select_n3A_552, %gather3A_559 : vector<16xf32>
    tpu.vector_store_idx %arg7[%mul3A_566], %mul3A_567 : memref<256xf32, #tpu.memory_space<vmem>>[vector<16xi32>], vector<16xf32>,
    %mul3A_568 = arith.constant 2 : i32
    %mul3A_569 = vector.broadcast %mul3A_568 : i32 to vector<16xi32>
    %mul3A_570 = arith.muli %add3A_494, %mul3A_569 : vector<16xi32>
    %add3A_571 = arith.constant 1 : i32
    %add3A_572 = vector.broadcast %add3A_571 : i32 to vector<16xi32>
    %add3A_573 = arith.addi %mul3A_570, %add3A_572 : vector<16xi32>
    %mul3A_574 = arith.mulf %select_n3A_552, %gather3A_563 : vector<16xf32>
    tpu.vector_store_idx %arg7[%add3A_573], %mul3A_574 : memref<256xf32, #tpu.memory_space<vmem>>[vector<16xi32>], vector<16xf32>,
    %mul3A_575 = arith.constant 8 : i32
    %mul3A_576 = vector.broadcast %mul3A_575 : i32 to vector<16xi32>
    %mul3A_577 = arith.muli %add3A_494, %mul3A_576 : vector<16xi32>
    %add3A_578 = arith.addi %mul3A_577, %select_n3A_555 : vector<16xi32>
    tpu.vector_store_idx %arg8[%add3A_578], %broadcast_in_dim3A_132 : memref<1024xf32, #tpu.memory_space<vmem>>[vector<16xi32>], vector<16xf32>,
    %eq3A_579 = arith.constant 0 : i32
    %eq3A_580 = vector.broadcast %eq3A_579 : i32 to vector<16xi32>
    %eq3A_581 = arith.cmpi eq, %select_n3A_555, %eq3A_580 : vector<16xi32>
    %all_reduce_population_count3A_582 = tpu.all_reduce %eq3A_581 {dim = 0 : i64, kind = #tpu.reduction_kind<sum>} : vector<16xi1> -> vector<16xi32>
    %eq3A_583 = arith.constant 0 : i32
    %eq3A_584 = vector.broadcast %eq3A_583 : i32 to vector<16xi32>
    %eq3A_585 = arith.cmpi eq, %iota3A, %eq3A_584 : vector<16xi32>
    %convert_element_type3A_586 = arith.sitofp %all_reduce_population_count3A_582 : vector<16xi32> to vector<16xf32>
    %jit3A_587 = arith.constant 0.000000e+00 : f32
    %broadcast_in_dim3A_588 = vector.broadcast %jit3A_587 : f32 to vector<16xf32>
    %select_n3A_589 = arith.select %eq3A_585, %convert_element_type3A_586, %broadcast_in_dim3A_588 : vector<16xi1>, vector<16xf32>
    %add3A_590 = arith.addf %add3A_491, %select_n3A_589 : vector<16xf32>
    %eq3A_591 = arith.constant 1 : i32
    %eq3A_592 = vector.broadcast %eq3A_591 : i32 to vector<16xi32>
    %eq3A_593 = arith.cmpi eq, %select_n3A_555, %eq3A_592 : vector<16xi32>
    %all_reduce_population_count3A_594 = tpu.all_reduce %eq3A_593 {dim = 0 : i64, kind = #tpu.reduction_kind<sum>} : vector<16xi1> -> vector<16xi32>
    %eq3A_595 = arith.constant 1 : i32
    %eq3A_596 = vector.broadcast %eq3A_595 : i32 to vector<16xi32>
    %eq3A_597 = arith.cmpi eq, %iota3A, %eq3A_596 : vector<16xi32>
    %convert_element_type3A_598 = arith.sitofp %all_reduce_population_count3A_594 : vector<16xi32> to vector<16xf32>
    %jit3A_599 = arith.constant 0.000000e+00 : f32
    %broadcast_in_dim3A_600 = vector.broadcast %jit3A_599 : f32 to vector<16xf32>
    %select_n3A_601 = arith.select %eq3A_597, %convert_element_type3A_598, %broadcast_in_dim3A_600 : vector<16xi1>, vector<16xf32>
    %add3A_602 = arith.addf %add3A_590, %select_n3A_601 : vector<16xf32>
    %eq3A_603 = arith.constant 2 : i32
    %eq3A_604 = vector.broadcast %eq3A_603 : i32 to vector<16xi32>
    %eq3A_605 = arith.cmpi eq, %select_n3A_555, %eq3A_604 : vector<16xi32>
    %all_reduce_population_count3A_606 = tpu.all_reduce %eq3A_605 {dim = 0 : i64, kind = #tpu.reduction_kind<sum>} : vector<16xi1> -> vector<16xi32>
    %eq3A_607 = arith.constant 2 : i32
    %eq3A_608 = vector.broadcast %eq3A_607 : i32 to vector<16xi32>
    %eq3A_609 = arith.cmpi eq, %iota3A, %eq3A_608 : vector<16xi32>
    %convert_element_type3A_610 = arith.sitofp %all_reduce_population_count3A_606 : vector<16xi32> to vector<16xf32>
    %jit3A_611 = arith.constant 0.000000e+00 : f32
    %broadcast_in_dim3A_612 = vector.broadcast %jit3A_611 : f32 to vector<16xf32>
    %select_n3A_613 = arith.select %eq3A_609, %convert_element_type3A_610, %broadcast_in_dim3A_612 : vector<16xi1>, vector<16xf32>
    %add3A_614 = arith.addf %add3A_602, %select_n3A_613 : vector<16xf32>
    %eq3A_615 = arith.constant 3 : i32
    %eq3A_616 = vector.broadcast %eq3A_615 : i32 to vector<16xi32>
    %eq3A_617 = arith.cmpi eq, %select_n3A_555, %eq3A_616 : vector<16xi32>
    %all_reduce_population_count3A_618 = tpu.all_reduce %eq3A_617 {dim = 0 : i64, kind = #tpu.reduction_kind<sum>} : vector<16xi1> -> vector<16xi32>
    %eq3A_619 = arith.constant 3 : i32
    %eq3A_620 = vector.broadcast %eq3A_619 : i32 to vector<16xi32>
    %eq3A_621 = arith.cmpi eq, %iota3A, %eq3A_620 : vector<16xi32>
    %convert_element_type3A_622 = arith.sitofp %all_reduce_population_count3A_618 : vector<16xi32> to vector<16xf32>
    %jit3A_623 = arith.constant 0.000000e+00 : f32
    %broadcast_in_dim3A_624 = vector.broadcast %jit3A_623 : f32 to vector<16xf32>
    %select_n3A_625 = arith.select %eq3A_621, %convert_element_type3A_622, %broadcast_in_dim3A_624 : vector<16xi1>, vector<16xf32>
    %add3A_626 = arith.addf %add3A_614, %select_n3A_625 : vector<16xf32>
    %eq3A_627 = arith.constant 4 : i32
    %eq3A_628 = vector.broadcast %eq3A_627 : i32 to vector<16xi32>
    %eq3A_629 = arith.cmpi eq, %select_n3A_555, %eq3A_628 : vector<16xi32>
    %all_reduce_population_count3A_630 = tpu.all_reduce %eq3A_629 {dim = 0 : i64, kind = #tpu.reduction_kind<sum>} : vector<16xi1> -> vector<16xi32>
    %eq3A_631 = arith.constant 4 : i32
    %eq3A_632 = vector.broadcast %eq3A_631 : i32 to vector<16xi32>
    %eq3A_633 = arith.cmpi eq, %iota3A, %eq3A_632 : vector<16xi32>
    %convert_element_type3A_634 = arith.sitofp %all_reduce_population_count3A_630 : vector<16xi32> to vector<16xf32>
    %jit3A_635 = arith.constant 0.000000e+00 : f32
    %broadcast_in_dim3A_636 = vector.broadcast %jit3A_635 : f32 to vector<16xf32>
    %select_n3A_637 = arith.select %eq3A_633, %convert_element_type3A_634, %broadcast_in_dim3A_636 : vector<16xi1>, vector<16xf32>
    %add3A_638 = arith.addf %add3A_626, %select_n3A_637 : vector<16xf32>
    %eq3A_639 = arith.constant 5 : i32
    %eq3A_640 = vector.broadcast %eq3A_639 : i32 to vector<16xi32>
    %eq3A_641 = arith.cmpi eq, %select_n3A_555, %eq3A_640 : vector<16xi32>
    %all_reduce_population_count3A_642 = tpu.all_reduce %eq3A_641 {dim = 0 : i64, kind = #tpu.reduction_kind<sum>} : vector<16xi1> -> vector<16xi32>
    %eq3A_643 = arith.constant 5 : i32
    %eq3A_644 = vector.broadcast %eq3A_643 : i32 to vector<16xi32>
    %eq3A_645 = arith.cmpi eq, %iota3A, %eq3A_644 : vector<16xi32>
    %convert_element_type3A_646 = arith.sitofp %all_reduce_population_count3A_642 : vector<16xi32> to vector<16xf32>
    %jit3A_647 = arith.constant 0.000000e+00 : f32
    %broadcast_in_dim3A_648 = vector.broadcast %jit3A_647 : f32 to vector<16xf32>
    %select_n3A_649 = arith.select %eq3A_645, %convert_element_type3A_646, %broadcast_in_dim3A_648 : vector<16xi1>, vector<16xf32>
    %add3A_650 = arith.addf %add3A_638, %select_n3A_649 : vector<16xf32>
    %eq3A_651 = arith.constant 6 : i32
    %eq3A_652 = vector.broadcast %eq3A_651 : i32 to vector<16xi32>
    %eq3A_653 = arith.cmpi eq, %select_n3A_555, %eq3A_652 : vector<16xi32>
    %all_reduce_population_count3A_654 = tpu.all_reduce %eq3A_653 {dim = 0 : i64, kind = #tpu.reduction_kind<sum>} : vector<16xi1> -> vector<16xi32>
    %eq3A_655 = arith.constant 6 : i32
    %eq3A_656 = vector.broadcast %eq3A_655 : i32 to vector<16xi32>
    %eq3A_657 = arith.cmpi eq, %iota3A, %eq3A_656 : vector<16xi32>
    %convert_element_type3A_658 = arith.sitofp %all_reduce_population_count3A_654 : vector<16xi32> to vector<16xf32>
    %jit3A_659 = arith.constant 0.000000e+00 : f32
    %broadcast_in_dim3A_660 = vector.broadcast %jit3A_659 : f32 to vector<16xf32>
    %select_n3A_661 = arith.select %eq3A_657, %convert_element_type3A_658, %broadcast_in_dim3A_660 : vector<16xi1>, vector<16xf32>
    %add3A_662 = arith.addf %add3A_650, %select_n3A_661 : vector<16xf32>
    %eq3A_663 = arith.constant 7 : i32
    %eq3A_664 = vector.broadcast %eq3A_663 : i32 to vector<16xi32>
    %eq3A_665 = arith.cmpi eq, %select_n3A_555, %eq3A_664 : vector<16xi32>
    %all_reduce_population_count3A_666 = tpu.all_reduce %eq3A_665 {dim = 0 : i64, kind = #tpu.reduction_kind<sum>} : vector<16xi1> -> vector<16xi32>
    %eq3A_667 = arith.constant 7 : i32
    %eq3A_668 = vector.broadcast %eq3A_667 : i32 to vector<16xi32>
    %eq3A_669 = arith.cmpi eq, %iota3A, %eq3A_668 : vector<16xi32>
    %convert_element_type3A_670 = arith.sitofp %all_reduce_population_count3A_666 : vector<16xi32> to vector<16xf32>
    %jit3A_671 = arith.constant 0.000000e+00 : f32
    %broadcast_in_dim3A_672 = vector.broadcast %jit3A_671 : f32 to vector<16xf32>
    %select_n3A_673 = arith.select %eq3A_669, %convert_element_type3A_670, %broadcast_in_dim3A_672 : vector<16xi1>, vector<16xf32>
    %add3A_674 = arith.addf %add3A_662, %select_n3A_673 : vector<16xf32>
    %add3A_675 = arith.constant 48 : i32
    %add3A_676 = vector.broadcast %add3A_675 : i32 to vector<16xi32>
    %add3A_677 = arith.addi %iota3A, %add3A_676 : vector<16xi32>
    %broadcast_in_dim3A_678 = arith.constant 0 : i32
    %broadcast_in_dim3A_679 = vector.broadcast %broadcast_in_dim3A_678 : i32 to vector<16xi32>
    %gather3A_680 = tpu.vector_load_idx %arg6[%add3A_677, %broadcast_in_dim3A_679] : memref<128x24xf32, #tpu.memory_space<vmem>>[vector<16xi32>, vector<16xi32>], vector<16xf32>,
    %broadcast_in_dim3A_681 = arith.constant 0 : i32
    %broadcast_in_dim3A_682 = vector.broadcast %broadcast_in_dim3A_681 : i32 to vector<16xi32>
    %broadcast_in_dim3A_683 = arith.constant 1 : i32
    %broadcast_in_dim3A_684 = vector.broadcast %broadcast_in_dim3A_683 : i32 to vector<16xi32>
    %gather3A_685 = tpu.vector_load_idx %arg6[%add3A_677, %broadcast_in_dim3A_684] : memref<128x24xf32, #tpu.memory_space<vmem>>[vector<16xi32>, vector<16xi32>], vector<16xf32>,
    %gt3A_686 = arith.cmpf ogt, %gather3A_685, %gather3A_680 : vector<16xf32>
    %select_n3A_687 = arith.select %gt3A_686, %gather3A_685, %gather3A_680 : vector<16xi1>, vector<16xf32>
    %jit3A_688 = arith.constant 1 : i32
    %broadcast_in_dim3A_689 = vector.broadcast %jit3A_688 : i32 to vector<16xi32>
    %select_n3A_690 = arith.select %gt3A_686, %broadcast_in_dim3A_689, %broadcast_in_dim3A_682 : vector<16xi1>, vector<16xi32>
    %broadcast_in_dim3A_691 = arith.constant 2 : i32
    %broadcast_in_dim3A_692 = vector.broadcast %broadcast_in_dim3A_691 : i32 to vector<16xi32>
    %gather3A_693 = tpu.vector_load_idx %arg6[%add3A_677, %broadcast_in_dim3A_692] : memref<128x24xf32, #tpu.memory_space<vmem>>[vector<16xi32>, vector<16xi32>], vector<16xf32>,
    %gt3A_694 = arith.cmpf ogt, %gather3A_693, %select_n3A_687 : vector<16xf32>
    %select_n3A_695 = arith.select %gt3A_694, %gather3A_693, %select_n3A_687 : vector<16xi1>, vector<16xf32>
    %jit3A_696 = arith.constant 2 : i32
    %broadcast_in_dim3A_697 = vector.broadcast %jit3A_696 : i32 to vector<16xi32>
    %select_n3A_698 = arith.select %gt3A_694, %broadcast_in_dim3A_697, %select_n3A_690 : vector<16xi1>, vector<16xi32>
    %broadcast_in_dim3A_699 = arith.constant 3 : i32
    %broadcast_in_dim3A_700 = vector.broadcast %broadcast_in_dim3A_699 : i32 to vector<16xi32>
    %gather3A_701 = tpu.vector_load_idx %arg6[%add3A_677, %broadcast_in_dim3A_700] : memref<128x24xf32, #tpu.memory_space<vmem>>[vector<16xi32>, vector<16xi32>], vector<16xf32>,
    %gt3A_702 = arith.cmpf ogt, %gather3A_701, %select_n3A_695 : vector<16xf32>
    %select_n3A_703 = arith.select %gt3A_702, %gather3A_701, %select_n3A_695 : vector<16xi1>, vector<16xf32>
    %jit3A_704 = arith.constant 3 : i32
    %broadcast_in_dim3A_705 = vector.broadcast %jit3A_704 : i32 to vector<16xi32>
    %select_n3A_706 = arith.select %gt3A_702, %broadcast_in_dim3A_705, %select_n3A_698 : vector<16xi1>, vector<16xi32>
    %broadcast_in_dim3A_707 = arith.constant 4 : i32
    %broadcast_in_dim3A_708 = vector.broadcast %broadcast_in_dim3A_707 : i32 to vector<16xi32>
    %gather3A_709 = tpu.vector_load_idx %arg6[%add3A_677, %broadcast_in_dim3A_708] : memref<128x24xf32, #tpu.memory_space<vmem>>[vector<16xi32>, vector<16xi32>], vector<16xf32>,
    %gt3A_710 = arith.cmpf ogt, %gather3A_709, %select_n3A_703 : vector<16xf32>
    %select_n3A_711 = arith.select %gt3A_710, %gather3A_709, %select_n3A_703 : vector<16xi1>, vector<16xf32>
    %jit3A_712 = arith.constant 4 : i32
    %broadcast_in_dim3A_713 = vector.broadcast %jit3A_712 : i32 to vector<16xi32>
    %select_n3A_714 = arith.select %gt3A_710, %broadcast_in_dim3A_713, %select_n3A_706 : vector<16xi1>, vector<16xi32>
    %broadcast_in_dim3A_715 = arith.constant 5 : i32
    %broadcast_in_dim3A_716 = vector.broadcast %broadcast_in_dim3A_715 : i32 to vector<16xi32>
    %gather3A_717 = tpu.vector_load_idx %arg6[%add3A_677, %broadcast_in_dim3A_716] : memref<128x24xf32, #tpu.memory_space<vmem>>[vector<16xi32>, vector<16xi32>], vector<16xf32>,
    %gt3A_718 = arith.cmpf ogt, %gather3A_717, %select_n3A_711 : vector<16xf32>
    %select_n3A_719 = arith.select %gt3A_718, %gather3A_717, %select_n3A_711 : vector<16xi1>, vector<16xf32>
    %jit3A_720 = arith.constant 5 : i32
    %broadcast_in_dim3A_721 = vector.broadcast %jit3A_720 : i32 to vector<16xi32>
    %select_n3A_722 = arith.select %gt3A_718, %broadcast_in_dim3A_721, %select_n3A_714 : vector<16xi1>, vector<16xi32>
    %broadcast_in_dim3A_723 = arith.constant 6 : i32
    %broadcast_in_dim3A_724 = vector.broadcast %broadcast_in_dim3A_723 : i32 to vector<16xi32>
    %gather3A_725 = tpu.vector_load_idx %arg6[%add3A_677, %broadcast_in_dim3A_724] : memref<128x24xf32, #tpu.memory_space<vmem>>[vector<16xi32>, vector<16xi32>], vector<16xf32>,
    %gt3A_726 = arith.cmpf ogt, %gather3A_725, %select_n3A_719 : vector<16xf32>
    %select_n3A_727 = arith.select %gt3A_726, %gather3A_725, %select_n3A_719 : vector<16xi1>, vector<16xf32>
    %jit3A_728 = arith.constant 6 : i32
    %broadcast_in_dim3A_729 = vector.broadcast %jit3A_728 : i32 to vector<16xi32>
    %select_n3A_730 = arith.select %gt3A_726, %broadcast_in_dim3A_729, %select_n3A_722 : vector<16xi1>, vector<16xi32>
    %broadcast_in_dim3A_731 = arith.constant 7 : i32
    %broadcast_in_dim3A_732 = vector.broadcast %broadcast_in_dim3A_731 : i32 to vector<16xi32>
    %gather3A_733 = tpu.vector_load_idx %arg6[%add3A_677, %broadcast_in_dim3A_732] : memref<128x24xf32, #tpu.memory_space<vmem>>[vector<16xi32>, vector<16xi32>], vector<16xf32>,
    %gt3A_734 = arith.cmpf ogt, %gather3A_733, %select_n3A_727 : vector<16xf32>
    %select_n3A_735 = arith.select %gt3A_734, %gather3A_733, %select_n3A_727 : vector<16xi1>, vector<16xf32>
    %jit3A_736 = arith.constant 7 : i32
    %broadcast_in_dim3A_737 = vector.broadcast %jit3A_736 : i32 to vector<16xi32>
    %select_n3A_738 = arith.select %gt3A_734, %broadcast_in_dim3A_737, %select_n3A_730 : vector<16xi1>, vector<16xi32>
    %add3A_739 = arith.constant 8 : i32
    %add3A_740 = vector.broadcast %add3A_739 : i32 to vector<16xi32>
    %add3A_741 = arith.addi %select_n3A_738, %add3A_740 : vector<16xi32>
    %gather3A_742 = tpu.vector_load_idx %arg6[%add3A_677, %add3A_741] : memref<128x24xf32, #tpu.memory_space<vmem>>[vector<16xi32>, vector<16xi32>], vector<16xf32>,
    %add3A_743 = arith.constant 16 : i32
    %add3A_744 = vector.broadcast %add3A_743 : i32 to vector<16xi32>
    %add3A_745 = arith.addi %select_n3A_738, %add3A_744 : vector<16xi32>
    %gather3A_746 = tpu.vector_load_idx %arg6[%add3A_677, %add3A_745] : memref<128x24xf32, #tpu.memory_space<vmem>>[vector<16xi32>, vector<16xi32>], vector<16xf32>,
    %mul3A_747 = arith.constant 2 : i32
    %mul3A_748 = vector.broadcast %mul3A_747 : i32 to vector<16xi32>
    %mul3A_749 = arith.muli %add3A_677, %mul3A_748 : vector<16xi32>
    %mul3A_750 = arith.mulf %select_n3A_735, %gather3A_742 : vector<16xf32>
    tpu.vector_store_idx %arg7[%mul3A_749], %mul3A_750 : memref<256xf32, #tpu.memory_space<vmem>>[vector<16xi32>], vector<16xf32>,
    %mul3A_751 = arith.constant 2 : i32
    %mul3A_752 = vector.broadcast %mul3A_751 : i32 to vector<16xi32>
    %mul3A_753 = arith.muli %add3A_677, %mul3A_752 : vector<16xi32>
    %add3A_754 = arith.constant 1 : i32
    %add3A_755 = vector.broadcast %add3A_754 : i32 to vector<16xi32>
    %add3A_756 = arith.addi %mul3A_753, %add3A_755 : vector<16xi32>
    %mul3A_757 = arith.mulf %select_n3A_735, %gather3A_746 : vector<16xf32>
    tpu.vector_store_idx %arg7[%add3A_756], %mul3A_757 : memref<256xf32, #tpu.memory_space<vmem>>[vector<16xi32>], vector<16xf32>,
    %mul3A_758 = arith.constant 8 : i32
    %mul3A_759 = vector.broadcast %mul3A_758 : i32 to vector<16xi32>
    %mul3A_760 = arith.muli %add3A_677, %mul3A_759 : vector<16xi32>
    %add3A_761 = arith.addi %mul3A_760, %select_n3A_738 : vector<16xi32>
    tpu.vector_store_idx %arg8[%add3A_761], %broadcast_in_dim3A_132 : memref<1024xf32, #tpu.memory_space<vmem>>[vector<16xi32>], vector<16xf32>,
    %eq3A_762 = arith.constant 0 : i32
    %eq3A_763 = vector.broadcast %eq3A_762 : i32 to vector<16xi32>
    %eq3A_764 = arith.cmpi eq, %select_n3A_738, %eq3A_763 : vector<16xi32>
    %all_reduce_population_count3A_765 = tpu.all_reduce %eq3A_764 {dim = 0 : i64, kind = #tpu.reduction_kind<sum>} : vector<16xi1> -> vector<16xi32>
    %eq3A_766 = arith.constant 0 : i32
    %eq3A_767 = vector.broadcast %eq3A_766 : i32 to vector<16xi32>
    %eq3A_768 = arith.cmpi eq, %iota3A, %eq3A_767 : vector<16xi32>
    %convert_element_type3A_769 = arith.sitofp %all_reduce_population_count3A_765 : vector<16xi32> to vector<16xf32>
    %jit3A_770 = arith.constant 0.000000e+00 : f32
    %broadcast_in_dim3A_771 = vector.broadcast %jit3A_770 : f32 to vector<16xf32>
    %select_n3A_772 = arith.select %eq3A_768, %convert_element_type3A_769, %broadcast_in_dim3A_771 : vector<16xi1>, vector<16xf32>
    %add3A_773 = arith.addf %add3A_674, %select_n3A_772 : vector<16xf32>
    %eq3A_774 = arith.constant 1 : i32
    %eq3A_775 = vector.broadcast %eq3A_774 : i32 to vector<16xi32>
    %eq3A_776 = arith.cmpi eq, %select_n3A_738, %eq3A_775 : vector<16xi32>
    %all_reduce_population_count3A_777 = tpu.all_reduce %eq3A_776 {dim = 0 : i64, kind = #tpu.reduction_kind<sum>} : vector<16xi1> -> vector<16xi32>
    %eq3A_778 = arith.constant 1 : i32
    %eq3A_779 = vector.broadcast %eq3A_778 : i32 to vector<16xi32>
    %eq3A_780 = arith.cmpi eq, %iota3A, %eq3A_779 : vector<16xi32>
    %convert_element_type3A_781 = arith.sitofp %all_reduce_population_count3A_777 : vector<16xi32> to vector<16xf32>
    %jit3A_782 = arith.constant 0.000000e+00 : f32
    %broadcast_in_dim3A_783 = vector.broadcast %jit3A_782 : f32 to vector<16xf32>
    %select_n3A_784 = arith.select %eq3A_780, %convert_element_type3A_781, %broadcast_in_dim3A_783 : vector<16xi1>, vector<16xf32>
    %add3A_785 = arith.addf %add3A_773, %select_n3A_784 : vector<16xf32>
    %eq3A_786 = arith.constant 2 : i32
    %eq3A_787 = vector.broadcast %eq3A_786 : i32 to vector<16xi32>
    %eq3A_788 = arith.cmpi eq, %select_n3A_738, %eq3A_787 : vector<16xi32>
    %all_reduce_population_count3A_789 = tpu.all_reduce %eq3A_788 {dim = 0 : i64, kind = #tpu.reduction_kind<sum>} : vector<16xi1> -> vector<16xi32>
    %eq3A_790 = arith.constant 2 : i32
    %eq3A_791 = vector.broadcast %eq3A_790 : i32 to vector<16xi32>
    %eq3A_792 = arith.cmpi eq, %iota3A, %eq3A_791 : vector<16xi32>
    %convert_element_type3A_793 = arith.sitofp %all_reduce_population_count3A_789 : vector<16xi32> to vector<16xf32>
    %jit3A_794 = arith.constant 0.000000e+00 : f32
    %broadcast_in_dim3A_795 = vector.broadcast %jit3A_794 : f32 to vector<16xf32>
    %select_n3A_796 = arith.select %eq3A_792, %convert_element_type3A_793, %broadcast_in_dim3A_795 : vector<16xi1>, vector<16xf32>
    %add3A_797 = arith.addf %add3A_785, %select_n3A_796 : vector<16xf32>
    %eq3A_798 = arith.constant 3 : i32
    %eq3A_799 = vector.broadcast %eq3A_798 : i32 to vector<16xi32>
    %eq3A_800 = arith.cmpi eq, %select_n3A_738, %eq3A_799 : vector<16xi32>
    %all_reduce_population_count3A_801 = tpu.all_reduce %eq3A_800 {dim = 0 : i64, kind = #tpu.reduction_kind<sum>} : vector<16xi1> -> vector<16xi32>
    %eq3A_802 = arith.constant 3 : i32
    %eq3A_803 = vector.broadcast %eq3A_802 : i32 to vector<16xi32>
    %eq3A_804 = arith.cmpi eq, %iota3A, %eq3A_803 : vector<16xi32>
    %convert_element_type3A_805 = arith.sitofp %all_reduce_population_count3A_801 : vector<16xi32> to vector<16xf32>
    %jit3A_806 = arith.constant 0.000000e+00 : f32
    %broadcast_in_dim3A_807 = vector.broadcast %jit3A_806 : f32 to vector<16xf32>
    %select_n3A_808 = arith.select %eq3A_804, %convert_element_type3A_805, %broadcast_in_dim3A_807 : vector<16xi1>, vector<16xf32>
    %add3A_809 = arith.addf %add3A_797, %select_n3A_808 : vector<16xf32>
    %eq3A_810 = arith.constant 4 : i32
    %eq3A_811 = vector.broadcast %eq3A_810 : i32 to vector<16xi32>
    %eq3A_812 = arith.cmpi eq, %select_n3A_738, %eq3A_811 : vector<16xi32>
    %all_reduce_population_count3A_813 = tpu.all_reduce %eq3A_812 {dim = 0 : i64, kind = #tpu.reduction_kind<sum>} : vector<16xi1> -> vector<16xi32>
    %eq3A_814 = arith.constant 4 : i32
    %eq3A_815 = vector.broadcast %eq3A_814 : i32 to vector<16xi32>
    %eq3A_816 = arith.cmpi eq, %iota3A, %eq3A_815 : vector<16xi32>
    %convert_element_type3A_817 = arith.sitofp %all_reduce_population_count3A_813 : vector<16xi32> to vector<16xf32>
    %jit3A_818 = arith.constant 0.000000e+00 : f32
    %broadcast_in_dim3A_819 = vector.broadcast %jit3A_818 : f32 to vector<16xf32>
    %select_n3A_820 = arith.select %eq3A_816, %convert_element_type3A_817, %broadcast_in_dim3A_819 : vector<16xi1>, vector<16xf32>
    %add3A_821 = arith.addf %add3A_809, %select_n3A_820 : vector<16xf32>
    %eq3A_822 = arith.constant 5 : i32
    %eq3A_823 = vector.broadcast %eq3A_822 : i32 to vector<16xi32>
    %eq3A_824 = arith.cmpi eq, %select_n3A_738, %eq3A_823 : vector<16xi32>
    %all_reduce_population_count3A_825 = tpu.all_reduce %eq3A_824 {dim = 0 : i64, kind = #tpu.reduction_kind<sum>} : vector<16xi1> -> vector<16xi32>
    %eq3A_826 = arith.constant 5 : i32
    %eq3A_827 = vector.broadcast %eq3A_826 : i32 to vector<16xi32>
    %eq3A_828 = arith.cmpi eq, %iota3A, %eq3A_827 : vector<16xi32>
    %convert_element_type3A_829 = arith.sitofp %all_reduce_population_count3A_825 : vector<16xi32> to vector<16xf32>
    %jit3A_830 = arith.constant 0.000000e+00 : f32
    %broadcast_in_dim3A_831 = vector.broadcast %jit3A_830 : f32 to vector<16xf32>
    %select_n3A_832 = arith.select %eq3A_828, %convert_element_type3A_829, %broadcast_in_dim3A_831 : vector<16xi1>, vector<16xf32>
    %add3A_833 = arith.addf %add3A_821, %select_n3A_832 : vector<16xf32>
    %eq3A_834 = arith.constant 6 : i32
    %eq3A_835 = vector.broadcast %eq3A_834 : i32 to vector<16xi32>
    %eq3A_836 = arith.cmpi eq, %select_n3A_738, %eq3A_835 : vector<16xi32>
    %all_reduce_population_count3A_837 = tpu.all_reduce %eq3A_836 {dim = 0 : i64, kind = #tpu.reduction_kind<sum>} : vector<16xi1> -> vector<16xi32>
    %eq3A_838 = arith.constant 6 : i32
    %eq3A_839 = vector.broadcast %eq3A_838 : i32 to vector<16xi32>
    %eq3A_840 = arith.cmpi eq, %iota3A, %eq3A_839 : vector<16xi32>
    %convert_element_type3A_841 = arith.sitofp %all_reduce_population_count3A_837 : vector<16xi32> to vector<16xf32>
    %jit3A_842 = arith.constant 0.000000e+00 : f32
    %broadcast_in_dim3A_843 = vector.broadcast %jit3A_842 : f32 to vector<16xf32>
    %select_n3A_844 = arith.select %eq3A_840, %convert_element_type3A_841, %broadcast_in_dim3A_843 : vector<16xi1>, vector<16xf32>
    %add3A_845 = arith.addf %add3A_833, %select_n3A_844 : vector<16xf32>
    %eq3A_846 = arith.constant 7 : i32
    %eq3A_847 = vector.broadcast %eq3A_846 : i32 to vector<16xi32>
    %eq3A_848 = arith.cmpi eq, %select_n3A_738, %eq3A_847 : vector<16xi32>
    %all_reduce_population_count3A_849 = tpu.all_reduce %eq3A_848 {dim = 0 : i64, kind = #tpu.reduction_kind<sum>} : vector<16xi1> -> vector<16xi32>
    %eq3A_850 = arith.constant 7 : i32
    %eq3A_851 = vector.broadcast %eq3A_850 : i32 to vector<16xi32>
    %eq3A_852 = arith.cmpi eq, %iota3A, %eq3A_851 : vector<16xi32>
    %convert_element_type3A_853 = arith.sitofp %all_reduce_population_count3A_849 : vector<16xi32> to vector<16xf32>
    %jit3A_854 = arith.constant 0.000000e+00 : f32
    %broadcast_in_dim3A_855 = vector.broadcast %jit3A_854 : f32 to vector<16xf32>
    %select_n3A_856 = arith.select %eq3A_852, %convert_element_type3A_853, %broadcast_in_dim3A_855 : vector<16xi1>, vector<16xf32>
    %add3A_857 = arith.addf %add3A_845, %select_n3A_856 : vector<16xf32>
    %add3A_858 = arith.constant 64 : i32
    %add3A_859 = vector.broadcast %add3A_858 : i32 to vector<16xi32>
    %add3A_860 = arith.addi %iota3A, %add3A_859 : vector<16xi32>
    %broadcast_in_dim3A_861 = arith.constant 0 : i32
    %broadcast_in_dim3A_862 = vector.broadcast %broadcast_in_dim3A_861 : i32 to vector<16xi32>
    %gather3A_863 = tpu.vector_load_idx %arg6[%add3A_860, %broadcast_in_dim3A_862] : memref<128x24xf32, #tpu.memory_space<vmem>>[vector<16xi32>, vector<16xi32>], vector<16xf32>,
    %broadcast_in_dim3A_864 = arith.constant 0 : i32
    %broadcast_in_dim3A_865 = vector.broadcast %broadcast_in_dim3A_864 : i32 to vector<16xi32>
    %broadcast_in_dim3A_866 = arith.constant 1 : i32
    %broadcast_in_dim3A_867 = vector.broadcast %broadcast_in_dim3A_866 : i32 to vector<16xi32>
    %gather3A_868 = tpu.vector_load_idx %arg6[%add3A_860, %broadcast_in_dim3A_867] : memref<128x24xf32, #tpu.memory_space<vmem>>[vector<16xi32>, vector<16xi32>], vector<16xf32>,
    %gt3A_869 = arith.cmpf ogt, %gather3A_868, %gather3A_863 : vector<16xf32>
    %select_n3A_870 = arith.select %gt3A_869, %gather3A_868, %gather3A_863 : vector<16xi1>, vector<16xf32>
    %jit3A_871 = arith.constant 1 : i32
    %broadcast_in_dim3A_872 = vector.broadcast %jit3A_871 : i32 to vector<16xi32>
    %select_n3A_873 = arith.select %gt3A_869, %broadcast_in_dim3A_872, %broadcast_in_dim3A_865 : vector<16xi1>, vector<16xi32>
    %broadcast_in_dim3A_874 = arith.constant 2 : i32
    %broadcast_in_dim3A_875 = vector.broadcast %broadcast_in_dim3A_874 : i32 to vector<16xi32>
    %gather3A_876 = tpu.vector_load_idx %arg6[%add3A_860, %broadcast_in_dim3A_875] : memref<128x24xf32, #tpu.memory_space<vmem>>[vector<16xi32>, vector<16xi32>], vector<16xf32>,
    %gt3A_877 = arith.cmpf ogt, %gather3A_876, %select_n3A_870 : vector<16xf32>
    %select_n3A_878 = arith.select %gt3A_877, %gather3A_876, %select_n3A_870 : vector<16xi1>, vector<16xf32>
    %jit3A_879 = arith.constant 2 : i32
    %broadcast_in_dim3A_880 = vector.broadcast %jit3A_879 : i32 to vector<16xi32>
    %select_n3A_881 = arith.select %gt3A_877, %broadcast_in_dim3A_880, %select_n3A_873 : vector<16xi1>, vector<16xi32>
    %broadcast_in_dim3A_882 = arith.constant 3 : i32
    %broadcast_in_dim3A_883 = vector.broadcast %broadcast_in_dim3A_882 : i32 to vector<16xi32>
    %gather3A_884 = tpu.vector_load_idx %arg6[%add3A_860, %broadcast_in_dim3A_883] : memref<128x24xf32, #tpu.memory_space<vmem>>[vector<16xi32>, vector<16xi32>], vector<16xf32>,
    %gt3A_885 = arith.cmpf ogt, %gather3A_884, %select_n3A_878 : vector<16xf32>
    %select_n3A_886 = arith.select %gt3A_885, %gather3A_884, %select_n3A_878 : vector<16xi1>, vector<16xf32>
    %jit3A_887 = arith.constant 3 : i32
    %broadcast_in_dim3A_888 = vector.broadcast %jit3A_887 : i32 to vector<16xi32>
    %select_n3A_889 = arith.select %gt3A_885, %broadcast_in_dim3A_888, %select_n3A_881 : vector<16xi1>, vector<16xi32>
    %broadcast_in_dim3A_890 = arith.constant 4 : i32
    %broadcast_in_dim3A_891 = vector.broadcast %broadcast_in_dim3A_890 : i32 to vector<16xi32>
    %gather3A_892 = tpu.vector_load_idx %arg6[%add3A_860, %broadcast_in_dim3A_891] : memref<128x24xf32, #tpu.memory_space<vmem>>[vector<16xi32>, vector<16xi32>], vector<16xf32>,
    %gt3A_893 = arith.cmpf ogt, %gather3A_892, %select_n3A_886 : vector<16xf32>
    %select_n3A_894 = arith.select %gt3A_893, %gather3A_892, %select_n3A_886 : vector<16xi1>, vector<16xf32>
    %jit3A_895 = arith.constant 4 : i32
    %broadcast_in_dim3A_896 = vector.broadcast %jit3A_895 : i32 to vector<16xi32>
    %select_n3A_897 = arith.select %gt3A_893, %broadcast_in_dim3A_896, %select_n3A_889 : vector<16xi1>, vector<16xi32>
    %broadcast_in_dim3A_898 = arith.constant 5 : i32
    %broadcast_in_dim3A_899 = vector.broadcast %broadcast_in_dim3A_898 : i32 to vector<16xi32>
    %gather3A_900 = tpu.vector_load_idx %arg6[%add3A_860, %broadcast_in_dim3A_899] : memref<128x24xf32, #tpu.memory_space<vmem>>[vector<16xi32>, vector<16xi32>], vector<16xf32>,
    %gt3A_901 = arith.cmpf ogt, %gather3A_900, %select_n3A_894 : vector<16xf32>
    %select_n3A_902 = arith.select %gt3A_901, %gather3A_900, %select_n3A_894 : vector<16xi1>, vector<16xf32>
    %jit3A_903 = arith.constant 5 : i32
    %broadcast_in_dim3A_904 = vector.broadcast %jit3A_903 : i32 to vector<16xi32>
    %select_n3A_905 = arith.select %gt3A_901, %broadcast_in_dim3A_904, %select_n3A_897 : vector<16xi1>, vector<16xi32>
    %broadcast_in_dim3A_906 = arith.constant 6 : i32
    %broadcast_in_dim3A_907 = vector.broadcast %broadcast_in_dim3A_906 : i32 to vector<16xi32>
    %gather3A_908 = tpu.vector_load_idx %arg6[%add3A_860, %broadcast_in_dim3A_907] : memref<128x24xf32, #tpu.memory_space<vmem>>[vector<16xi32>, vector<16xi32>], vector<16xf32>,
    %gt3A_909 = arith.cmpf ogt, %gather3A_908, %select_n3A_902 : vector<16xf32>
    %select_n3A_910 = arith.select %gt3A_909, %gather3A_908, %select_n3A_902 : vector<16xi1>, vector<16xf32>
    %jit3A_911 = arith.constant 6 : i32
    %broadcast_in_dim3A_912 = vector.broadcast %jit3A_911 : i32 to vector<16xi32>
    %select_n3A_913 = arith.select %gt3A_909, %broadcast_in_dim3A_912, %select_n3A_905 : vector<16xi1>, vector<16xi32>
    %broadcast_in_dim3A_914 = arith.constant 7 : i32
    %broadcast_in_dim3A_915 = vector.broadcast %broadcast_in_dim3A_914 : i32 to vector<16xi32>
    %gather3A_916 = tpu.vector_load_idx %arg6[%add3A_860, %broadcast_in_dim3A_915] : memref<128x24xf32, #tpu.memory_space<vmem>>[vector<16xi32>, vector<16xi32>], vector<16xf32>,
    %gt3A_917 = arith.cmpf ogt, %gather3A_916, %select_n3A_910 : vector<16xf32>
    %select_n3A_918 = arith.select %gt3A_917, %gather3A_916, %select_n3A_910 : vector<16xi1>, vector<16xf32>
    %jit3A_919 = arith.constant 7 : i32
    %broadcast_in_dim3A_920 = vector.broadcast %jit3A_919 : i32 to vector<16xi32>
    %select_n3A_921 = arith.select %gt3A_917, %broadcast_in_dim3A_920, %select_n3A_913 : vector<16xi1>, vector<16xi32>
    %add3A_922 = arith.constant 8 : i32
    %add3A_923 = vector.broadcast %add3A_922 : i32 to vector<16xi32>
    %add3A_924 = arith.addi %select_n3A_921, %add3A_923 : vector<16xi32>
    %gather3A_925 = tpu.vector_load_idx %arg6[%add3A_860, %add3A_924] : memref<128x24xf32, #tpu.memory_space<vmem>>[vector<16xi32>, vector<16xi32>], vector<16xf32>,
    %add3A_926 = arith.constant 16 : i32
    %add3A_927 = vector.broadcast %add3A_926 : i32 to vector<16xi32>
    %add3A_928 = arith.addi %select_n3A_921, %add3A_927 : vector<16xi32>
    %gather3A_929 = tpu.vector_load_idx %arg6[%add3A_860, %add3A_928] : memref<128x24xf32, #tpu.memory_space<vmem>>[vector<16xi32>, vector<16xi32>], vector<16xf32>,
    %mul3A_930 = arith.constant 2 : i32
    %mul3A_931 = vector.broadcast %mul3A_930 : i32 to vector<16xi32>
    %mul3A_932 = arith.muli %add3A_860, %mul3A_931 : vector<16xi32>
    %mul3A_933 = arith.mulf %select_n3A_918, %gather3A_925 : vector<16xf32>
    tpu.vector_store_idx %arg7[%mul3A_932], %mul3A_933 : memref<256xf32, #tpu.memory_space<vmem>>[vector<16xi32>], vector<16xf32>,
    %mul3A_934 = arith.constant 2 : i32
    %mul3A_935 = vector.broadcast %mul3A_934 : i32 to vector<16xi32>
    %mul3A_936 = arith.muli %add3A_860, %mul3A_935 : vector<16xi32>
    %add3A_937 = arith.constant 1 : i32
    %add3A_938 = vector.broadcast %add3A_937 : i32 to vector<16xi32>
    %add3A_939 = arith.addi %mul3A_936, %add3A_938 : vector<16xi32>
    %mul3A_940 = arith.mulf %select_n3A_918, %gather3A_929 : vector<16xf32>
    tpu.vector_store_idx %arg7[%add3A_939], %mul3A_940 : memref<256xf32, #tpu.memory_space<vmem>>[vector<16xi32>], vector<16xf32>,
    %mul3A_941 = arith.constant 8 : i32
    %mul3A_942 = vector.broadcast %mul3A_941 : i32 to vector<16xi32>
    %mul3A_943 = arith.muli %add3A_860, %mul3A_942 : vector<16xi32>
    %add3A_944 = arith.addi %mul3A_943, %select_n3A_921 : vector<16xi32>
    tpu.vector_store_idx %arg8[%add3A_944], %broadcast_in_dim3A_132 : memref<1024xf32, #tpu.memory_space<vmem>>[vector<16xi32>], vector<16xf32>,
    %eq3A_945 = arith.constant 0 : i32
    %eq3A_946 = vector.broadcast %eq3A_945 : i32 to vector<16xi32>
    %eq3A_947 = arith.cmpi eq, %select_n3A_921, %eq3A_946 : vector<16xi32>
    %all_reduce_population_count3A_948 = tpu.all_reduce %eq3A_947 {dim = 0 : i64, kind = #tpu.reduction_kind<sum>} : vector<16xi1> -> vector<16xi32>
    %eq3A_949 = arith.constant 0 : i32
    %eq3A_950 = vector.broadcast %eq3A_949 : i32 to vector<16xi32>
    %eq3A_951 = arith.cmpi eq, %iota3A, %eq3A_950 : vector<16xi32>
    %convert_element_type3A_952 = arith.sitofp %all_reduce_population_count3A_948 : vector<16xi32> to vector<16xf32>
    %jit3A_953 = arith.constant 0.000000e+00 : f32
    %broadcast_in_dim3A_954 = vector.broadcast %jit3A_953 : f32 to vector<16xf32>
    %select_n3A_955 = arith.select %eq3A_951, %convert_element_type3A_952, %broadcast_in_dim3A_954 : vector<16xi1>, vector<16xf32>
    %add3A_956 = arith.addf %add3A_857, %select_n3A_955 : vector<16xf32>
    %eq3A_957 = arith.constant 1 : i32
    %eq3A_958 = vector.broadcast %eq3A_957 : i32 to vector<16xi32>
    %eq3A_959 = arith.cmpi eq, %select_n3A_921, %eq3A_958 : vector<16xi32>
    %all_reduce_population_count3A_960 = tpu.all_reduce %eq3A_959 {dim = 0 : i64, kind = #tpu.reduction_kind<sum>} : vector<16xi1> -> vector<16xi32>
    %eq3A_961 = arith.constant 1 : i32
    %eq3A_962 = vector.broadcast %eq3A_961 : i32 to vector<16xi32>
    %eq3A_963 = arith.cmpi eq, %iota3A, %eq3A_962 : vector<16xi32>
    %convert_element_type3A_964 = arith.sitofp %all_reduce_population_count3A_960 : vector<16xi32> to vector<16xf32>
    %jit3A_965 = arith.constant 0.000000e+00 : f32
    %broadcast_in_dim3A_966 = vector.broadcast %jit3A_965 : f32 to vector<16xf32>
    %select_n3A_967 = arith.select %eq3A_963, %convert_element_type3A_964, %broadcast_in_dim3A_966 : vector<16xi1>, vector<16xf32>
    %add3A_968 = arith.addf %add3A_956, %select_n3A_967 : vector<16xf32>
    %eq3A_969 = arith.constant 2 : i32
    %eq3A_970 = vector.broadcast %eq3A_969 : i32 to vector<16xi32>
    %eq3A_971 = arith.cmpi eq, %select_n3A_921, %eq3A_970 : vector<16xi32>
    %all_reduce_population_count3A_972 = tpu.all_reduce %eq3A_971 {dim = 0 : i64, kind = #tpu.reduction_kind<sum>} : vector<16xi1> -> vector<16xi32>
    %eq3A_973 = arith.constant 2 : i32
    %eq3A_974 = vector.broadcast %eq3A_973 : i32 to vector<16xi32>
    %eq3A_975 = arith.cmpi eq, %iota3A, %eq3A_974 : vector<16xi32>
    %convert_element_type3A_976 = arith.sitofp %all_reduce_population_count3A_972 : vector<16xi32> to vector<16xf32>
    %jit3A_977 = arith.constant 0.000000e+00 : f32
    %broadcast_in_dim3A_978 = vector.broadcast %jit3A_977 : f32 to vector<16xf32>
    %select_n3A_979 = arith.select %eq3A_975, %convert_element_type3A_976, %broadcast_in_dim3A_978 : vector<16xi1>, vector<16xf32>
    %add3A_980 = arith.addf %add3A_968, %select_n3A_979 : vector<16xf32>
    %eq3A_981 = arith.constant 3 : i32
    %eq3A_982 = vector.broadcast %eq3A_981 : i32 to vector<16xi32>
    %eq3A_983 = arith.cmpi eq, %select_n3A_921, %eq3A_982 : vector<16xi32>
    %all_reduce_population_count3A_984 = tpu.all_reduce %eq3A_983 {dim = 0 : i64, kind = #tpu.reduction_kind<sum>} : vector<16xi1> -> vector<16xi32>
    %eq3A_985 = arith.constant 3 : i32
    %eq3A_986 = vector.broadcast %eq3A_985 : i32 to vector<16xi32>
    %eq3A_987 = arith.cmpi eq, %iota3A, %eq3A_986 : vector<16xi32>
    %convert_element_type3A_988 = arith.sitofp %all_reduce_population_count3A_984 : vector<16xi32> to vector<16xf32>
    %jit3A_989 = arith.constant 0.000000e+00 : f32
    %broadcast_in_dim3A_990 = vector.broadcast %jit3A_989 : f32 to vector<16xf32>
    %select_n3A_991 = arith.select %eq3A_987, %convert_element_type3A_988, %broadcast_in_dim3A_990 : vector<16xi1>, vector<16xf32>
    %add3A_992 = arith.addf %add3A_980, %select_n3A_991 : vector<16xf32>
    %eq3A_993 = arith.constant 4 : i32
    %eq3A_994 = vector.broadcast %eq3A_993 : i32 to vector<16xi32>
    %eq3A_995 = arith.cmpi eq, %select_n3A_921, %eq3A_994 : vector<16xi32>
    %all_reduce_population_count3A_996 = tpu.all_reduce %eq3A_995 {dim = 0 : i64, kind = #tpu.reduction_kind<sum>} : vector<16xi1> -> vector<16xi32>
    %eq3A_997 = arith.constant 4 : i32
    %eq3A_998 = vector.broadcast %eq3A_997 : i32 to vector<16xi32>
    %eq3A_999 = arith.cmpi eq, %iota3A, %eq3A_998 : vector<16xi32>
    %convert_element_type3A_1000 = arith.sitofp %all_reduce_population_count3A_996 : vector<16xi32> to vector<16xf32>
    %jit3A_1001 = arith.constant 0.000000e+00 : f32
    %broadcast_in_dim3A_1002 = vector.broadcast %jit3A_1001 : f32 to vector<16xf32>
    %select_n3A_1003 = arith.select %eq3A_999, %convert_element_type3A_1000, %broadcast_in_dim3A_1002 : vector<16xi1>, vector<16xf32>
    %add3A_1004 = arith.addf %add3A_992, %select_n3A_1003 : vector<16xf32>
    %eq3A_1005 = arith.constant 5 : i32
    %eq3A_1006 = vector.broadcast %eq3A_1005 : i32 to vector<16xi32>
    %eq3A_1007 = arith.cmpi eq, %select_n3A_921, %eq3A_1006 : vector<16xi32>
    %all_reduce_population_count3A_1008 = tpu.all_reduce %eq3A_1007 {dim = 0 : i64, kind = #tpu.reduction_kind<sum>} : vector<16xi1> -> vector<16xi32>
    %eq3A_1009 = arith.constant 5 : i32
    %eq3A_1010 = vector.broadcast %eq3A_1009 : i32 to vector<16xi32>
    %eq3A_1011 = arith.cmpi eq, %iota3A, %eq3A_1010 : vector<16xi32>
    %convert_element_type3A_1012 = arith.sitofp %all_reduce_population_count3A_1008 : vector<16xi32> to vector<16xf32>
    %jit3A_1013 = arith.constant 0.000000e+00 : f32
    %broadcast_in_dim3A_1014 = vector.broadcast %jit3A_1013 : f32 to vector<16xf32>
    %select_n3A_1015 = arith.select %eq3A_1011, %convert_element_type3A_1012, %broadcast_in_dim3A_1014 : vector<16xi1>, vector<16xf32>
    %add3A_1016 = arith.addf %add3A_1004, %select_n3A_1015 : vector<16xf32>
    %eq3A_1017 = arith.constant 6 : i32
    %eq3A_1018 = vector.broadcast %eq3A_1017 : i32 to vector<16xi32>
    %eq3A_1019 = arith.cmpi eq, %select_n3A_921, %eq3A_1018 : vector<16xi32>
    %all_reduce_population_count3A_1020 = tpu.all_reduce %eq3A_1019 {dim = 0 : i64, kind = #tpu.reduction_kind<sum>} : vector<16xi1> -> vector<16xi32>
    %eq3A_1021 = arith.constant 6 : i32
    %eq3A_1022 = vector.broadcast %eq3A_1021 : i32 to vector<16xi32>
    %eq3A_1023 = arith.cmpi eq, %iota3A, %eq3A_1022 : vector<16xi32>
    %convert_element_type3A_1024 = arith.sitofp %all_reduce_population_count3A_1020 : vector<16xi32> to vector<16xf32>
    %jit3A_1025 = arith.constant 0.000000e+00 : f32
    %broadcast_in_dim3A_1026 = vector.broadcast %jit3A_1025 : f32 to vector<16xf32>
    %select_n3A_1027 = arith.select %eq3A_1023, %convert_element_type3A_1024, %broadcast_in_dim3A_1026 : vector<16xi1>, vector<16xf32>
    %add3A_1028 = arith.addf %add3A_1016, %select_n3A_1027 : vector<16xf32>
    %eq3A_1029 = arith.constant 7 : i32
    %eq3A_1030 = vector.broadcast %eq3A_1029 : i32 to vector<16xi32>
    %eq3A_1031 = arith.cmpi eq, %select_n3A_921, %eq3A_1030 : vector<16xi32>
    %all_reduce_population_count3A_1032 = tpu.all_reduce %eq3A_1031 {dim = 0 : i64, kind = #tpu.reduction_kind<sum>} : vector<16xi1> -> vector<16xi32>
    %eq3A_1033 = arith.constant 7 : i32
    %eq3A_1034 = vector.broadcast %eq3A_1033 : i32 to vector<16xi32>
    %eq3A_1035 = arith.cmpi eq, %iota3A, %eq3A_1034 : vector<16xi32>
    %convert_element_type3A_1036 = arith.sitofp %all_reduce_population_count3A_1032 : vector<16xi32> to vector<16xf32>
    %jit3A_1037 = arith.constant 0.000000e+00 : f32
    %broadcast_in_dim3A_1038 = vector.broadcast %jit3A_1037 : f32 to vector<16xf32>
    %select_n3A_1039 = arith.select %eq3A_1035, %convert_element_type3A_1036, %broadcast_in_dim3A_1038 : vector<16xi1>, vector<16xf32>
    %add3A_1040 = arith.addf %add3A_1028, %select_n3A_1039 : vector<16xf32>
    %add3A_1041 = arith.constant 80 : i32
    %add3A_1042 = vector.broadcast %add3A_1041 : i32 to vector<16xi32>
    %add3A_1043 = arith.addi %iota3A, %add3A_1042 : vector<16xi32>
    %broadcast_in_dim3A_1044 = arith.constant 0 : i32
    %broadcast_in_dim3A_1045 = vector.broadcast %broadcast_in_dim3A_1044 : i32 to vector<16xi32>
    %gather3A_1046 = tpu.vector_load_idx %arg6[%add3A_1043, %broadcast_in_dim3A_1045] : memref<128x24xf32, #tpu.memory_space<vmem>>[vector<16xi32>, vector<16xi32>], vector<16xf32>,
    %broadcast_in_dim3A_1047 = arith.constant 0 : i32
    %broadcast_in_dim3A_1048 = vector.broadcast %broadcast_in_dim3A_1047 : i32 to vector<16xi32>
    %broadcast_in_dim3A_1049 = arith.constant 1 : i32
    %broadcast_in_dim3A_1050 = vector.broadcast %broadcast_in_dim3A_1049 : i32 to vector<16xi32>
    %gather3A_1051 = tpu.vector_load_idx %arg6[%add3A_1043, %broadcast_in_dim3A_1050] : memref<128x24xf32, #tpu.memory_space<vmem>>[vector<16xi32>, vector<16xi32>], vector<16xf32>,
    %gt3A_1052 = arith.cmpf ogt, %gather3A_1051, %gather3A_1046 : vector<16xf32>
    %select_n3A_1053 = arith.select %gt3A_1052, %gather3A_1051, %gather3A_1046 : vector<16xi1>, vector<16xf32>
    %jit3A_1054 = arith.constant 1 : i32
    %broadcast_in_dim3A_1055 = vector.broadcast %jit3A_1054 : i32 to vector<16xi32>
    %select_n3A_1056 = arith.select %gt3A_1052, %broadcast_in_dim3A_1055, %broadcast_in_dim3A_1048 : vector<16xi1>, vector<16xi32>
    %broadcast_in_dim3A_1057 = arith.constant 2 : i32
    %broadcast_in_dim3A_1058 = vector.broadcast %broadcast_in_dim3A_1057 : i32 to vector<16xi32>
    %gather3A_1059 = tpu.vector_load_idx %arg6[%add3A_1043, %broadcast_in_dim3A_1058] : memref<128x24xf32, #tpu.memory_space<vmem>>[vector<16xi32>, vector<16xi32>], vector<16xf32>,
    %gt3A_1060 = arith.cmpf ogt, %gather3A_1059, %select_n3A_1053 : vector<16xf32>
    %select_n3A_1061 = arith.select %gt3A_1060, %gather3A_1059, %select_n3A_1053 : vector<16xi1>, vector<16xf32>
    %jit3A_1062 = arith.constant 2 : i32
    %broadcast_in_dim3A_1063 = vector.broadcast %jit3A_1062 : i32 to vector<16xi32>
    %select_n3A_1064 = arith.select %gt3A_1060, %broadcast_in_dim3A_1063, %select_n3A_1056 : vector<16xi1>, vector<16xi32>
    %broadcast_in_dim3A_1065 = arith.constant 3 : i32
    %broadcast_in_dim3A_1066 = vector.broadcast %broadcast_in_dim3A_1065 : i32 to vector<16xi32>
    %gather3A_1067 = tpu.vector_load_idx %arg6[%add3A_1043, %broadcast_in_dim3A_1066] : memref<128x24xf32, #tpu.memory_space<vmem>>[vector<16xi32>, vector<16xi32>], vector<16xf32>,
    %gt3A_1068 = arith.cmpf ogt, %gather3A_1067, %select_n3A_1061 : vector<16xf32>
    %select_n3A_1069 = arith.select %gt3A_1068, %gather3A_1067, %select_n3A_1061 : vector<16xi1>, vector<16xf32>
    %jit3A_1070 = arith.constant 3 : i32
    %broadcast_in_dim3A_1071 = vector.broadcast %jit3A_1070 : i32 to vector<16xi32>
    %select_n3A_1072 = arith.select %gt3A_1068, %broadcast_in_dim3A_1071, %select_n3A_1064 : vector<16xi1>, vector<16xi32>
    %broadcast_in_dim3A_1073 = arith.constant 4 : i32
    %broadcast_in_dim3A_1074 = vector.broadcast %broadcast_in_dim3A_1073 : i32 to vector<16xi32>
    %gather3A_1075 = tpu.vector_load_idx %arg6[%add3A_1043, %broadcast_in_dim3A_1074] : memref<128x24xf32, #tpu.memory_space<vmem>>[vector<16xi32>, vector<16xi32>], vector<16xf32>,
    %gt3A_1076 = arith.cmpf ogt, %gather3A_1075, %select_n3A_1069 : vector<16xf32>
    %select_n3A_1077 = arith.select %gt3A_1076, %gather3A_1075, %select_n3A_1069 : vector<16xi1>, vector<16xf32>
    %jit3A_1078 = arith.constant 4 : i32
    %broadcast_in_dim3A_1079 = vector.broadcast %jit3A_1078 : i32 to vector<16xi32>
    %select_n3A_1080 = arith.select %gt3A_1076, %broadcast_in_dim3A_1079, %select_n3A_1072 : vector<16xi1>, vector<16xi32>
    %broadcast_in_dim3A_1081 = arith.constant 5 : i32
    %broadcast_in_dim3A_1082 = vector.broadcast %broadcast_in_dim3A_1081 : i32 to vector<16xi32>
    %gather3A_1083 = tpu.vector_load_idx %arg6[%add3A_1043, %broadcast_in_dim3A_1082] : memref<128x24xf32, #tpu.memory_space<vmem>>[vector<16xi32>, vector<16xi32>], vector<16xf32>,
    %gt3A_1084 = arith.cmpf ogt, %gather3A_1083, %select_n3A_1077 : vector<16xf32>
    %select_n3A_1085 = arith.select %gt3A_1084, %gather3A_1083, %select_n3A_1077 : vector<16xi1>, vector<16xf32>
    %jit3A_1086 = arith.constant 5 : i32
    %broadcast_in_dim3A_1087 = vector.broadcast %jit3A_1086 : i32 to vector<16xi32>
    %select_n3A_1088 = arith.select %gt3A_1084, %broadcast_in_dim3A_1087, %select_n3A_1080 : vector<16xi1>, vector<16xi32>
    %broadcast_in_dim3A_1089 = arith.constant 6 : i32
    %broadcast_in_dim3A_1090 = vector.broadcast %broadcast_in_dim3A_1089 : i32 to vector<16xi32>
    %gather3A_1091 = tpu.vector_load_idx %arg6[%add3A_1043, %broadcast_in_dim3A_1090] : memref<128x24xf32, #tpu.memory_space<vmem>>[vector<16xi32>, vector<16xi32>], vector<16xf32>,
    %gt3A_1092 = arith.cmpf ogt, %gather3A_1091, %select_n3A_1085 : vector<16xf32>
    %select_n3A_1093 = arith.select %gt3A_1092, %gather3A_1091, %select_n3A_1085 : vector<16xi1>, vector<16xf32>
    %jit3A_1094 = arith.constant 6 : i32
    %broadcast_in_dim3A_1095 = vector.broadcast %jit3A_1094 : i32 to vector<16xi32>
    %select_n3A_1096 = arith.select %gt3A_1092, %broadcast_in_dim3A_1095, %select_n3A_1088 : vector<16xi1>, vector<16xi32>
    %broadcast_in_dim3A_1097 = arith.constant 7 : i32
    %broadcast_in_dim3A_1098 = vector.broadcast %broadcast_in_dim3A_1097 : i32 to vector<16xi32>
    %gather3A_1099 = tpu.vector_load_idx %arg6[%add3A_1043, %broadcast_in_dim3A_1098] : memref<128x24xf32, #tpu.memory_space<vmem>>[vector<16xi32>, vector<16xi32>], vector<16xf32>,
    %gt3A_1100 = arith.cmpf ogt, %gather3A_1099, %select_n3A_1093 : vector<16xf32>
    %select_n3A_1101 = arith.select %gt3A_1100, %gather3A_1099, %select_n3A_1093 : vector<16xi1>, vector<16xf32>
    %jit3A_1102 = arith.constant 7 : i32
    %broadcast_in_dim3A_1103 = vector.broadcast %jit3A_1102 : i32 to vector<16xi32>
    %select_n3A_1104 = arith.select %gt3A_1100, %broadcast_in_dim3A_1103, %select_n3A_1096 : vector<16xi1>, vector<16xi32>
    %add3A_1105 = arith.constant 8 : i32
    %add3A_1106 = vector.broadcast %add3A_1105 : i32 to vector<16xi32>
    %add3A_1107 = arith.addi %select_n3A_1104, %add3A_1106 : vector<16xi32>
    %gather3A_1108 = tpu.vector_load_idx %arg6[%add3A_1043, %add3A_1107] : memref<128x24xf32, #tpu.memory_space<vmem>>[vector<16xi32>, vector<16xi32>], vector<16xf32>,
    %add3A_1109 = arith.constant 16 : i32
    %add3A_1110 = vector.broadcast %add3A_1109 : i32 to vector<16xi32>
    %add3A_1111 = arith.addi %select_n3A_1104, %add3A_1110 : vector<16xi32>
    %gather3A_1112 = tpu.vector_load_idx %arg6[%add3A_1043, %add3A_1111] : memref<128x24xf32, #tpu.memory_space<vmem>>[vector<16xi32>, vector<16xi32>], vector<16xf32>,
    %mul3A_1113 = arith.constant 2 : i32
    %mul3A_1114 = vector.broadcast %mul3A_1113 : i32 to vector<16xi32>
    %mul3A_1115 = arith.muli %add3A_1043, %mul3A_1114 : vector<16xi32>
    %mul3A_1116 = arith.mulf %select_n3A_1101, %gather3A_1108 : vector<16xf32>
    tpu.vector_store_idx %arg7[%mul3A_1115], %mul3A_1116 : memref<256xf32, #tpu.memory_space<vmem>>[vector<16xi32>], vector<16xf32>,
    %mul3A_1117 = arith.constant 2 : i32
    %mul3A_1118 = vector.broadcast %mul3A_1117 : i32 to vector<16xi32>
    %mul3A_1119 = arith.muli %add3A_1043, %mul3A_1118 : vector<16xi32>
    %add3A_1120 = arith.constant 1 : i32
    %add3A_1121 = vector.broadcast %add3A_1120 : i32 to vector<16xi32>
    %add3A_1122 = arith.addi %mul3A_1119, %add3A_1121 : vector<16xi32>
    %mul3A_1123 = arith.mulf %select_n3A_1101, %gather3A_1112 : vector<16xf32>
    tpu.vector_store_idx %arg7[%add3A_1122], %mul3A_1123 : memref<256xf32, #tpu.memory_space<vmem>>[vector<16xi32>], vector<16xf32>,
    %mul3A_1124 = arith.constant 8 : i32
    %mul3A_1125 = vector.broadcast %mul3A_1124 : i32 to vector<16xi32>
    %mul3A_1126 = arith.muli %add3A_1043, %mul3A_1125 : vector<16xi32>
    %add3A_1127 = arith.addi %mul3A_1126, %select_n3A_1104 : vector<16xi32>
    tpu.vector_store_idx %arg8[%add3A_1127], %broadcast_in_dim3A_132 : memref<1024xf32, #tpu.memory_space<vmem>>[vector<16xi32>], vector<16xf32>,
    %eq3A_1128 = arith.constant 0 : i32
    %eq3A_1129 = vector.broadcast %eq3A_1128 : i32 to vector<16xi32>
    %eq3A_1130 = arith.cmpi eq, %select_n3A_1104, %eq3A_1129 : vector<16xi32>
    %all_reduce_population_count3A_1131 = tpu.all_reduce %eq3A_1130 {dim = 0 : i64, kind = #tpu.reduction_kind<sum>} : vector<16xi1> -> vector<16xi32>
    %eq3A_1132 = arith.constant 0 : i32
    %eq3A_1133 = vector.broadcast %eq3A_1132 : i32 to vector<16xi32>
    %eq3A_1134 = arith.cmpi eq, %iota3A, %eq3A_1133 : vector<16xi32>
    %convert_element_type3A_1135 = arith.sitofp %all_reduce_population_count3A_1131 : vector<16xi32> to vector<16xf32>
    %jit3A_1136 = arith.constant 0.000000e+00 : f32
    %broadcast_in_dim3A_1137 = vector.broadcast %jit3A_1136 : f32 to vector<16xf32>
    %select_n3A_1138 = arith.select %eq3A_1134, %convert_element_type3A_1135, %broadcast_in_dim3A_1137 : vector<16xi1>, vector<16xf32>
    %add3A_1139 = arith.addf %add3A_1040, %select_n3A_1138 : vector<16xf32>
    %eq3A_1140 = arith.constant 1 : i32
    %eq3A_1141 = vector.broadcast %eq3A_1140 : i32 to vector<16xi32>
    %eq3A_1142 = arith.cmpi eq, %select_n3A_1104, %eq3A_1141 : vector<16xi32>
    %all_reduce_population_count3A_1143 = tpu.all_reduce %eq3A_1142 {dim = 0 : i64, kind = #tpu.reduction_kind<sum>} : vector<16xi1> -> vector<16xi32>
    %eq3A_1144 = arith.constant 1 : i32
    %eq3A_1145 = vector.broadcast %eq3A_1144 : i32 to vector<16xi32>
    %eq3A_1146 = arith.cmpi eq, %iota3A, %eq3A_1145 : vector<16xi32>
    %convert_element_type3A_1147 = arith.sitofp %all_reduce_population_count3A_1143 : vector<16xi32> to vector<16xf32>
    %jit3A_1148 = arith.constant 0.000000e+00 : f32
    %broadcast_in_dim3A_1149 = vector.broadcast %jit3A_1148 : f32 to vector<16xf32>
    %select_n3A_1150 = arith.select %eq3A_1146, %convert_element_type3A_1147, %broadcast_in_dim3A_1149 : vector<16xi1>, vector<16xf32>
    %add3A_1151 = arith.addf %add3A_1139, %select_n3A_1150 : vector<16xf32>
    %eq3A_1152 = arith.constant 2 : i32
    %eq3A_1153 = vector.broadcast %eq3A_1152 : i32 to vector<16xi32>
    %eq3A_1154 = arith.cmpi eq, %select_n3A_1104, %eq3A_1153 : vector<16xi32>
    %all_reduce_population_count3A_1155 = tpu.all_reduce %eq3A_1154 {dim = 0 : i64, kind = #tpu.reduction_kind<sum>} : vector<16xi1> -> vector<16xi32>
    %eq3A_1156 = arith.constant 2 : i32
    %eq3A_1157 = vector.broadcast %eq3A_1156 : i32 to vector<16xi32>
    %eq3A_1158 = arith.cmpi eq, %iota3A, %eq3A_1157 : vector<16xi32>
    %convert_element_type3A_1159 = arith.sitofp %all_reduce_population_count3A_1155 : vector<16xi32> to vector<16xf32>
    %jit3A_1160 = arith.constant 0.000000e+00 : f32
    %broadcast_in_dim3A_1161 = vector.broadcast %jit3A_1160 : f32 to vector<16xf32>
    %select_n3A_1162 = arith.select %eq3A_1158, %convert_element_type3A_1159, %broadcast_in_dim3A_1161 : vector<16xi1>, vector<16xf32>
    %add3A_1163 = arith.addf %add3A_1151, %select_n3A_1162 : vector<16xf32>
    %eq3A_1164 = arith.constant 3 : i32
    %eq3A_1165 = vector.broadcast %eq3A_1164 : i32 to vector<16xi32>
    %eq3A_1166 = arith.cmpi eq, %select_n3A_1104, %eq3A_1165 : vector<16xi32>
    %all_reduce_population_count3A_1167 = tpu.all_reduce %eq3A_1166 {dim = 0 : i64, kind = #tpu.reduction_kind<sum>} : vector<16xi1> -> vector<16xi32>
    %eq3A_1168 = arith.constant 3 : i32
    %eq3A_1169 = vector.broadcast %eq3A_1168 : i32 to vector<16xi32>
    %eq3A_1170 = arith.cmpi eq, %iota3A, %eq3A_1169 : vector<16xi32>
    %convert_element_type3A_1171 = arith.sitofp %all_reduce_population_count3A_1167 : vector<16xi32> to vector<16xf32>
    %jit3A_1172 = arith.constant 0.000000e+00 : f32
    %broadcast_in_dim3A_1173 = vector.broadcast %jit3A_1172 : f32 to vector<16xf32>
    %select_n3A_1174 = arith.select %eq3A_1170, %convert_element_type3A_1171, %broadcast_in_dim3A_1173 : vector<16xi1>, vector<16xf32>
    %add3A_1175 = arith.addf %add3A_1163, %select_n3A_1174 : vector<16xf32>
    %eq3A_1176 = arith.constant 4 : i32
    %eq3A_1177 = vector.broadcast %eq3A_1176 : i32 to vector<16xi32>
    %eq3A_1178 = arith.cmpi eq, %select_n3A_1104, %eq3A_1177 : vector<16xi32>
    %all_reduce_population_count3A_1179 = tpu.all_reduce %eq3A_1178 {dim = 0 : i64, kind = #tpu.reduction_kind<sum>} : vector<16xi1> -> vector<16xi32>
    %eq3A_1180 = arith.constant 4 : i32
    %eq3A_1181 = vector.broadcast %eq3A_1180 : i32 to vector<16xi32>
    %eq3A_1182 = arith.cmpi eq, %iota3A, %eq3A_1181 : vector<16xi32>
    %convert_element_type3A_1183 = arith.sitofp %all_reduce_population_count3A_1179 : vector<16xi32> to vector<16xf32>
    %jit3A_1184 = arith.constant 0.000000e+00 : f32
    %broadcast_in_dim3A_1185 = vector.broadcast %jit3A_1184 : f32 to vector<16xf32>
    %select_n3A_1186 = arith.select %eq3A_1182, %convert_element_type3A_1183, %broadcast_in_dim3A_1185 : vector<16xi1>, vector<16xf32>
    %add3A_1187 = arith.addf %add3A_1175, %select_n3A_1186 : vector<16xf32>
    %eq3A_1188 = arith.constant 5 : i32
    %eq3A_1189 = vector.broadcast %eq3A_1188 : i32 to vector<16xi32>
    %eq3A_1190 = arith.cmpi eq, %select_n3A_1104, %eq3A_1189 : vector<16xi32>
    %all_reduce_population_count3A_1191 = tpu.all_reduce %eq3A_1190 {dim = 0 : i64, kind = #tpu.reduction_kind<sum>} : vector<16xi1> -> vector<16xi32>
    %eq3A_1192 = arith.constant 5 : i32
    %eq3A_1193 = vector.broadcast %eq3A_1192 : i32 to vector<16xi32>
    %eq3A_1194 = arith.cmpi eq, %iota3A, %eq3A_1193 : vector<16xi32>
    %convert_element_type3A_1195 = arith.sitofp %all_reduce_population_count3A_1191 : vector<16xi32> to vector<16xf32>
    %jit3A_1196 = arith.constant 0.000000e+00 : f32
    %broadcast_in_dim3A_1197 = vector.broadcast %jit3A_1196 : f32 to vector<16xf32>
    %select_n3A_1198 = arith.select %eq3A_1194, %convert_element_type3A_1195, %broadcast_in_dim3A_1197 : vector<16xi1>, vector<16xf32>
    %add3A_1199 = arith.addf %add3A_1187, %select_n3A_1198 : vector<16xf32>
    %eq3A_1200 = arith.constant 6 : i32
    %eq3A_1201 = vector.broadcast %eq3A_1200 : i32 to vector<16xi32>
    %eq3A_1202 = arith.cmpi eq, %select_n3A_1104, %eq3A_1201 : vector<16xi32>
    %all_reduce_population_count3A_1203 = tpu.all_reduce %eq3A_1202 {dim = 0 : i64, kind = #tpu.reduction_kind<sum>} : vector<16xi1> -> vector<16xi32>
    %eq3A_1204 = arith.constant 6 : i32
    %eq3A_1205 = vector.broadcast %eq3A_1204 : i32 to vector<16xi32>
    %eq3A_1206 = arith.cmpi eq, %iota3A, %eq3A_1205 : vector<16xi32>
    %convert_element_type3A_1207 = arith.sitofp %all_reduce_population_count3A_1203 : vector<16xi32> to vector<16xf32>
    %jit3A_1208 = arith.constant 0.000000e+00 : f32
    %broadcast_in_dim3A_1209 = vector.broadcast %jit3A_1208 : f32 to vector<16xf32>
    %select_n3A_1210 = arith.select %eq3A_1206, %convert_element_type3A_1207, %broadcast_in_dim3A_1209 : vector<16xi1>, vector<16xf32>
    %add3A_1211 = arith.addf %add3A_1199, %select_n3A_1210 : vector<16xf32>
    %eq3A_1212 = arith.constant 7 : i32
    %eq3A_1213 = vector.broadcast %eq3A_1212 : i32 to vector<16xi32>
    %eq3A_1214 = arith.cmpi eq, %select_n3A_1104, %eq3A_1213 : vector<16xi32>
    %all_reduce_population_count3A_1215 = tpu.all_reduce %eq3A_1214 {dim = 0 : i64, kind = #tpu.reduction_kind<sum>} : vector<16xi1> -> vector<16xi32>
    %eq3A_1216 = arith.constant 7 : i32
    %eq3A_1217 = vector.broadcast %eq3A_1216 : i32 to vector<16xi32>
    %eq3A_1218 = arith.cmpi eq, %iota3A, %eq3A_1217 : vector<16xi32>
    %convert_element_type3A_1219 = arith.sitofp %all_reduce_population_count3A_1215 : vector<16xi32> to vector<16xf32>
    %jit3A_1220 = arith.constant 0.000000e+00 : f32
    %broadcast_in_dim3A_1221 = vector.broadcast %jit3A_1220 : f32 to vector<16xf32>
    %select_n3A_1222 = arith.select %eq3A_1218, %convert_element_type3A_1219, %broadcast_in_dim3A_1221 : vector<16xi1>, vector<16xf32>
    %add3A_1223 = arith.addf %add3A_1211, %select_n3A_1222 : vector<16xf32>
    %add3A_1224 = arith.constant 96 : i32
    %add3A_1225 = vector.broadcast %add3A_1224 : i32 to vector<16xi32>
    %add3A_1226 = arith.addi %iota3A, %add3A_1225 : vector<16xi32>
    %broadcast_in_dim3A_1227 = arith.constant 0 : i32
    %broadcast_in_dim3A_1228 = vector.broadcast %broadcast_in_dim3A_1227 : i32 to vector<16xi32>
    %gather3A_1229 = tpu.vector_load_idx %arg6[%add3A_1226, %broadcast_in_dim3A_1228] : memref<128x24xf32, #tpu.memory_space<vmem>>[vector<16xi32>, vector<16xi32>], vector<16xf32>,
    %broadcast_in_dim3A_1230 = arith.constant 0 : i32
    %broadcast_in_dim3A_1231 = vector.broadcast %broadcast_in_dim3A_1230 : i32 to vector<16xi32>
    %broadcast_in_dim3A_1232 = arith.constant 1 : i32
    %broadcast_in_dim3A_1233 = vector.broadcast %broadcast_in_dim3A_1232 : i32 to vector<16xi32>
    %gather3A_1234 = tpu.vector_load_idx %arg6[%add3A_1226, %broadcast_in_dim3A_1233] : memref<128x24xf32, #tpu.memory_space<vmem>>[vector<16xi32>, vector<16xi32>], vector<16xf32>,
    %gt3A_1235 = arith.cmpf ogt, %gather3A_1234, %gather3A_1229 : vector<16xf32>
    %select_n3A_1236 = arith.select %gt3A_1235, %gather3A_1234, %gather3A_1229 : vector<16xi1>, vector<16xf32>
    %jit3A_1237 = arith.constant 1 : i32
    %broadcast_in_dim3A_1238 = vector.broadcast %jit3A_1237 : i32 to vector<16xi32>
    %select_n3A_1239 = arith.select %gt3A_1235, %broadcast_in_dim3A_1238, %broadcast_in_dim3A_1231 : vector<16xi1>, vector<16xi32>
    %broadcast_in_dim3A_1240 = arith.constant 2 : i32
    %broadcast_in_dim3A_1241 = vector.broadcast %broadcast_in_dim3A_1240 : i32 to vector<16xi32>
    %gather3A_1242 = tpu.vector_load_idx %arg6[%add3A_1226, %broadcast_in_dim3A_1241] : memref<128x24xf32, #tpu.memory_space<vmem>>[vector<16xi32>, vector<16xi32>], vector<16xf32>,
    %gt3A_1243 = arith.cmpf ogt, %gather3A_1242, %select_n3A_1236 : vector<16xf32>
    %select_n3A_1244 = arith.select %gt3A_1243, %gather3A_1242, %select_n3A_1236 : vector<16xi1>, vector<16xf32>
    %jit3A_1245 = arith.constant 2 : i32
    %broadcast_in_dim3A_1246 = vector.broadcast %jit3A_1245 : i32 to vector<16xi32>
    %select_n3A_1247 = arith.select %gt3A_1243, %broadcast_in_dim3A_1246, %select_n3A_1239 : vector<16xi1>, vector<16xi32>
    %broadcast_in_dim3A_1248 = arith.constant 3 : i32
    %broadcast_in_dim3A_1249 = vector.broadcast %broadcast_in_dim3A_1248 : i32 to vector<16xi32>
    %gather3A_1250 = tpu.vector_load_idx %arg6[%add3A_1226, %broadcast_in_dim3A_1249] : memref<128x24xf32, #tpu.memory_space<vmem>>[vector<16xi32>, vector<16xi32>], vector<16xf32>,
    %gt3A_1251 = arith.cmpf ogt, %gather3A_1250, %select_n3A_1244 : vector<16xf32>
    %select_n3A_1252 = arith.select %gt3A_1251, %gather3A_1250, %select_n3A_1244 : vector<16xi1>, vector<16xf32>
    %jit3A_1253 = arith.constant 3 : i32
    %broadcast_in_dim3A_1254 = vector.broadcast %jit3A_1253 : i32 to vector<16xi32>
    %select_n3A_1255 = arith.select %gt3A_1251, %broadcast_in_dim3A_1254, %select_n3A_1247 : vector<16xi1>, vector<16xi32>
    %broadcast_in_dim3A_1256 = arith.constant 4 : i32
    %broadcast_in_dim3A_1257 = vector.broadcast %broadcast_in_dim3A_1256 : i32 to vector<16xi32>
    %gather3A_1258 = tpu.vector_load_idx %arg6[%add3A_1226, %broadcast_in_dim3A_1257] : memref<128x24xf32, #tpu.memory_space<vmem>>[vector<16xi32>, vector<16xi32>], vector<16xf32>,
    %gt3A_1259 = arith.cmpf ogt, %gather3A_1258, %select_n3A_1252 : vector<16xf32>
    %select_n3A_1260 = arith.select %gt3A_1259, %gather3A_1258, %select_n3A_1252 : vector<16xi1>, vector<16xf32>
    %jit3A_1261 = arith.constant 4 : i32
    %broadcast_in_dim3A_1262 = vector.broadcast %jit3A_1261 : i32 to vector<16xi32>
    %select_n3A_1263 = arith.select %gt3A_1259, %broadcast_in_dim3A_1262, %select_n3A_1255 : vector<16xi1>, vector<16xi32>
    %broadcast_in_dim3A_1264 = arith.constant 5 : i32
    %broadcast_in_dim3A_1265 = vector.broadcast %broadcast_in_dim3A_1264 : i32 to vector<16xi32>
    %gather3A_1266 = tpu.vector_load_idx %arg6[%add3A_1226, %broadcast_in_dim3A_1265] : memref<128x24xf32, #tpu.memory_space<vmem>>[vector<16xi32>, vector<16xi32>], vector<16xf32>,
    %gt3A_1267 = arith.cmpf ogt, %gather3A_1266, %select_n3A_1260 : vector<16xf32>
    %select_n3A_1268 = arith.select %gt3A_1267, %gather3A_1266, %select_n3A_1260 : vector<16xi1>, vector<16xf32>
    %jit3A_1269 = arith.constant 5 : i32
    %broadcast_in_dim3A_1270 = vector.broadcast %jit3A_1269 : i32 to vector<16xi32>
    %select_n3A_1271 = arith.select %gt3A_1267, %broadcast_in_dim3A_1270, %select_n3A_1263 : vector<16xi1>, vector<16xi32>
    %broadcast_in_dim3A_1272 = arith.constant 6 : i32
    %broadcast_in_dim3A_1273 = vector.broadcast %broadcast_in_dim3A_1272 : i32 to vector<16xi32>
    %gather3A_1274 = tpu.vector_load_idx %arg6[%add3A_1226, %broadcast_in_dim3A_1273] : memref<128x24xf32, #tpu.memory_space<vmem>>[vector<16xi32>, vector<16xi32>], vector<16xf32>,
    %gt3A_1275 = arith.cmpf ogt, %gather3A_1274, %select_n3A_1268 : vector<16xf32>
    %select_n3A_1276 = arith.select %gt3A_1275, %gather3A_1274, %select_n3A_1268 : vector<16xi1>, vector<16xf32>
    %jit3A_1277 = arith.constant 6 : i32
    %broadcast_in_dim3A_1278 = vector.broadcast %jit3A_1277 : i32 to vector<16xi32>
    %select_n3A_1279 = arith.select %gt3A_1275, %broadcast_in_dim3A_1278, %select_n3A_1271 : vector<16xi1>, vector<16xi32>
    %broadcast_in_dim3A_1280 = arith.constant 7 : i32
    %broadcast_in_dim3A_1281 = vector.broadcast %broadcast_in_dim3A_1280 : i32 to vector<16xi32>
    %gather3A_1282 = tpu.vector_load_idx %arg6[%add3A_1226, %broadcast_in_dim3A_1281] : memref<128x24xf32, #tpu.memory_space<vmem>>[vector<16xi32>, vector<16xi32>], vector<16xf32>,
    %gt3A_1283 = arith.cmpf ogt, %gather3A_1282, %select_n3A_1276 : vector<16xf32>
    %select_n3A_1284 = arith.select %gt3A_1283, %gather3A_1282, %select_n3A_1276 : vector<16xi1>, vector<16xf32>
    %jit3A_1285 = arith.constant 7 : i32
    %broadcast_in_dim3A_1286 = vector.broadcast %jit3A_1285 : i32 to vector<16xi32>
    %select_n3A_1287 = arith.select %gt3A_1283, %broadcast_in_dim3A_1286, %select_n3A_1279 : vector<16xi1>, vector<16xi32>
    %add3A_1288 = arith.constant 8 : i32
    %add3A_1289 = vector.broadcast %add3A_1288 : i32 to vector<16xi32>
    %add3A_1290 = arith.addi %select_n3A_1287, %add3A_1289 : vector<16xi32>
    %gather3A_1291 = tpu.vector_load_idx %arg6[%add3A_1226, %add3A_1290] : memref<128x24xf32, #tpu.memory_space<vmem>>[vector<16xi32>, vector<16xi32>], vector<16xf32>,
    %add3A_1292 = arith.constant 16 : i32
    %add3A_1293 = vector.broadcast %add3A_1292 : i32 to vector<16xi32>
    %add3A_1294 = arith.addi %select_n3A_1287, %add3A_1293 : vector<16xi32>
    %gather3A_1295 = tpu.vector_load_idx %arg6[%add3A_1226, %add3A_1294] : memref<128x24xf32, #tpu.memory_space<vmem>>[vector<16xi32>, vector<16xi32>], vector<16xf32>,
    %mul3A_1296 = arith.constant 2 : i32
    %mul3A_1297 = vector.broadcast %mul3A_1296 : i32 to vector<16xi32>
    %mul3A_1298 = arith.muli %add3A_1226, %mul3A_1297 : vector<16xi32>
    %mul3A_1299 = arith.mulf %select_n3A_1284, %gather3A_1291 : vector<16xf32>
    tpu.vector_store_idx %arg7[%mul3A_1298], %mul3A_1299 : memref<256xf32, #tpu.memory_space<vmem>>[vector<16xi32>], vector<16xf32>,
    %mul3A_1300 = arith.constant 2 : i32
    %mul3A_1301 = vector.broadcast %mul3A_1300 : i32 to vector<16xi32>
    %mul3A_1302 = arith.muli %add3A_1226, %mul3A_1301 : vector<16xi32>
    %add3A_1303 = arith.constant 1 : i32
    %add3A_1304 = vector.broadcast %add3A_1303 : i32 to vector<16xi32>
    %add3A_1305 = arith.addi %mul3A_1302, %add3A_1304 : vector<16xi32>
    %mul3A_1306 = arith.mulf %select_n3A_1284, %gather3A_1295 : vector<16xf32>
    tpu.vector_store_idx %arg7[%add3A_1305], %mul3A_1306 : memref<256xf32, #tpu.memory_space<vmem>>[vector<16xi32>], vector<16xf32>,
    %mul3A_1307 = arith.constant 8 : i32
    %mul3A_1308 = vector.broadcast %mul3A_1307 : i32 to vector<16xi32>
    %mul3A_1309 = arith.muli %add3A_1226, %mul3A_1308 : vector<16xi32>
    %add3A_1310 = arith.addi %mul3A_1309, %select_n3A_1287 : vector<16xi32>
    tpu.vector_store_idx %arg8[%add3A_1310], %broadcast_in_dim3A_132 : memref<1024xf32, #tpu.memory_space<vmem>>[vector<16xi32>], vector<16xf32>,
    %eq3A_1311 = arith.constant 0 : i32
    %eq3A_1312 = vector.broadcast %eq3A_1311 : i32 to vector<16xi32>
    %eq3A_1313 = arith.cmpi eq, %select_n3A_1287, %eq3A_1312 : vector<16xi32>
    %all_reduce_population_count3A_1314 = tpu.all_reduce %eq3A_1313 {dim = 0 : i64, kind = #tpu.reduction_kind<sum>} : vector<16xi1> -> vector<16xi32>
    %eq3A_1315 = arith.constant 0 : i32
    %eq3A_1316 = vector.broadcast %eq3A_1315 : i32 to vector<16xi32>
    %eq3A_1317 = arith.cmpi eq, %iota3A, %eq3A_1316 : vector<16xi32>
    %convert_element_type3A_1318 = arith.sitofp %all_reduce_population_count3A_1314 : vector<16xi32> to vector<16xf32>
    %jit3A_1319 = arith.constant 0.000000e+00 : f32
    %broadcast_in_dim3A_1320 = vector.broadcast %jit3A_1319 : f32 to vector<16xf32>
    %select_n3A_1321 = arith.select %eq3A_1317, %convert_element_type3A_1318, %broadcast_in_dim3A_1320 : vector<16xi1>, vector<16xf32>
    %add3A_1322 = arith.addf %add3A_1223, %select_n3A_1321 : vector<16xf32>
    %eq3A_1323 = arith.constant 1 : i32
    %eq3A_1324 = vector.broadcast %eq3A_1323 : i32 to vector<16xi32>
    %eq3A_1325 = arith.cmpi eq, %select_n3A_1287, %eq3A_1324 : vector<16xi32>
    %all_reduce_population_count3A_1326 = tpu.all_reduce %eq3A_1325 {dim = 0 : i64, kind = #tpu.reduction_kind<sum>} : vector<16xi1> -> vector<16xi32>
    %eq3A_1327 = arith.constant 1 : i32
    %eq3A_1328 = vector.broadcast %eq3A_1327 : i32 to vector<16xi32>
    %eq3A_1329 = arith.cmpi eq, %iota3A, %eq3A_1328 : vector<16xi32>
    %convert_element_type3A_1330 = arith.sitofp %all_reduce_population_count3A_1326 : vector<16xi32> to vector<16xf32>
    %jit3A_1331 = arith.constant 0.000000e+00 : f32
    %broadcast_in_dim3A_1332 = vector.broadcast %jit3A_1331 : f32 to vector<16xf32>
    %select_n3A_1333 = arith.select %eq3A_1329, %convert_element_type3A_1330, %broadcast_in_dim3A_1332 : vector<16xi1>, vector<16xf32>
    %add3A_1334 = arith.addf %add3A_1322, %select_n3A_1333 : vector<16xf32>
    %eq3A_1335 = arith.constant 2 : i32
    %eq3A_1336 = vector.broadcast %eq3A_1335 : i32 to vector<16xi32>
    %eq3A_1337 = arith.cmpi eq, %select_n3A_1287, %eq3A_1336 : vector<16xi32>
    %all_reduce_population_count3A_1338 = tpu.all_reduce %eq3A_1337 {dim = 0 : i64, kind = #tpu.reduction_kind<sum>} : vector<16xi1> -> vector<16xi32>
    %eq3A_1339 = arith.constant 2 : i32
    %eq3A_1340 = vector.broadcast %eq3A_1339 : i32 to vector<16xi32>
    %eq3A_1341 = arith.cmpi eq, %iota3A, %eq3A_1340 : vector<16xi32>
    %convert_element_type3A_1342 = arith.sitofp %all_reduce_population_count3A_1338 : vector<16xi32> to vector<16xf32>
    %jit3A_1343 = arith.constant 0.000000e+00 : f32
    %broadcast_in_dim3A_1344 = vector.broadcast %jit3A_1343 : f32 to vector<16xf32>
    %select_n3A_1345 = arith.select %eq3A_1341, %convert_element_type3A_1342, %broadcast_in_dim3A_1344 : vector<16xi1>, vector<16xf32>
    %add3A_1346 = arith.addf %add3A_1334, %select_n3A_1345 : vector<16xf32>
    %eq3A_1347 = arith.constant 3 : i32
    %eq3A_1348 = vector.broadcast %eq3A_1347 : i32 to vector<16xi32>
    %eq3A_1349 = arith.cmpi eq, %select_n3A_1287, %eq3A_1348 : vector<16xi32>
    %all_reduce_population_count3A_1350 = tpu.all_reduce %eq3A_1349 {dim = 0 : i64, kind = #tpu.reduction_kind<sum>} : vector<16xi1> -> vector<16xi32>
    %eq3A_1351 = arith.constant 3 : i32
    %eq3A_1352 = vector.broadcast %eq3A_1351 : i32 to vector<16xi32>
    %eq3A_1353 = arith.cmpi eq, %iota3A, %eq3A_1352 : vector<16xi32>
    %convert_element_type3A_1354 = arith.sitofp %all_reduce_population_count3A_1350 : vector<16xi32> to vector<16xf32>
    %jit3A_1355 = arith.constant 0.000000e+00 : f32
    %broadcast_in_dim3A_1356 = vector.broadcast %jit3A_1355 : f32 to vector<16xf32>
    %select_n3A_1357 = arith.select %eq3A_1353, %convert_element_type3A_1354, %broadcast_in_dim3A_1356 : vector<16xi1>, vector<16xf32>
    %add3A_1358 = arith.addf %add3A_1346, %select_n3A_1357 : vector<16xf32>
    %eq3A_1359 = arith.constant 4 : i32
    %eq3A_1360 = vector.broadcast %eq3A_1359 : i32 to vector<16xi32>
    %eq3A_1361 = arith.cmpi eq, %select_n3A_1287, %eq3A_1360 : vector<16xi32>
    %all_reduce_population_count3A_1362 = tpu.all_reduce %eq3A_1361 {dim = 0 : i64, kind = #tpu.reduction_kind<sum>} : vector<16xi1> -> vector<16xi32>
    %eq3A_1363 = arith.constant 4 : i32
    %eq3A_1364 = vector.broadcast %eq3A_1363 : i32 to vector<16xi32>
    %eq3A_1365 = arith.cmpi eq, %iota3A, %eq3A_1364 : vector<16xi32>
    %convert_element_type3A_1366 = arith.sitofp %all_reduce_population_count3A_1362 : vector<16xi32> to vector<16xf32>
    %jit3A_1367 = arith.constant 0.000000e+00 : f32
    %broadcast_in_dim3A_1368 = vector.broadcast %jit3A_1367 : f32 to vector<16xf32>
    %select_n3A_1369 = arith.select %eq3A_1365, %convert_element_type3A_1366, %broadcast_in_dim3A_1368 : vector<16xi1>, vector<16xf32>
    %add3A_1370 = arith.addf %add3A_1358, %select_n3A_1369 : vector<16xf32>
    %eq3A_1371 = arith.constant 5 : i32
    %eq3A_1372 = vector.broadcast %eq3A_1371 : i32 to vector<16xi32>
    %eq3A_1373 = arith.cmpi eq, %select_n3A_1287, %eq3A_1372 : vector<16xi32>
    %all_reduce_population_count3A_1374 = tpu.all_reduce %eq3A_1373 {dim = 0 : i64, kind = #tpu.reduction_kind<sum>} : vector<16xi1> -> vector<16xi32>
    %eq3A_1375 = arith.constant 5 : i32
    %eq3A_1376 = vector.broadcast %eq3A_1375 : i32 to vector<16xi32>
    %eq3A_1377 = arith.cmpi eq, %iota3A, %eq3A_1376 : vector<16xi32>
    %convert_element_type3A_1378 = arith.sitofp %all_reduce_population_count3A_1374 : vector<16xi32> to vector<16xf32>
    %jit3A_1379 = arith.constant 0.000000e+00 : f32
    %broadcast_in_dim3A_1380 = vector.broadcast %jit3A_1379 : f32 to vector<16xf32>
    %select_n3A_1381 = arith.select %eq3A_1377, %convert_element_type3A_1378, %broadcast_in_dim3A_1380 : vector<16xi1>, vector<16xf32>
    %add3A_1382 = arith.addf %add3A_1370, %select_n3A_1381 : vector<16xf32>
    %eq3A_1383 = arith.constant 6 : i32
    %eq3A_1384 = vector.broadcast %eq3A_1383 : i32 to vector<16xi32>
    %eq3A_1385 = arith.cmpi eq, %select_n3A_1287, %eq3A_1384 : vector<16xi32>
    %all_reduce_population_count3A_1386 = tpu.all_reduce %eq3A_1385 {dim = 0 : i64, kind = #tpu.reduction_kind<sum>} : vector<16xi1> -> vector<16xi32>
    %eq3A_1387 = arith.constant 6 : i32
    %eq3A_1388 = vector.broadcast %eq3A_1387 : i32 to vector<16xi32>
    %eq3A_1389 = arith.cmpi eq, %iota3A, %eq3A_1388 : vector<16xi32>
    %convert_element_type3A_1390 = arith.sitofp %all_reduce_population_count3A_1386 : vector<16xi32> to vector<16xf32>
    %jit3A_1391 = arith.constant 0.000000e+00 : f32
    %broadcast_in_dim3A_1392 = vector.broadcast %jit3A_1391 : f32 to vector<16xf32>
    %select_n3A_1393 = arith.select %eq3A_1389, %convert_element_type3A_1390, %broadcast_in_dim3A_1392 : vector<16xi1>, vector<16xf32>
    %add3A_1394 = arith.addf %add3A_1382, %select_n3A_1393 : vector<16xf32>
    %eq3A_1395 = arith.constant 7 : i32
    %eq3A_1396 = vector.broadcast %eq3A_1395 : i32 to vector<16xi32>
    %eq3A_1397 = arith.cmpi eq, %select_n3A_1287, %eq3A_1396 : vector<16xi32>
    %all_reduce_population_count3A_1398 = tpu.all_reduce %eq3A_1397 {dim = 0 : i64, kind = #tpu.reduction_kind<sum>} : vector<16xi1> -> vector<16xi32>
    %eq3A_1399 = arith.constant 7 : i32
    %eq3A_1400 = vector.broadcast %eq3A_1399 : i32 to vector<16xi32>
    %eq3A_1401 = arith.cmpi eq, %iota3A, %eq3A_1400 : vector<16xi32>
    %convert_element_type3A_1402 = arith.sitofp %all_reduce_population_count3A_1398 : vector<16xi32> to vector<16xf32>
    %jit3A_1403 = arith.constant 0.000000e+00 : f32
    %broadcast_in_dim3A_1404 = vector.broadcast %jit3A_1403 : f32 to vector<16xf32>
    %select_n3A_1405 = arith.select %eq3A_1401, %convert_element_type3A_1402, %broadcast_in_dim3A_1404 : vector<16xi1>, vector<16xf32>
    %add3A_1406 = arith.addf %add3A_1394, %select_n3A_1405 : vector<16xf32>
    %add3A_1407 = arith.constant 112 : i32
    %add3A_1408 = vector.broadcast %add3A_1407 : i32 to vector<16xi32>
    %add3A_1409 = arith.addi %iota3A, %add3A_1408 : vector<16xi32>
    %broadcast_in_dim3A_1410 = arith.constant 0 : i32
    %broadcast_in_dim3A_1411 = vector.broadcast %broadcast_in_dim3A_1410 : i32 to vector<16xi32>
    %gather3A_1412 = tpu.vector_load_idx %arg6[%add3A_1409, %broadcast_in_dim3A_1411] : memref<128x24xf32, #tpu.memory_space<vmem>>[vector<16xi32>, vector<16xi32>], vector<16xf32>,
    %broadcast_in_dim3A_1413 = arith.constant 0 : i32
    %broadcast_in_dim3A_1414 = vector.broadcast %broadcast_in_dim3A_1413 : i32 to vector<16xi32>
    %broadcast_in_dim3A_1415 = arith.constant 1 : i32
    %broadcast_in_dim3A_1416 = vector.broadcast %broadcast_in_dim3A_1415 : i32 to vector<16xi32>
    %gather3A_1417 = tpu.vector_load_idx %arg6[%add3A_1409, %broadcast_in_dim3A_1416] : memref<128x24xf32, #tpu.memory_space<vmem>>[vector<16xi32>, vector<16xi32>], vector<16xf32>,
    %gt3A_1418 = arith.cmpf ogt, %gather3A_1417, %gather3A_1412 : vector<16xf32>
    %select_n3A_1419 = arith.select %gt3A_1418, %gather3A_1417, %gather3A_1412 : vector<16xi1>, vector<16xf32>
    %jit3A_1420 = arith.constant 1 : i32
    %broadcast_in_dim3A_1421 = vector.broadcast %jit3A_1420 : i32 to vector<16xi32>
    %select_n3A_1422 = arith.select %gt3A_1418, %broadcast_in_dim3A_1421, %broadcast_in_dim3A_1414 : vector<16xi1>, vector<16xi32>
    %broadcast_in_dim3A_1423 = arith.constant 2 : i32
    %broadcast_in_dim3A_1424 = vector.broadcast %broadcast_in_dim3A_1423 : i32 to vector<16xi32>
    %gather3A_1425 = tpu.vector_load_idx %arg6[%add3A_1409, %broadcast_in_dim3A_1424] : memref<128x24xf32, #tpu.memory_space<vmem>>[vector<16xi32>, vector<16xi32>], vector<16xf32>,
    %gt3A_1426 = arith.cmpf ogt, %gather3A_1425, %select_n3A_1419 : vector<16xf32>
    %select_n3A_1427 = arith.select %gt3A_1426, %gather3A_1425, %select_n3A_1419 : vector<16xi1>, vector<16xf32>
    %jit3A_1428 = arith.constant 2 : i32
    %broadcast_in_dim3A_1429 = vector.broadcast %jit3A_1428 : i32 to vector<16xi32>
    %select_n3A_1430 = arith.select %gt3A_1426, %broadcast_in_dim3A_1429, %select_n3A_1422 : vector<16xi1>, vector<16xi32>
    %broadcast_in_dim3A_1431 = arith.constant 3 : i32
    %broadcast_in_dim3A_1432 = vector.broadcast %broadcast_in_dim3A_1431 : i32 to vector<16xi32>
    %gather3A_1433 = tpu.vector_load_idx %arg6[%add3A_1409, %broadcast_in_dim3A_1432] : memref<128x24xf32, #tpu.memory_space<vmem>>[vector<16xi32>, vector<16xi32>], vector<16xf32>,
    %gt3A_1434 = arith.cmpf ogt, %gather3A_1433, %select_n3A_1427 : vector<16xf32>
    %select_n3A_1435 = arith.select %gt3A_1434, %gather3A_1433, %select_n3A_1427 : vector<16xi1>, vector<16xf32>
    %jit3A_1436 = arith.constant 3 : i32
    %broadcast_in_dim3A_1437 = vector.broadcast %jit3A_1436 : i32 to vector<16xi32>
    %select_n3A_1438 = arith.select %gt3A_1434, %broadcast_in_dim3A_1437, %select_n3A_1430 : vector<16xi1>, vector<16xi32>
    %broadcast_in_dim3A_1439 = arith.constant 4 : i32
    %broadcast_in_dim3A_1440 = vector.broadcast %broadcast_in_dim3A_1439 : i32 to vector<16xi32>
    %gather3A_1441 = tpu.vector_load_idx %arg6[%add3A_1409, %broadcast_in_dim3A_1440] : memref<128x24xf32, #tpu.memory_space<vmem>>[vector<16xi32>, vector<16xi32>], vector<16xf32>,
    %gt3A_1442 = arith.cmpf ogt, %gather3A_1441, %select_n3A_1435 : vector<16xf32>
    %select_n3A_1443 = arith.select %gt3A_1442, %gather3A_1441, %select_n3A_1435 : vector<16xi1>, vector<16xf32>
    %jit3A_1444 = arith.constant 4 : i32
    %broadcast_in_dim3A_1445 = vector.broadcast %jit3A_1444 : i32 to vector<16xi32>
    %select_n3A_1446 = arith.select %gt3A_1442, %broadcast_in_dim3A_1445, %select_n3A_1438 : vector<16xi1>, vector<16xi32>
    %broadcast_in_dim3A_1447 = arith.constant 5 : i32
    %broadcast_in_dim3A_1448 = vector.broadcast %broadcast_in_dim3A_1447 : i32 to vector<16xi32>
    %gather3A_1449 = tpu.vector_load_idx %arg6[%add3A_1409, %broadcast_in_dim3A_1448] : memref<128x24xf32, #tpu.memory_space<vmem>>[vector<16xi32>, vector<16xi32>], vector<16xf32>,
    %gt3A_1450 = arith.cmpf ogt, %gather3A_1449, %select_n3A_1443 : vector<16xf32>
    %select_n3A_1451 = arith.select %gt3A_1450, %gather3A_1449, %select_n3A_1443 : vector<16xi1>, vector<16xf32>
    %jit3A_1452 = arith.constant 5 : i32
    %broadcast_in_dim3A_1453 = vector.broadcast %jit3A_1452 : i32 to vector<16xi32>
    %select_n3A_1454 = arith.select %gt3A_1450, %broadcast_in_dim3A_1453, %select_n3A_1446 : vector<16xi1>, vector<16xi32>
    %broadcast_in_dim3A_1455 = arith.constant 6 : i32
    %broadcast_in_dim3A_1456 = vector.broadcast %broadcast_in_dim3A_1455 : i32 to vector<16xi32>
    %gather3A_1457 = tpu.vector_load_idx %arg6[%add3A_1409, %broadcast_in_dim3A_1456] : memref<128x24xf32, #tpu.memory_space<vmem>>[vector<16xi32>, vector<16xi32>], vector<16xf32>,
    %gt3A_1458 = arith.cmpf ogt, %gather3A_1457, %select_n3A_1451 : vector<16xf32>
    %select_n3A_1459 = arith.select %gt3A_1458, %gather3A_1457, %select_n3A_1451 : vector<16xi1>, vector<16xf32>
    %jit3A_1460 = arith.constant 6 : i32
    %broadcast_in_dim3A_1461 = vector.broadcast %jit3A_1460 : i32 to vector<16xi32>
    %select_n3A_1462 = arith.select %gt3A_1458, %broadcast_in_dim3A_1461, %select_n3A_1454 : vector<16xi1>, vector<16xi32>
    %broadcast_in_dim3A_1463 = arith.constant 7 : i32
    %broadcast_in_dim3A_1464 = vector.broadcast %broadcast_in_dim3A_1463 : i32 to vector<16xi32>
    %gather3A_1465 = tpu.vector_load_idx %arg6[%add3A_1409, %broadcast_in_dim3A_1464] : memref<128x24xf32, #tpu.memory_space<vmem>>[vector<16xi32>, vector<16xi32>], vector<16xf32>,
    %gt3A_1466 = arith.cmpf ogt, %gather3A_1465, %select_n3A_1459 : vector<16xf32>
    %select_n3A_1467 = arith.select %gt3A_1466, %gather3A_1465, %select_n3A_1459 : vector<16xi1>, vector<16xf32>
    %jit3A_1468 = arith.constant 7 : i32
    %broadcast_in_dim3A_1469 = vector.broadcast %jit3A_1468 : i32 to vector<16xi32>
    %select_n3A_1470 = arith.select %gt3A_1466, %broadcast_in_dim3A_1469, %select_n3A_1462 : vector<16xi1>, vector<16xi32>
    %add3A_1471 = arith.constant 8 : i32
    %add3A_1472 = vector.broadcast %add3A_1471 : i32 to vector<16xi32>
    %add3A_1473 = arith.addi %select_n3A_1470, %add3A_1472 : vector<16xi32>
    %gather3A_1474 = tpu.vector_load_idx %arg6[%add3A_1409, %add3A_1473] : memref<128x24xf32, #tpu.memory_space<vmem>>[vector<16xi32>, vector<16xi32>], vector<16xf32>,
    %add3A_1475 = arith.constant 16 : i32
    %add3A_1476 = vector.broadcast %add3A_1475 : i32 to vector<16xi32>
    %add3A_1477 = arith.addi %select_n3A_1470, %add3A_1476 : vector<16xi32>
    %gather3A_1478 = tpu.vector_load_idx %arg6[%add3A_1409, %add3A_1477] : memref<128x24xf32, #tpu.memory_space<vmem>>[vector<16xi32>, vector<16xi32>], vector<16xf32>,
    %mul3A_1479 = arith.constant 2 : i32
    %mul3A_1480 = vector.broadcast %mul3A_1479 : i32 to vector<16xi32>
    %mul3A_1481 = arith.muli %add3A_1409, %mul3A_1480 : vector<16xi32>
    %mul3A_1482 = arith.mulf %select_n3A_1467, %gather3A_1474 : vector<16xf32>
    tpu.vector_store_idx %arg7[%mul3A_1481], %mul3A_1482 : memref<256xf32, #tpu.memory_space<vmem>>[vector<16xi32>], vector<16xf32>,
    %mul3A_1483 = arith.constant 2 : i32
    %mul3A_1484 = vector.broadcast %mul3A_1483 : i32 to vector<16xi32>
    %mul3A_1485 = arith.muli %add3A_1409, %mul3A_1484 : vector<16xi32>
    %add3A_1486 = arith.constant 1 : i32
    %add3A_1487 = vector.broadcast %add3A_1486 : i32 to vector<16xi32>
    %add3A_1488 = arith.addi %mul3A_1485, %add3A_1487 : vector<16xi32>
    %mul3A_1489 = arith.mulf %select_n3A_1467, %gather3A_1478 : vector<16xf32>
    tpu.vector_store_idx %arg7[%add3A_1488], %mul3A_1489 : memref<256xf32, #tpu.memory_space<vmem>>[vector<16xi32>], vector<16xf32>,
    %mul3A_1490 = arith.constant 8 : i32
    %mul3A_1491 = vector.broadcast %mul3A_1490 : i32 to vector<16xi32>
    %mul3A_1492 = arith.muli %add3A_1409, %mul3A_1491 : vector<16xi32>
    %add3A_1493 = arith.addi %mul3A_1492, %select_n3A_1470 : vector<16xi32>
    tpu.vector_store_idx %arg8[%add3A_1493], %broadcast_in_dim3A_132 : memref<1024xf32, #tpu.memory_space<vmem>>[vector<16xi32>], vector<16xf32>,
    %eq3A_1494 = arith.constant 0 : i32
    %eq3A_1495 = vector.broadcast %eq3A_1494 : i32 to vector<16xi32>
    %eq3A_1496 = arith.cmpi eq, %select_n3A_1470, %eq3A_1495 : vector<16xi32>
    %all_reduce_population_count3A_1497 = tpu.all_reduce %eq3A_1496 {dim = 0 : i64, kind = #tpu.reduction_kind<sum>} : vector<16xi1> -> vector<16xi32>
    %eq3A_1498 = arith.constant 0 : i32
    %eq3A_1499 = vector.broadcast %eq3A_1498 : i32 to vector<16xi32>
    %eq3A_1500 = arith.cmpi eq, %iota3A, %eq3A_1499 : vector<16xi32>
    %convert_element_type3A_1501 = arith.sitofp %all_reduce_population_count3A_1497 : vector<16xi32> to vector<16xf32>
    %jit3A_1502 = arith.constant 0.000000e+00 : f32
    %broadcast_in_dim3A_1503 = vector.broadcast %jit3A_1502 : f32 to vector<16xf32>
    %select_n3A_1504 = arith.select %eq3A_1500, %convert_element_type3A_1501, %broadcast_in_dim3A_1503 : vector<16xi1>, vector<16xf32>
    %add3A_1505 = arith.addf %add3A_1406, %select_n3A_1504 : vector<16xf32>
    %eq3A_1506 = arith.constant 1 : i32
    %eq3A_1507 = vector.broadcast %eq3A_1506 : i32 to vector<16xi32>
    %eq3A_1508 = arith.cmpi eq, %select_n3A_1470, %eq3A_1507 : vector<16xi32>
    %all_reduce_population_count3A_1509 = tpu.all_reduce %eq3A_1508 {dim = 0 : i64, kind = #tpu.reduction_kind<sum>} : vector<16xi1> -> vector<16xi32>
    %eq3A_1510 = arith.constant 1 : i32
    %eq3A_1511 = vector.broadcast %eq3A_1510 : i32 to vector<16xi32>
    %eq3A_1512 = arith.cmpi eq, %iota3A, %eq3A_1511 : vector<16xi32>
    %convert_element_type3A_1513 = arith.sitofp %all_reduce_population_count3A_1509 : vector<16xi32> to vector<16xf32>
    %jit3A_1514 = arith.constant 0.000000e+00 : f32
    %broadcast_in_dim3A_1515 = vector.broadcast %jit3A_1514 : f32 to vector<16xf32>
    %select_n3A_1516 = arith.select %eq3A_1512, %convert_element_type3A_1513, %broadcast_in_dim3A_1515 : vector<16xi1>, vector<16xf32>
    %add3A_1517 = arith.addf %add3A_1505, %select_n3A_1516 : vector<16xf32>
    %eq3A_1518 = arith.constant 2 : i32
    %eq3A_1519 = vector.broadcast %eq3A_1518 : i32 to vector<16xi32>
    %eq3A_1520 = arith.cmpi eq, %select_n3A_1470, %eq3A_1519 : vector<16xi32>
    %all_reduce_population_count3A_1521 = tpu.all_reduce %eq3A_1520 {dim = 0 : i64, kind = #tpu.reduction_kind<sum>} : vector<16xi1> -> vector<16xi32>
    %eq3A_1522 = arith.constant 2 : i32
    %eq3A_1523 = vector.broadcast %eq3A_1522 : i32 to vector<16xi32>
    %eq3A_1524 = arith.cmpi eq, %iota3A, %eq3A_1523 : vector<16xi32>
    %convert_element_type3A_1525 = arith.sitofp %all_reduce_population_count3A_1521 : vector<16xi32> to vector<16xf32>
    %jit3A_1526 = arith.constant 0.000000e+00 : f32
    %broadcast_in_dim3A_1527 = vector.broadcast %jit3A_1526 : f32 to vector<16xf32>
    %select_n3A_1528 = arith.select %eq3A_1524, %convert_element_type3A_1525, %broadcast_in_dim3A_1527 : vector<16xi1>, vector<16xf32>
    %add3A_1529 = arith.addf %add3A_1517, %select_n3A_1528 : vector<16xf32>
    %eq3A_1530 = arith.constant 3 : i32
    %eq3A_1531 = vector.broadcast %eq3A_1530 : i32 to vector<16xi32>
    %eq3A_1532 = arith.cmpi eq, %select_n3A_1470, %eq3A_1531 : vector<16xi32>
    %all_reduce_population_count3A_1533 = tpu.all_reduce %eq3A_1532 {dim = 0 : i64, kind = #tpu.reduction_kind<sum>} : vector<16xi1> -> vector<16xi32>
    %eq3A_1534 = arith.constant 3 : i32
    %eq3A_1535 = vector.broadcast %eq3A_1534 : i32 to vector<16xi32>
    %eq3A_1536 = arith.cmpi eq, %iota3A, %eq3A_1535 : vector<16xi32>
    %convert_element_type3A_1537 = arith.sitofp %all_reduce_population_count3A_1533 : vector<16xi32> to vector<16xf32>
    %jit3A_1538 = arith.constant 0.000000e+00 : f32
    %broadcast_in_dim3A_1539 = vector.broadcast %jit3A_1538 : f32 to vector<16xf32>
    %select_n3A_1540 = arith.select %eq3A_1536, %convert_element_type3A_1537, %broadcast_in_dim3A_1539 : vector<16xi1>, vector<16xf32>
    %add3A_1541 = arith.addf %add3A_1529, %select_n3A_1540 : vector<16xf32>
    %eq3A_1542 = arith.constant 4 : i32
    %eq3A_1543 = vector.broadcast %eq3A_1542 : i32 to vector<16xi32>
    %eq3A_1544 = arith.cmpi eq, %select_n3A_1470, %eq3A_1543 : vector<16xi32>
    %all_reduce_population_count3A_1545 = tpu.all_reduce %eq3A_1544 {dim = 0 : i64, kind = #tpu.reduction_kind<sum>} : vector<16xi1> -> vector<16xi32>
    %eq3A_1546 = arith.constant 4 : i32
    %eq3A_1547 = vector.broadcast %eq3A_1546 : i32 to vector<16xi32>
    %eq3A_1548 = arith.cmpi eq, %iota3A, %eq3A_1547 : vector<16xi32>
    %convert_element_type3A_1549 = arith.sitofp %all_reduce_population_count3A_1545 : vector<16xi32> to vector<16xf32>
    %jit3A_1550 = arith.constant 0.000000e+00 : f32
    %broadcast_in_dim3A_1551 = vector.broadcast %jit3A_1550 : f32 to vector<16xf32>
    %select_n3A_1552 = arith.select %eq3A_1548, %convert_element_type3A_1549, %broadcast_in_dim3A_1551 : vector<16xi1>, vector<16xf32>
    %add3A_1553 = arith.addf %add3A_1541, %select_n3A_1552 : vector<16xf32>
    %eq3A_1554 = arith.constant 5 : i32
    %eq3A_1555 = vector.broadcast %eq3A_1554 : i32 to vector<16xi32>
    %eq3A_1556 = arith.cmpi eq, %select_n3A_1470, %eq3A_1555 : vector<16xi32>
    %all_reduce_population_count3A_1557 = tpu.all_reduce %eq3A_1556 {dim = 0 : i64, kind = #tpu.reduction_kind<sum>} : vector<16xi1> -> vector<16xi32>
    %eq3A_1558 = arith.constant 5 : i32
    %eq3A_1559 = vector.broadcast %eq3A_1558 : i32 to vector<16xi32>
    %eq3A_1560 = arith.cmpi eq, %iota3A, %eq3A_1559 : vector<16xi32>
    %convert_element_type3A_1561 = arith.sitofp %all_reduce_population_count3A_1557 : vector<16xi32> to vector<16xf32>
    %jit3A_1562 = arith.constant 0.000000e+00 : f32
    %broadcast_in_dim3A_1563 = vector.broadcast %jit3A_1562 : f32 to vector<16xf32>
    %select_n3A_1564 = arith.select %eq3A_1560, %convert_element_type3A_1561, %broadcast_in_dim3A_1563 : vector<16xi1>, vector<16xf32>
    %add3A_1565 = arith.addf %add3A_1553, %select_n3A_1564 : vector<16xf32>
    %eq3A_1566 = arith.constant 6 : i32
    %eq3A_1567 = vector.broadcast %eq3A_1566 : i32 to vector<16xi32>
    %eq3A_1568 = arith.cmpi eq, %select_n3A_1470, %eq3A_1567 : vector<16xi32>
    %all_reduce_population_count3A_1569 = tpu.all_reduce %eq3A_1568 {dim = 0 : i64, kind = #tpu.reduction_kind<sum>} : vector<16xi1> -> vector<16xi32>
    %eq3A_1570 = arith.constant 6 : i32
    %eq3A_1571 = vector.broadcast %eq3A_1570 : i32 to vector<16xi32>
    %eq3A_1572 = arith.cmpi eq, %iota3A, %eq3A_1571 : vector<16xi32>
    %convert_element_type3A_1573 = arith.sitofp %all_reduce_population_count3A_1569 : vector<16xi32> to vector<16xf32>
    %jit3A_1574 = arith.constant 0.000000e+00 : f32
    %broadcast_in_dim3A_1575 = vector.broadcast %jit3A_1574 : f32 to vector<16xf32>
    %select_n3A_1576 = arith.select %eq3A_1572, %convert_element_type3A_1573, %broadcast_in_dim3A_1575 : vector<16xi1>, vector<16xf32>
    %add3A_1577 = arith.addf %add3A_1565, %select_n3A_1576 : vector<16xf32>
    %eq3A_1578 = arith.constant 7 : i32
    %eq3A_1579 = vector.broadcast %eq3A_1578 : i32 to vector<16xi32>
    %eq3A_1580 = arith.cmpi eq, %select_n3A_1470, %eq3A_1579 : vector<16xi32>
    %all_reduce_population_count3A_1581 = tpu.all_reduce %eq3A_1580 {dim = 0 : i64, kind = #tpu.reduction_kind<sum>} : vector<16xi1> -> vector<16xi32>
    %eq3A_1582 = arith.constant 7 : i32
    %eq3A_1583 = vector.broadcast %eq3A_1582 : i32 to vector<16xi32>
    %eq3A_1584 = arith.cmpi eq, %iota3A, %eq3A_1583 : vector<16xi32>
    %convert_element_type3A_1585 = arith.sitofp %all_reduce_population_count3A_1581 : vector<16xi32> to vector<16xf32>
    %jit3A_1586 = arith.constant 0.000000e+00 : f32
    %broadcast_in_dim3A_1587 = vector.broadcast %jit3A_1586 : f32 to vector<16xf32>
    %select_n3A_1588 = arith.select %eq3A_1584, %convert_element_type3A_1585, %broadcast_in_dim3A_1587 : vector<16xi1>, vector<16xf32>
    %add3A_1589 = arith.addf %add3A_1577, %select_n3A_1588 : vector<16xf32>
    %swap3A_1590 = arith.constant 0 : index
    %swap3A_1591 = tpu.vector_load %arg9[%swap3A_1590] {strides = array<i32>} : memref<16xf32, #tpu.memory_space<vmem>>, vector<16xf32>,
    tpu.vector_store %arg9[%swap3A_1590], %add3A_1589 {strides = array<i32>} : memref<16xf32, #tpu.memory_space<vmem>>, vector<16xf32>,
    %mul3A_1592 = arith.constant 2 : i32
    %mul3A_1593 = arith.muli %mul3A_2, %mul3A_1592 : i32
    "tpu.region"() ({
      %run_scoped3A = tpu.sem_alloc : memref<!tpu.dma_semaphore, #tpu.memory_space<semaphore_mem>>
      %dma_start3A = tpu.memref_slice %arg3[%mul3A_1593] : memref<8192xf32, #tpu.memory_space<hbm>> -> memref<256xf32, #tpu.memory_space<hbm>>
      %dma_start3A_1598 = tpu.memref_slice %arg3[%mul3A_1593] : memref<8192xf32, #tpu.memory_space<hbm>> -> memref<256xf32, #tpu.memory_space<hbm>>
      tpu.enqueue_dma source(%arg7 : memref<256xf32, #tpu.memory_space<vmem>>) target(%dma_start3A_1598 : memref<256xf32, #tpu.memory_space<hbm>>) target_semaphore(%run_scoped3A : memref<!tpu.dma_semaphore, #tpu.memory_space<semaphore_mem>>)
      %dma_wait3A = tpu.memref_slice %arg3[%mul3A_1593] : memref<8192xf32, #tpu.memory_space<hbm>> -> memref<256xf32, #tpu.memory_space<hbm>>
      %dma_wait3A_1599 = tpu.memref_slice %arg3[%mul3A_1593] : memref<8192xf32, #tpu.memory_space<hbm>> -> memref<256xf32, #tpu.memory_space<hbm>>
      tpu.wait_dma2 semaphore(%run_scoped3A : memref<!tpu.dma_semaphore, #tpu.memory_space<semaphore_mem>>) src(%arg7 : memref<256xf32, #tpu.memory_space<vmem>>) dst(%dma_wait3A_1599 : memref<256xf32, #tpu.memory_space<hbm>>)
      tpu.yield
    }) : () -> ()
    %mul3A_1594 = arith.constant 8 : i32
    %mul3A_1595 = arith.muli %mul3A_2, %mul3A_1594 : i32
    "tpu.region"() ({
      %run_scoped3A = tpu.sem_alloc : memref<!tpu.dma_semaphore, #tpu.memory_space<semaphore_mem>>
      %dma_start3A = tpu.memref_slice %arg4[%mul3A_1595] : memref<32768xf32, #tpu.memory_space<hbm>> -> memref<1024xf32, #tpu.memory_space<hbm>>
      %dma_start3A_1598 = tpu.memref_slice %arg4[%mul3A_1595] : memref<32768xf32, #tpu.memory_space<hbm>> -> memref<1024xf32, #tpu.memory_space<hbm>>
      tpu.enqueue_dma source(%arg8 : memref<1024xf32, #tpu.memory_space<vmem>>) target(%dma_start3A_1598 : memref<1024xf32, #tpu.memory_space<hbm>>) target_semaphore(%run_scoped3A : memref<!tpu.dma_semaphore, #tpu.memory_space<semaphore_mem>>)
      %dma_wait3A = tpu.memref_slice %arg4[%mul3A_1595] : memref<32768xf32, #tpu.memory_space<hbm>> -> memref<1024xf32, #tpu.memory_space<hbm>>
      %dma_wait3A_1599 = tpu.memref_slice %arg4[%mul3A_1595] : memref<32768xf32, #tpu.memory_space<hbm>> -> memref<1024xf32, #tpu.memory_space<hbm>>
      tpu.wait_dma2 semaphore(%run_scoped3A : memref<!tpu.dma_semaphore, #tpu.memory_space<semaphore_mem>>) src(%arg8 : memref<1024xf32, #tpu.memory_space<vmem>>) dst(%dma_wait3A_1599 : memref<1024xf32, #tpu.memory_space<hbm>>)
      tpu.yield
    }) : () -> ()
    %mul3A_1596 = arith.constant 16 : i32
    %mul3A_1597 = arith.muli %add3A, %mul3A_1596 : i32
    "tpu.region"() ({
      %run_scoped3A = tpu.sem_alloc : memref<!tpu.dma_semaphore, #tpu.memory_space<semaphore_mem>>
      %dma_start3A = tpu.memref_slice %arg5[%mul3A_1597] : memref<512xf32, #tpu.memory_space<hbm>> -> memref<16xf32, #tpu.memory_space<hbm>>
      %dma_start3A_1598 = tpu.memref_slice %arg5[%mul3A_1597] : memref<512xf32, #tpu.memory_space<hbm>> -> memref<16xf32, #tpu.memory_space<hbm>>
      tpu.enqueue_dma source(%arg9 : memref<16xf32, #tpu.memory_space<vmem>>) target(%dma_start3A_1598 : memref<16xf32, #tpu.memory_space<hbm>>) target_semaphore(%run_scoped3A : memref<!tpu.dma_semaphore, #tpu.memory_space<semaphore_mem>>)
      %dma_wait3A = tpu.memref_slice %arg5[%mul3A_1597] : memref<512xf32, #tpu.memory_space<hbm>> -> memref<16xf32, #tpu.memory_space<hbm>>
      %dma_wait3A_1599 = tpu.memref_slice %arg5[%mul3A_1597] : memref<512xf32, #tpu.memory_space<hbm>> -> memref<16xf32, #tpu.memory_space<hbm>>
      tpu.wait_dma2 semaphore(%run_scoped3A : memref<!tpu.dma_semaphore, #tpu.memory_space<semaphore_mem>>) src(%arg9 : memref<16xf32, #tpu.memory_space<vmem>>) dst(%dma_wait3A_1599 : memref<16xf32, #tpu.memory_space<hbm>>)
      tpu.yield
    }) : () -> ()
    return
  }
}

module attributes {stable_mosaic.version = 14 : i64} {
  func.func @_proj_body(%arg0: i32, %arg1: memref<6144x128xf32, #tpu.memory_space<vmem>>, %arg2: memref<768x128xf32, #tpu.memory_space<vmem>>, %arg3: memref<1x128xf32, #tpu.memory_space<vmem>>, %arg4: memref<32x128xf32, #tpu.memory_space<vmem>>, %arg5: memref<1024x24xf32, #tpu.memory_space<vmem>>, %arg6: memref<1x128xf32, #tpu.memory_space<vmem>>) attributes {dimension_semantics = [#tpu.dimension_semantics<arbitrary>], iteration_bounds = array<i64: 4>, scalar_prefetch = 0 : i64, scratch_operands = 0 : i64, tpu.core_type = #tpu.core_type<tc>, window_params = [{transform_indices = @transform_0, window_bounds = array<i64: 6144, 128>}, {pipeline_mode = #tpu.pipeline_mode<synchronous>, transform_indices = @transform_1, window_bounds = array<i64: 768, 128>}, {pipeline_mode = #tpu.pipeline_mode<synchronous>, transform_indices = @transform_2, window_bounds = array<i64: 1, 128>}, {pipeline_mode = #tpu.pipeline_mode<synchronous>, transform_indices = @transform_3, window_bounds = array<i64: 32, 128>}, {transform_indices = @transform_4, window_bounds = array<i64: 1024, 24>}, {pipeline_mode = #tpu.pipeline_mode<synchronous>, transform_indices = @transform_5, window_bounds = array<i64: 1, 128>}]} {
    %get3A = arith.constant 0 : index
    %get3A_0 = arith.constant 0 : index
    %get3A_1 = vector.load %arg1[%get3A, %get3A_0] : memref<6144x128xf32, #tpu.memory_space<vmem>>, vector<6144x128xf32>
    %reshape3A = vector.shape_cast %get3A_1 : vector<6144x128xf32> to vector<1024x768xf32>
    %get3A_2 = arith.constant 0 : index
    %get3A_3 = arith.constant 0 : index
    %get3A_4 = vector.load %arg2[%get3A_2, %get3A_3] : memref<768x128xf32, #tpu.memory_space<vmem>>, vector<768x128xf32>
    %dot_general3A = arith.constant dense<0.000000e+00> : vector<1024x128xf32>
    %dot_general3A_5 = tpu.matmul %reshape3A, %get3A_4, %dot_general3A {dimension_numbers = #tpu.dot_dimension_numbers<[1], [0], [0], [1], [0, 0, 1, 1], [], []>, transpose_lhs_hint = false} : vector<1024x768xf32>, vector<768x128xf32>, vector<1024x128xf32> -> vector<1024x128xf32>
    %get3A_6 = arith.constant 0 : index
    %get3A_7 = arith.constant 0 : index
    %get3A_8 = vector.load %arg3[%get3A_6, %get3A_7] : memref<1x128xf32, #tpu.memory_space<vmem>>, vector<1x128xf32>
    %add3A = vector.broadcast %get3A_8 : vector<1x128xf32> to vector<1024x128xf32>
    %add3A_9 = arith.addf %dot_general3A_5, %add3A : vector<1024x128xf32>
    %iota3A = tpu.iota {dimensions = array<i32: 1>} : vector<1024x128xi32>
    %iota3A_10 = tpu.iota {dimensions = array<i32: 1>} : vector<1024x32xi32>
    %iota3A_11 = tpu.iota {dimensions = array<i32: 0>} : vector<1024x32xi32>
    %mul3A = arith.constant 8 : i32
    %mul3A_12 = arith.muli %arg0, %mul3A : i32
    %jit3A = arith.constant 128 : i32
    %div3A = vector.broadcast %jit3A : i32 to vector<1024x32xi32>
    %div3A_13 = arith.divsi %iota3A_11, %div3A : vector<1024x32xi32>
    %sign3A = arith.constant 0 : i32
    %sign3A_14 = vector.broadcast %sign3A : i32 to vector<1024x32xi32>
    %sign3A_15 = arith.cmpi sgt, %iota3A_11, %sign3A_14 : vector<1024x32xi32>
    %sign3A_16 = arith.extui %sign3A_15 : vector<1024x32xi1> to vector<1024x32xi32>
    %sign3A_17 = arith.constant 0 : i32
    %sign3A_18 = vector.broadcast %sign3A_17 : i32 to vector<1024x32xi32>
    %sign3A_19 = arith.cmpi slt, %iota3A_11, %sign3A_18 : vector<1024x32xi32>
    %sign3A_20 = arith.extui %sign3A_19 : vector<1024x32xi1> to vector<1024x32xi32>
    %sign3A_21 = arith.subi %sign3A_16, %sign3A_20 : vector<1024x32xi32>
    %sign3A_22 = arith.constant 0 : i32
    %sign3A_23 = arith.cmpi sgt, %jit3A, %sign3A_22 : i32
    %sign3A_24 = arith.extui %sign3A_23 : i1 to i32
    %sign3A_25 = arith.constant 0 : i32
    %sign3A_26 = arith.cmpi slt, %jit3A, %sign3A_25 : i32
    %sign3A_27 = arith.extui %sign3A_26 : i1 to i32
    %sign3A_28 = arith.subi %sign3A_24, %sign3A_27 : i32
    %ne3A = vector.broadcast %sign3A_28 : i32 to vector<1024x32xi32>
    %ne3A_29 = arith.cmpi ne, %sign3A_21, %ne3A : vector<1024x32xi32>
    %rem3A = vector.broadcast %jit3A : i32 to vector<1024x32xi32>
    %rem3A_30 = arith.remsi %iota3A_11, %rem3A : vector<1024x32xi32>
    %ne3A_31 = arith.constant 0 : i32
    %ne3A_32 = vector.broadcast %ne3A_31 : i32 to vector<1024x32xi32>
    %ne3A_33 = arith.cmpi ne, %rem3A_30, %ne3A_32 : vector<1024x32xi32>
    %and3A = arith.andi %ne3A_29, %ne3A_33 : vector<1024x32xi1>
    %sub3A = arith.constant 1 : i32
    %sub3A_34 = vector.broadcast %sub3A : i32 to vector<1024x32xi32>
    %sub3A_35 = arith.subi %div3A_13, %sub3A_34 : vector<1024x32xi32>
    %select_n3A = arith.select %and3A, %sub3A_35, %div3A_13 : vector<1024x32xi1>, vector<1024x32xi32>
    %add3A_36 = vector.broadcast %mul3A_12 : i32 to vector<1024x32xi32>
    %add3A_37 = arith.addi %add3A_36, %select_n3A : vector<1024x32xi32>
    %eq3A = arith.cmpi eq, %iota3A_10, %add3A_37 : vector<1024x32xi32>
    %convert_element_type3A = arith.extui %eq3A : vector<1024x32xi1> to vector<1024x32xi32>
    %convert_element_type3A_38 = arith.sitofp %convert_element_type3A : vector<1024x32xi32> to vector<1024x32xf32>
    %get3A_39 = arith.constant 0 : index
    %get3A_40 = arith.constant 0 : index
    %get3A_41 = vector.load %arg4[%get3A_39, %get3A_40] : memref<32x128xf32, #tpu.memory_space<vmem>>, vector<32x128xf32>
    %dot_general3A_42 = arith.constant dense<0.000000e+00> : vector<1024x128xf32>
    %dot_general3A_43 = tpu.matmul %convert_element_type3A_38, %get3A_41, %dot_general3A_42 {dimension_numbers = #tpu.dot_dimension_numbers<[1], [0], [0], [1], [0, 0, 1, 1], [], []>, transpose_lhs_hint = false} : vector<1024x32xf32>, vector<32x128xf32>, vector<1024x128xf32> -> vector<1024x128xf32>
    %iota3A_44 = tpu.iota {dimensions = array<i32: 0>} : vector<1024x128xi32>
    %jit3A_45 = arith.constant 128 : i32
    %eq3A_46 = arith.constant 0 : i32
    %eq3A_47 = arith.cmpi eq, %jit3A_45, %eq3A_46 : i32
    %jit3A_48 = arith.constant 1 : i32
    %select_n3A_49 = arith.select %eq3A_47, %jit3A_48, %jit3A_45 : i32
    %rem3A_50 = vector.broadcast %select_n3A_49 : i32 to vector<1024x128xi32>
    %rem3A_51 = arith.remsi %iota3A_44, %rem3A_50 : vector<1024x128xi32>
    %ne3A_52 = arith.constant 0 : i32
    %ne3A_53 = vector.broadcast %ne3A_52 : i32 to vector<1024x128xi32>
    %ne3A_54 = arith.cmpi ne, %rem3A_51, %ne3A_53 : vector<1024x128xi32>
    %lt3A = arith.constant 0 : i32
    %lt3A_55 = vector.broadcast %lt3A : i32 to vector<1024x128xi32>
    %lt3A_56 = arith.cmpi slt, %rem3A_51, %lt3A_55 : vector<1024x128xi32>
    %lt3A_57 = arith.constant 0 : i32
    %lt3A_58 = arith.cmpi slt, %select_n3A_49, %lt3A_57 : i32
    %ne3A_59 = vector.broadcast %lt3A_58 : i1 to vector<1024x128xi1>
    %ne3A_60 = vector.broadcast %ne3A_59 : vector<1024x128xi1> to vector<1024x128xi1>
    %ne3A_61 = arith.xori %lt3A_56, %ne3A_60 : vector<1024x128xi1>
    %and3A_62 = arith.andi %ne3A_61, %ne3A_54 : vector<1024x128xi1>
    %add3A_63 = vector.broadcast %select_n3A_49 : i32 to vector<1024x128xi32>
    %add3A_64 = arith.addi %rem3A_51, %add3A_63 : vector<1024x128xi32>
    %select_n3A_65 = arith.select %and3A_62, %add3A_64, %rem3A_51 : vector<1024x128xi1>, vector<1024x128xi32>
    %eq3A_66 = arith.cmpi eq, %iota3A, %select_n3A_65 : vector<1024x128xi32>
    %jit3A_67 = arith.constant 0.000000e+00 : f32
    %broadcast_in_dim3A = vector.broadcast %jit3A_67 : f32 to vector<1024x128xf32>
    %select_n3A_68 = arith.select %eq3A_66, %dot_general3A_43, %broadcast_in_dim3A : vector<1024x128xi1>, vector<1024x128xf32>
    %reduce_sum3A = arith.constant dense<0.000000e+00> : vector<1024xf32>
    %reduce_sum3A_69 = vector.multi_reduction <add>, %select_n3A_68, %reduce_sum3A [1] : vector<1024x128xf32> to vector<1024xf32>
    %broadcast_in_dim3A_70 = vector.shape_cast %reduce_sum3A_69 : vector<1024xf32> to vector<1024x1xf32>
    %lt3A_71 = arith.constant 8 : i32
    %lt3A_72 = vector.broadcast %lt3A_71 : i32 to vector<1024x128xi32>
    %lt3A_73 = arith.cmpi slt, %iota3A, %lt3A_72 : vector<1024x128xi32>
    %jit3A_74 = arith.constant 0.000000e+00 : f32
    %broadcast_in_dim3A_75 = vector.shape_cast %broadcast_in_dim3A_70 : vector<1024x1xf32> to vector<1024x1xf32>
    %broadcast_in_dim3A_76 = vector.broadcast %broadcast_in_dim3A_75 : vector<1024x1xf32> to vector<1024x128xf32>
    %broadcast_in_dim3A_77 = vector.broadcast %jit3A_74 : f32 to vector<1024x128xf32>
    %select_n3A_78 = arith.select %lt3A_73, %broadcast_in_dim3A_76, %broadcast_in_dim3A_77 : vector<1024x128xi1>, vector<1024x128xf32>
    %add3A_79 = arith.addf %add3A_9, %select_n3A_78 : vector<1024x128xf32>
    %slice3A = vector.extract_strided_slice %add3A_79 {offsets = [0, 0], sizes = [1024, 24], strides = [1, 1]} : vector<1024x128xf32> to vector<1024x24xf32>
    %swap3A = arith.constant 0 : index
    %swap3A_80 = arith.constant 0 : index
    %swap3A_81 = vector.load %arg5[%swap3A, %swap3A_80] : memref<1024x24xf32, #tpu.memory_space<vmem>>, vector<1024x24xf32>
    tpu.vector_store %arg5[%swap3A, %swap3A_80], %slice3A {strides = array<i32>} : memref<1024x24xf32, #tpu.memory_space<vmem>>, vector<1024x24xf32>,
    %lt3A_82 = arith.constant 8 : i32
    %lt3A_83 = vector.broadcast %lt3A_82 : i32 to vector<1024x128xi32>
    %lt3A_84 = arith.cmpi slt, %iota3A, %lt3A_83 : vector<1024x128xi32>
    %jit3A_85 = arith.constant 0.000000e+00 : f32
    %broadcast_in_dim3A_86 = vector.broadcast %jit3A_85 : f32 to vector<1024x128xf32>
    %select_n3A_87 = arith.select %lt3A_84, %add3A_79, %broadcast_in_dim3A_86 : vector<1024x128xi1>, vector<1024x128xf32>
    %reduce_sum3A_88 = arith.constant dense<0.000000e+00> : vector<128xf32>
    %reduce_sum3A_89 = vector.multi_reduction <add>, %select_n3A_87, %reduce_sum3A_88 [0] : vector<1024x128xf32> to vector<128xf32>
    %broadcast_in_dim3A_90 = vector.shape_cast %reduce_sum3A_89 : vector<128xf32> to vector<1x128xf32>
    %eq3A_91 = arith.constant 0 : i32
    %eq3A_92 = arith.cmpi eq, %arg0, %eq3A_91 : i32
    %convert_element_type3A_93 = arith.extui %eq3A_92 : i1 to i32
    %cond3A = arith.constant 0 : i32
    %cond3A_94 = arith.cmpi ne, %convert_element_type3A_93, %cond3A : i32
    scf.if %cond3A_94 {
      %swap3A_99 = arith.constant 0 : index
      %swap3A_100 = arith.constant 0 : index
      %swap3A_101 = vector.load %arg6[%swap3A_99, %swap3A_100] : memref<1x128xf32, #tpu.memory_space<vmem>>, vector<1x128xf32>
      tpu.vector_store %arg6[%swap3A_99, %swap3A_100], %broadcast_in_dim3A_90 {strides = array<i32>} : memref<1x128xf32, #tpu.memory_space<vmem>>, vector<1x128xf32>,
    } else {
    }
    %gt3A = arith.constant 0 : i32
    %gt3A_95 = arith.cmpi sgt, %arg0, %gt3A : i32
    %convert_element_type3A_96 = arith.extui %gt3A_95 : i1 to i32
    %cond3A_97 = arith.constant 0 : i32
    %cond3A_98 = arith.cmpi ne, %convert_element_type3A_96, %cond3A_97 : i32
    scf.if %cond3A_98 {
      %get3A_99 = arith.constant 0 : index
      %get3A_100 = arith.constant 0 : index
      %get3A_101 = vector.load %arg6[%get3A_99, %get3A_100] : memref<1x128xf32, #tpu.memory_space<vmem>>, vector<1x128xf32>
      %add3A_102 = arith.addf %get3A_101, %broadcast_in_dim3A_90 : vector<1x128xf32>
      %swap3A_103 = arith.constant 0 : index
      %swap3A_104 = arith.constant 0 : index
      %swap3A_105 = vector.load %arg6[%swap3A_103, %swap3A_104] : memref<1x128xf32, #tpu.memory_space<vmem>>, vector<1x128xf32>
      tpu.vector_store %arg6[%swap3A_103, %swap3A_104], %add3A_102 {strides = array<i32>} : memref<1x128xf32, #tpu.memory_space<vmem>>, vector<1x128xf32>,
    } else {
    }
    return
  }
  func.func @transform_0(%arg0: i32) -> (i32, i32) {
    %c0_i32 = arith.constant 0 : i32
    %c0_i32_0 = arith.constant 0 : i32
    return %arg0, %c0_i32 : i32, i32
  }
  func.func @transform_1(%arg0: i32) -> (i32, i32) {
    %c0_i32 = arith.constant 0 : i32
    %c0_i32_0 = arith.constant 0 : i32
    %c0_i32_1 = arith.constant 0 : i32
    return %c0_i32, %c0_i32_0 : i32, i32
  }
  func.func @transform_2(%arg0: i32) -> (i32, i32) {
    %c0_i32 = arith.constant 0 : i32
    %c0_i32_0 = arith.constant 0 : i32
    %c0_i32_1 = arith.constant 0 : i32
    return %c0_i32, %c0_i32_0 : i32, i32
  }
  func.func @transform_3(%arg0: i32) -> (i32, i32) {
    %c0_i32 = arith.constant 0 : i32
    %c0_i32_0 = arith.constant 0 : i32
    %c0_i32_1 = arith.constant 0 : i32
    return %c0_i32, %c0_i32_0 : i32, i32
  }
  func.func @transform_4(%arg0: i32) -> (i32, i32) {
    %c0_i32 = arith.constant 0 : i32
    %c0_i32_0 = arith.constant 0 : i32
    return %arg0, %c0_i32 : i32, i32
  }
  func.func @transform_5(%arg0: i32) -> (i32, i32) {
    %c0_i32 = arith.constant 0 : i32
    %c0_i32_0 = arith.constant 0 : i32
    %c0_i32_1 = arith.constant 0 : i32
    return %c0_i32, %c0_i32_0 : i32, i32
  }
}

</mosaic_0001>

<sc_bundles>
// kernel: kernel.4.cloned.1.call-start
scs
__scs_entry_jumppad:
0x0: {  	(pc) =	sbr.rel $0x88, $3  }
0x1: {  	(tag) =	ssettag $0x0;
	lr =	simm.s32 $0x1  }
0x2: {  	[smem:$0x3F9C] =	sst lr;
	_ =	strace $0xD0000000  }
0x3: {  	_ = 	snop  }
0x4: {  	_ = 	snop  }
0x5: {  	_ = 	snop  }
0x6: {  	_ = 	snop  }
0x7: {  	_ = 	snop  }
__scs_overlays_trampoline_lowered:
0x8: {  	[smem:$0x3FAB] =	sst s0  }
0x9: {  	[smem:$0x3FAC] =	sst s1  }
0xa: {  	[smem:$0x3FAD] =	sst s2  }
0xb: {  	[smem:$0x3FAE] =	sst s3  }
0xc: {  	[smem:$0x3FAF] =	sst s4  }
0xd: {  	[smem:$0x3FB0] =	sst s5  }
0xe: {  	[smem:$0x3FB1] =	sst s6  }
0xf: {  	[smem:$0x3FB2] =	sst s7  }
0x10: {  	[smem:$0x3FB3] =	sst s8  }
0x11: {  	[smem:$0x3FB4] =	sst s9;
	s0 =	simm.s32 @!p0 $0x0  }
0x12: {  	s1 =	sld [smem:$0x3F9A];
	s0 =	simm.s32 @p0 $0x1  }
0x13: {  	[smem:$0x3FB5] =	sst s0;
	s0 =	simm.s32 @!p1 $0x0  }
0x14: {  	s2 =	sld [smem:$0x3F99];
	s0 =	simm.s32 @p1 $0x1  }
0x15: {  	[smem:$0x3FB6] =	sst s0;
	s0 =	simm.s32 @!p2 $0x0  }
0x16: {  	s3 =	sld [smem:$0x3FDB];
	s0 =	simm.s32 @p2 $0x1  }
0x17: {  	s4 =	simm.s32 $0x1BF5;
	[smem:$0x3FB8] =	sst s0  }
0x18: {  	s0 =	sld [smem:$0x3F9B];
	_ =	swait.ge [sflag:s4], $0x0  }
0x19: {  	s7 =	sld [smem:$0x3F9C]  }
0x1a: {  	s8 =	sadd.s32 $0xFFFFE003, lr  }
0x1b: {  	s9 =	sadd.s32 $0xFFFFFEF7, lr;
	s5 =	simm.s32 $0xFFFFFFFF;
	p2 =	slt.u32 s8, $0xFFFFF086  }
0x1c: {  	p1 =	slt.u32 s9, $0xF7A;
	s5 =	simm.s32 @!p2 $0x0  }
0x1d: {  	s5 =	simm.s32 @p1 $0x1;
	p0 =	seq.s32 s7, s2  }
0x1e: {  	s7 =	smul.u32 @!p0 $0xF7A, s2;
	p2 =	seq.s32 @!p0 s5, $0x0  }
0x1f: {  	s9 =	smul.u32 $0xF7A, s1;
	s8 =	simm.s32 @!p0 $0x1BF5;
	p2 =	por !p2, p0  }
0x20: {  	[sflag:s8] =	ssyncset.s32 @!p0 $0xFFFFF086;
	s6 =	sadd.s32 @!p0 s3, s7;
	s7 =	simm.s32 @!p0 $0x108  }
0x21: {  	s3 =	sadd.s32 s3, s9;
	s6 =	sadd.s32 @!p0 $0x88, s6;
	s7 =	simm.s32 @p2 $0x1082  }
0x22: {  	[simem:s7], [sflag:s8] =	dma.local @!p0 [hbm:s6], $0xF7A  }
0x23: {  	s9 =	sor.u32 $0xD0000000, s2;
	s6 =	simm.s32 $0x108;
	_ =	swait.ge @!p0 [sflag:s8], $0x0  }
0x24: {  	s3 =	sadd.s32 $0x88, s3;
	s6 =	simm.s32 @!p1 $0x1082;
	[sflag:s4] =	ssyncset.s32 $0xFFFFF086  }
0x25: {  	[simem:s6], [sflag:s4] =	dma.local [hbm:s3], $0xF7A  }
0x26: {  	[smem:$0x3F9C] =	sst s1;
	(tag) =	ssettag s2;
	_ =	strace s9  }
0x27: {  	s1 =	sld [smem:$0x3FAC]  }
0x28: {  	s2 =	sld [smem:$0x3FAD]  }
0x29: {  	s4 =	sld [smem:$0x3FAF]  }
0x2a: {  	p0 =	seq.s32 s5, $0x0;
	s5 =	sld [smem:$0x3FB0]  }
0x2b: {  	s6 =	sld [smem:$0x3FB1]  }
0x2c: {  	s7 =	sld [smem:$0x3FB2]  }
0x2d: {  	s3 =	simm.s32 $0x108;
	s8 =	sld [smem:$0x3FB3]  }
0x2e: {  	s3 =	simm.s32 @!p0 $0x1082;
	s9 =	sld [smem:$0x3FB4]  }
0x2f: {  	lr =	sadd.s32 s0, s3;
	s0 =	sld [smem:$0x3FAB]  }
0x30: {  	s3 =	sld [smem:$0x3FAE]  }
0x31: {  	[smem:$0x3FB7] =	sst s10  }
0x32: {  	s10 =	sld [smem:$0x3FB5];
	_ =	sdelay $0x3  }
0x33: {  	p0 =	seq.s32 s10, $0x1;
	s10 =	sld [smem:$0x3FB7];
	_ =	sdelay $0x3  }
0x34: {  	[smem:$0x3FB7] =	sst s10  }
0x35: {  	s10 =	sld [smem:$0x3FB6];
	_ =	sdelay $0x3  }
0x36: {  	p1 =	seq.s32 s10, $0x1;
	s10 =	sld [smem:$0x3FB7];
	_ =	sdelay $0x3  }
0x37: {  	[smem:$0x3FB7] =	sst s10  }
0x38: {  	s10 =	sld [smem:$0x3FB8]  }
0x39: {  	_ = 	snop;
	(pc) =	sbr.ind lr, $3  }
0x3a: {  	_ = 	snop  }
0x3b: {  	_ = 	snop  }
0x3c: {  	p2 =	seq.s32 s10, $0x1;
	s10 =	sld [smem:$0x3FB7]  }
0x3d: {  	_ =	shalt  }
0x3e: {  	_ =	shalt  }
0x3f: {  	_ =	shalt  }
0x40: {  	_ =	shalt  }
0x41: {  	_ =	shalt  }
0x42: {  	_ =	shalt  }
0x43: {  	_ =	shalt  }
0x44: {  	_ =	shalt  }
0x45: {  	_ =	shalt  }
0x46: {  	_ =	shalt  }
0x47: {  	_ =	shalt  }
0x48: {  	_ =	shalt  }
0x49: {  	_ =	shalt  }
0x4a: {  	_ =	shalt  }
0x4b: {  	_ =	shalt  }
0x4c: {  	_ =	shalt  }
0x4d: {  	_ =	shalt  }
0x4e: {  	_ =	shalt  }
0x4f: {  	_ =	shalt  }
0x50: {  	_ =	shalt  }
0x51: {  	_ =	shalt  }
0x52: {  	_ =	shalt  }
0x53: {  	_ =	shalt  }
0x54: {  	_ =	shalt  }
0x55: {  	_ =	shalt  }
0x56: {  	_ =	shalt  }
0x57: {  	_ =	shalt  }
0x58: {  	_ =	shalt  }
0x59: {  	_ =	shalt  }
0x5a: {  	_ =	shalt  }
0x5b: {  	_ =	shalt  }
0x5c: {  	_ =	shalt  }
0x5d: {  	_ =	shalt  }
0x5e: {  	_ =	shalt  }
0x5f: {  	_ =	shalt  }
0x60: {  	_ =	shalt  }
0x61: {  	_ =	shalt  }
0x62: {  	_ =	shalt  }
0x63: {  	_ =	shalt  }
0x64: {  	_ =	shalt  }
0x65: {  	_ =	shalt  }
0x66: {  	_ =	shalt  }
0x67: {  	_ =	shalt  }
0x68: {  	_ =	shalt  }
0x69: {  	_ =	shalt  }
0x6a: {  	_ =	shalt  }
0x6b: {  	_ =	shalt  }
0x6c: {  	_ =	shalt  }
0x6d: {  	_ =	shalt  }
0x6e: {  	_ =	shalt  }
0x6f: {  	_ =	shalt  }
0x70: {  	_ =	shalt  }
0x71: {  	_ =	shalt  }
0x72: {  	_ =	shalt  }
0x73: {  	_ =	shalt  }
0x74: {  	_ =	shalt  }
0x75: {  	_ =	shalt  }
0x76: {  	_ =	shalt  }
0x77: {  	_ =	shalt  }
0x78: {  	_ =	shalt  }
0x79: {  	_ =	shalt  }
0x7a: {  	_ =	shalt  }
0x7b: {  	_ =	shalt  }
0x7c: {  	_ =	shalt  }
0x7d: {  	_ =	shalt  }
0x7e: {  	_ =	shalt  }
0x7f: {  	_ =	shalt  }
0x80: {  	_ =	shalt  }
0x81: {  	_ =	shalt  }
0x82: {  	_ =	shalt  }
0x83: {  	_ =	shalt  }
0x84: {  	_ =	shalt  }
0x85: {  	_ =	shalt  }
0x86: {  	_ =	shalt  }
0x87: {  	_ =	shalt  }
.Lfunc_end0:
.L_simem_size_0:
called_computation_lowered:
.L_overlay_start_0:
0x88: {  	s2 =	sld [smem:$0x3FD9]  }
0x89: {  	s3 =	sld [smem:$0x3FFE];
	_ =	sdelay $0x1  }
0x8a: {  	s1 =	srdreg.scid  }
0x8b: {  	s0 =	sand.u32 $0x1, s1  }
0x8c: {  	s14 =	sshll.u32 s0, $0xA;
	s2 =	sadd.s32 s3, s2  }
0x8d: {  	s2 =	sadd.s32 s2, s14  }
0x8e: {  	[smem:$0x3FC3] =	sst s2  }
0x8f: {  	_ = 	snop  }
0x90: {  	s2 =	sld [smem:$0x3FD0];
	_ =	sdelay $0x2  }
0x91: {  	s15 =	simm.s32 $0xA;
	s4 =	simm.s32 $0x10  }
0x92: {  	[smem:s4], [sflag:s15] =	dma.local [hbm:s2], $0x1  }
0x93: {  	_ =	swait.eq [sflag:s15], $0x1  }
0x94: {  	[sflag:s15] =	ssyncset.done $0x0  }
0x95: {  	s16 =	sld [smem:$0x10];
	[sflag:s15] =	ssyncadd.s32 $0xFFFFFFFF  }
0x96: {  	s17 =	sld [smem:$0x11];
	(tm) =	ssettm $0x1  }
0x97: {  	s18 =	sld [smem:$0x3FFB];
	_ =	sdelay $0x3  }
0x98: {  	_ =	strace s18  }
0x99: {  	s4 =	sld [smem:$0x3FFC];
	_ =	sdelay $0x3  }
0x9a: {  	_ =	strace s4  }
0x9b: {  	s4 =	sld [smem:$0x3FFD];
	_ =	sdelay $0x3  }
0x9c: {  	_ =	strace s4  }
0x9d: {  	_ =	strace $0x8FFFFFFF  }
0x9e: {  	s19 =	sld [smem:$0x3FDB];
	_ =	sdelay $0x1  }
0x9f: {  	s5 =	simm.s32 $_scs_section_size  }
0xa0: {  	s6 =	simm.s32 $_size__tile_overlayer_lowered;
	s7 =	simm.s32 $_tile_overlayer_lowered  }
0xa1: {  	s22 =	simm.s32 $0x1BFF;
	s21 =	sshll.u32 s7, $0x1;
	s4 =	sadd.s32 s5, s19  }
0xa2: {  	s8 =	simm.s32 $0x0;
	s20 =	sshll.u32 s6, $0x1;
	s6 =	sadd.s32 s21, s4  }
0xa3: {  	[timem:s8], [sflag:s22] =	dma.local [hbm:s6], s20  }
0xa4: {  	_ =	swait.ge [sflag:s22], s20  }
0xa5: {  	s5 =	ssub.s32 $0x0, s20;
	[sflag:s22] =	ssyncset.done $0x0  }
0xa6: {  	[sflag:s22] =	ssyncadd.s32 s5;
	_ =	sdelay $0x1  }
0xa7: {  	s23 =	simm.s32 $0x1B8B  }
0xa8: {  	_ =	swait.ge [sflag:s23], $0x1  }
0xa9: {  	[sflag:s23] =	ssyncset.done $0x0  }
0xaa: {  	s25 =	simm.s32 $0x1B8E;
	s24 =	sld [smem:$0x3FFE];
	[sflag:s23] =	ssyncadd.s32 $0xFFFFFFFF  }
0xab: {  	s26 =	simm.s32 $execute0_lowered;
	[smem:$0x3FD2] =	sst s25  }
0xac: {  	s6 =	sshll.u32 s26, $0x1;
	_ =	strace $0x80000046;
	[dreg:$0x1] =	wrdreg $0xFFFFFFFF  }
0xad: {  	s28 =	simm.s32 $_size_execute0_lowered;
	s4 =	sadd.s32 s4, s6;
	[dreg:$0x0] =	wrdreg $0x0  }
0xae: {  	s6 =	sshll.u32 s28, $0x1;
	[dreg:$0x2] =	wrdreg s4  }
0xaf: {  	[dreg:$0x3] =	wrdreg s6  }
0xb0: {  	[dreg:$0x4] =	wrdreg $0xC0  }
0xb1: {  	_ =	task [dreg:s8], $0x5FFFF  }
0xb2: {  	[dreg:$0x1] =	wrdreg $0xFFFFFFFF  }
0xb3: {  	[dreg:$0x0] =	wrdreg $0x60  }
0xb4: {  	[dreg:$0x2] =	wrdreg s24  }
0xb5: {  	[dreg:$0x3] =	wrdreg s16  }
0xb6: {  	[dreg:$0x4] =	wrdreg s17  }
0xb7: {  	[dreg:$0x5] =	wrdreg $0x9  }
0xb8: {  	_ =	task.clear_ibuf [dreg:s8], $0x6FFFF;
	_ =	strace $0x90000046  }
0xb9: {  	s29 =	simm.s32 $0x9;
	_ =	strace $0x80000048  }
0xba: {  	_ =	swait.ge [sflag:s29], $0x1  }
0xbb: {  	[sflag:s29] =	ssyncadd.s32 $0xFFFFFFFF  }
0xbc: {  	_ =	strace $0x90000048  }
0xbd: {  	_ =	sfence  }
0xbe: {  	s30 =	sld [smem:$0x0];
	_ =	sdelay $0x2  }
0xbf: {  	s31 =	sshll.u32 s1, $0xD;
	s1 =	sshrl.u32 s1, $0x2  }
0xc0: {  	s3 =	sand.u32 $0x4000, s31;
	s1 =	sadd.s32 s1, s30  }
0xc1: {  	s0 =	sor.u32 s3, s0;
	s1 =	sshll.u32 s1, $0x11  }
0xc2: {  	s0 =	sor.u32 s1, s0  }
0xc3: {  	s0 =	sadd.s32 $0x8F2B, s0  }
0xc4: {  	[sflag:s0] =	ssyncadd.remote.s32 $0x1  }
0xc5: {  	_ =	sfence.sel $0xFFFF  }
0xc6: {  	[dreg:$0x0] =	wrdreg $0xFFFFFFFF;
	(pc) =	sbr.abs _section_cstart, $3  }
0xc7: {  	[dreg:$0x1] =	wrdreg $0xFFFFFFFF  }
0xc8: {  	_ =	task.clear_ibuf [dreg:s8], $0x2FFFF;
	_ =	strace $0x9FFFFFFF  }
0xc9: {  	(tm) =	ssettm $0x7FFFFFFF  }
tec
execute0_lowered:
.L_overlay_start_1:
0x0: {  	(tag) =	ssettag $0x1  }
0x1: {  	v2 =	vlaneseq.u32;
	v1 =	vimm.f32 $0.0e+00  }
0x2: {  	v15 =	vimm.f32 $1.000000000e+00;
	vm0 =	vmmov $0x1;
	vm5 =	vcmask $0x1318  }
0x3: {  	vm6 =	vcmask $0x171C;
	vm7 =	vcmask $0x1B20;
	v0 =	vmul.u32 $0x80, v2  }
0x4: {  	vm2 =	vcmask $0x308;
	vm3 =	vcmask $0x70C;
	vm4 =	vcmask $0xB10  }
0x5: {  	v7 =	vmul.u32 $0x2, v2;
	v14 =	vmul.u32 $0x8, v2;
	v3 =	vor.u32 $0x1, v0  }
0x6: {  	v4 =	vor.u32 $0x2, v0;
	v2 =	vor.u32 $0x800, v0;
	v17 =	vor.u32 $0x801, v0  }
0x7: {  	v18 =	vor.u32 $0x802, v0;
	v19 =	vor.u32 $0x803, v0;
	v20 =	vor.u32 $0x804, v0  }
0x8: {  	v21 =	vor.u32 $0x805, v0;
	v22 =	vor.u32 $0x806, v0;
	v23 =	vor.u32 $0x807, v0  }
0x9: {  	v24 =	vor.u32 $0x808, v0;
	v25 =	vor.u32 $0x810, v0;
	v26 =	vor.u32 $0x20, v7  }
0xa: {  	v27 =	vor.u32 $0x21, v7;
	v28 =	vor.u32 $0x80, v14;
	v29 =	vor.u32 $0x1000, v0  }
0xb: {  	v30 =	vor.u32 $0x1001, v0;
	v31 =	vor.u32 $0x1002, v0;
	v32 =	vor.u32 $0x1003, v0  }
0xc: {  	v33 =	vor.u32 $0x1004, v0;
	v34 =	vor.u32 $0x1005, v0;
	v35 =	vor.u32 $0x1006, v0  }
0xd: {  	s3 =	rddreg [dreg:$0x0];
	v36 =	vor.u32 $0x1007, v0;
	v37 =	vor.u32 $0x1008, v0;
	v38 =	vor.u32 $0x1010, v0;
	[tilespmem:$0x1FF50] =	vst v3  }
0xe: {  	s4 =	rddreg [dreg:$0x1];
	v39 =	vor.u32 $0x40, v7;
	v40 =	vor.u32 $0x41, v7;
	v41 =	vor.u32 $0x100, v14;
	[tilespmem:$0x1FF60] =	vst v4  }
0xf: {  	s5 =	rddreg [dreg:$0x2];
	v42 =	vor.u32 $0x1800, v0;
	v43 =	vor.u32 $0x1801, v0;
	v4 =	vor.u32 $0x3, v0;
	[tilespmem:$0x1FFF0] =	vst v2  }
0x10: {  	s2 =	srdreg.scid;
	s0 =	stileid.u32;
	v44 =	vor.u32 $0x1802, v0;
	v45 =	vor.u32 $0x1803, v0;
	[tilespmem:$0x1FF70] =	vst v4;
	v4 =	vor.u32 $0x4, v0  }
0x11: {  	s1 =	rddreg [dreg:$0x3];
	s6 =	sand.u32 $0x1, s2;
	s7 =	sshll.u32 s0, $0x1;
	v46 =	vor.u32 $0x1804, v0;
	v47 =	vor.u32 $0x1805, v0;
	[tilespmem:$0x1FF80] =	vst v4;
	v4 =	vor.u32 $0x5, v0  }
0x12: {  	s11 =	simm.s32 $0x4500;
	s2 =	simm.s32 $0x0;
	s7 =	sor.u32 s6, s7;
	v48 =	vor.u32 $0x1806, v0;
	v49 =	vor.u32 $0x1807, v0;
	[tilespmem:$0x1FF90] =	vst v4;
	v4 =	vor.u32 $0x6, v0  }
0x13: {  	s6 =	ssub.s32 $0x2, s6;
	[smem:$0x7FF] =	sst s2;
	s8 =	sshll.u32 s7, $0x1;
	v50 =	vor.u32 $0x1808, v0;
	v51 =	vor.u32 $0x1810, v0;
	[tilespmem:$0x1FFA0] =	vst v4;
	v4 =	vor.u32 $0x7, v0  }
0x14: {  	s9 =	sshrl.u32 s6, $0x1;
	s31 =	sshll.u32 s7, $0xB;
	s10 =	sshll.u32 s7, $0x5;
	v52 =	vor.u32 $0x60, v7;
	v53 =	vor.u32 $0x61, v7;
	[tilespmem:$0x1FFB0] =	vst v4;
	v4 =	vor.u32 $0x8, v0  }
0x15: {  	s7 =	sshll.u32 s7, $0x7;
	v54 =	vor.u32 $0x180, v14;
	v55 =	vor.u32 $0x2000, v0;
	s8 =	sadd.s32 s8, s3;
	s9 =	ssub.s32 s6, s9;
	[tilespmem:$0x1FFC0] =	vst v4;
	v4 =	vor.u32 $0x10, v0  }
0x16: {  	v56 =	vor.u32 $0x2001, v0;
	v57 =	vor.u32 $0x2002, v0;
	s3 =	sadd.s32 s3, s31;
	s4 =	sadd.s32 s4, s10;
	s5 =	sadd.s32 s5, s7;
	[tilespmem:$0x1FFD0] =	vst v4;
	v4 =	vor.u32 $0x1, v7  }
0x17: {  	v58 =	vor.u32 $0x2003, v0;
	v59 =	vor.u32 $0x2004, v0;
	v60 =	vor.u32 $0x2005, v0;
	s10 =	simm.s32 $0x4100;
	s6 =	sadd.s32 $0x10000, s8;
	s7 =	smax.u32 s9, $0x1;
	[tilespmem:$0x1FFE0] =	vst v4  }
0x18: {  	v61 =	vor.u32 $0x2006, v0;
	v62 =	vor.u32 $0x2007, v0;
	v3 =	vimm.s32 $0x0;
	s8 =	simm.s32 $0x1;
	s9 =	simm.s32 $0x4000;
	_ =	strace $0x80000047  }
.LBB2_1:
0x19: {  	[tilespmem:s2], [sflag:$0x1] =	stream.linear.gather [hbm4b:s3+s2], $0x4000, $0x38;
	[tilespmem:$0x4580] =	vst v63  }
0x1a: {  	_ =	swait.ge [sflag:s8], $0x4000  }
0x1b: {  	[sflag:s8] =	ssyncset.done $0x0  }
0x1c: {  	[sflag:s8] =	ssyncadd.s32 $0xFFFFC000  }
0x1d: {  	[tilespmem:$0x4100] =	vst v1  }
0x1e: {  	[tilespmem:$0x4110] =	vst v1  }
0x1f: {  	[tilespmem:$0x4120] =	vst v1  }
0x20: {  	[tilespmem:$0x4130] =	vst v1  }
0x21: {  	[tilespmem:$0x4140] =	vst v1  }
0x22: {  	[tilespmem:$0x4150] =	vst v1  }
0x23: {  	[tilespmem:$0x4160] =	vst v1  }
0x24: {  	[tilespmem:$0x4170] =	vst v1  }
0x25: {  	[tilespmem:$0x4180] =	vst v1  }
0x26: {  	[tilespmem:$0x4190] =	vst v1  }
0x27: {  	[tilespmem:$0x41A0] =	vst v1  }
0x28: {  	[tilespmem:$0x41B0] =	vst v1  }
0x29: {  	[tilespmem:$0x41C0] =	vst v1  }
0x2a: {  	[tilespmem:$0x41D0] =	vst v1  }
0x2b: {  	[tilespmem:$0x41E0] =	vst v1  }
0x2c: {  	[tilespmem:$0x41F0] =	vst v1  }
0x2d: {  	[tilespmem:$0x4200] =	vst v1  }
0x2e: {  	[tilespmem:$0x4210] =	vst v1  }
0x2f: {  	[tilespmem:$0x4220] =	vst v1  }
0x30: {  	[tilespmem:$0x4230] =	vst v1  }
0x31: {  	[tilespmem:$0x4240] =	vst v1  }
0x32: {  	[tilespmem:$0x4250] =	vst v1  }
0x33: {  	[tilespmem:$0x4260] =	vst v1  }
0x34: {  	[tilespmem:$0x4270] =	vst v1  }
0x35: {  	[tilespmem:$0x4280] =	vst v1  }
0x36: {  	[tilespmem:$0x4290] =	vst v1  }
0x37: {  	[tilespmem:$0x42A0] =	vst v1  }
0x38: {  	[tilespmem:$0x42B0] =	vst v1  }
0x39: {  	[tilespmem:$0x42C0] =	vst v1  }
0x3a: {  	[tilespmem:$0x42D0] =	vst v1  }
0x3b: {  	[tilespmem:$0x42E0] =	vst v1  }
0x3c: {  	[tilespmem:$0x42F0] =	vst v1  }
0x3d: {  	[tilespmem:$0x4300] =	vst v1  }
0x3e: {  	[tilespmem:$0x4310] =	vst v1  }
0x3f: {  	[tilespmem:$0x4320] =	vst v1  }
0x40: {  	[tilespmem:$0x4330] =	vst v1  }
0x41: {  	[tilespmem:$0x4340] =	vst v1  }
0x42: {  	[tilespmem:$0x4350] =	vst v1  }
0x43: {  	[tilespmem:$0x4360] =	vst v1  }
0x44: {  	[tilespmem:$0x4370] =	vst v1  }
0x45: {  	[tilespmem:$0x4380] =	vst v1  }
0x46: {  	[tilespmem:$0x4390] =	vst v1  }
0x47: {  	[tilespmem:$0x43A0] =	vst v1  }
0x48: {  	[tilespmem:$0x43B0] =	vst v1  }
0x49: {  	[tilespmem:$0x43C0] =	vst v1  }
0x4a: {  	[tilespmem:$0x43D0] =	vst v1  }
0x4b: {  	[tilespmem:$0x43E0] =	vst v1  }
0x4c: {  	[tilespmem:$0x43F0] =	vst v1  }
0x4d: {  	[tilespmem:$0x4400] =	vst v1  }
0x4e: {  	[tilespmem:$0x4410] =	vst v1  }
0x4f: {  	[tilespmem:$0x4420] =	vst v1  }
0x50: {  	[tilespmem:$0x4430] =	vst v1  }
0x51: {  	[tilespmem:$0x4440] =	vst v1  }
0x52: {  	[tilespmem:$0x4450] =	vst v1  }
0x53: {  	[tilespmem:$0x4460] =	vst v1  }
0x54: {  	[tilespmem:$0x4470] =	vst v1  }
0x55: {  	[tilespmem:$0x4480] =	vst v1  }
0x56: {  	v4 =	vld [tilespmem:$0x1FF50];
	[tilespmem:$0x4490] =	vst v1  }
0x57: {  	v5 =	vld [tilespmem:$0x1FF60];
	[tilespmem:$0x44A0] =	vst v1  }
0x58: {  	[tilespmem:$0x44B0] =	vst v1  }
0x59: {  	[tilespmem:$0x44C0] =	vst v1  }
0x5a: {  	[tilespmem:$0x44D0] =	vst v1  }
0x5b: {  	[tilespmem:$0x44E0] =	vst v1  }
0x5c: {  	[tilespmem:$0x44F0] =	vst v1  }
0x5d: {  	v2 =	vld.idx.msk [tilespmem:v0+s2+$0x0], $0xffff  }
0x5e: {  	v4 =	vld.idx.msk [tilespmem:v4+s2+$0x0], $0xffff  }
0x5f: {  	v63 =	vld.idx.msk [tilespmem:v5+s2+$0x0], $0xffff  }
0x60: {  	v5 =	vld [tilespmem:$0x1FF70];
	_ =	sdelay $0x2  }
0x61: {  	vm8 =	vgt.f32 v4, v2  }
0x62: {  	v2 =	vsel vm8, v4, v2;
	v4 =	vld [tilespmem:$0x1FF80];
	_ =	sdelay $0x3  }
0x63: {  	v5 =	vld.idx.msk [tilespmem:v5+s2+$0x0], $0xffff;
	_ =	sdelay $0x2  }
0x64: {  	v6 =	vld [tilespmem:$0x1FF90];
	vm9 =	vgt.f32 v63, v2  }
0x65: {  	v2 =	vsel vm9, v63, v2;
	v4 =	vld.idx.msk [tilespmem:v4+s2+$0x0], $0xffff  }
0x66: {  	vm10 =	vgt.f32 v5, v2  }
0x67: {  	v2 =	vsel vm10, v5, v2;
	v5 =	vld [tilespmem:$0x1FFA0];
	_ =	sdelay $0x2  }
0x68: {  	vm11 =	vgt.f32 v4, v2  }
0x69: {  	v2 =	vsel vm11, v4, v2;
	v4 =	vld [tilespmem:$0x1FFB0];
	_ =	sdelay $0x1  }
0x6a: {  	v9 =	vld.idx.msk [tilespmem:v6+s2+$0x0], $0xffff;
	_ =	sdelay $0x1  }
0x6b: {  	v5 =	vld.idx.msk [tilespmem:v5+s2+$0x0], $0xffff  }
0x6c: {  	v6 =	vsel vm8, $0x1, v3  }
0x6d: {  	v6 =	vsel vm9, $0x2, v6  }
0x6e: {  	v6 =	vsel vm10, $0x3, v6;
	vm14 =	vgt.f32 v9, v2  }
0x6f: {  	v6 =	vsel vm11, $0x4, v6;
	v2 =	vsel vm14, v9, v2;
	v4 =	vld.idx.msk [tilespmem:v4+s2+$0x0], $0xffff  }
0x70: {  	v6 =	vsel vm14, $0x5, v6;
	vm8 =	vgt.f32 v5, v2  }
0x71: {  	v2 =	vsel vm8, v5, v2;
	v5 =	vsel vm8, $0x6, v6;
	v6 =	vld [tilespmem:$0x1FFC0];
	_ =	sdelay $0x2  }
0x72: {  	vm14 =	vgt.f32 v4, v2  }
0x73: {  	v5 =	vsel vm14, $0x7, v5  }
0x74: {  	v6 =	vadd.s32 v6, v5  }
0x75: {  	v8 =	vld [tilespmem:$0x1FFD0];
	_ =	sdelay $0x3  }
0x76: {  	v6 =	vld.idx.msk [tilespmem:v6+s2+$0x0], $0xffff  }
0x77: {  	v10 =	vadd.s32 v8, v5;
	_ =	sdelay $0x2  }
0x78: {  	v2 =	vsel vm14, v4, v2  }
0x79: {  	v6 =	vmul.f32 v2, v6  }
0x7a: {  	v63 =	vld.idx.msk [tilespmem:v10+s2+$0x0], $0xffff  }
0x7b: {  	[tilespmem:v7+s9+$0x0] =	vst.idx.msk $0xffff, v6;
	v6 =	vld [tilespmem:$0x1FFE0];
	_ =	sdelay $0x5  }
0x7c: {  	v2 =	vmul.f32 v2, v63;
	_ =	sdelay $0x1  }
0x7d: {  	[tilespmem:v6+s9+$0x0] =	vst.idx.msk $0xffff, v2;
	v2 =	vld [tilespmem:$0x1FFF0]  }
0x7e: {  	v4 =	vadd.s32 v14, v5;
	_ =	sdelay $0x4  }
0x7f: {  	[tilespmem:v4+s10+$0x0] =	vst.idx.msk $0xffff, v15  }
0x80: {  	v4 =	vld.idx.msk [tilespmem:v17+s2+$0x0], $0xffff  }
0x81: {  	v2 =	vld.idx.msk [tilespmem:v2+s2+$0x0], $0xffff;
	_ =	sdelay $0x1  }
0x82: {  	v6 =	vld.idx.msk [tilespmem:v18+s2+$0x0], $0xffff;
	_ =	sdelay $0x1  }
0x83: {  	v11 =	vld.idx.msk [tilespmem:v19+s2+$0x0], $0xffff  }
0x84: {  	vm9 =	vgt.f32 v4, v2  }
0x85: {  	v2 =	vsel vm9, v4, v2;
	v4 =	vld.idx.msk [tilespmem:v20+s2+$0x0], $0xffff  }
0x86: {  	vm10 =	vgt.f32 v6, v2  }
0x87: {  	v2 =	vsel vm10, v6, v2;
	v6 =	vld.idx.msk [tilespmem:v21+s2+$0x0], $0xffff  }
0x88: {  	vm11 =	vgt.f32 v11, v2  }
0x89: {  	v63 =	vld.idx.msk [tilespmem:v22+s2+$0x0], $0xffff;
	v2 =	vsel vm11, v11, v2  }
0x8a: {  	vm12 =	vgt.f32 v4, v2  }
0x8b: {  	v9 =	vld.idx.msk [tilespmem:v23+s2+$0x0], $0xffff;
	v8 =	vsel vm9, $0x1, v3;
	v2 =	vsel vm12, v4, v2  }
0x8c: {  	v4 =	vsel vm10, $0x2, v8;
	vm9 =	vgt.f32 v6, v2  }
0x8d: {  	v4 =	vsel vm11, $0x3, v4;
	v2 =	vsel vm9, v6, v2  }
0x8e: {  	v4 =	vsel vm12, $0x4, v4;
	vm13 =	vgt.f32 v63, v2  }
0x8f: {  	v4 =	vsel vm9, $0x5, v4;
	v2 =	vsel vm13, v63, v2  }
0x90: {  	v4 =	vsel vm13, $0x6, v4;
	vm12 =	vgt.f32 v9, v2  }
0x91: {  	v4 =	vsel vm12, $0x7, v4  }
0x92: {  	v6 =	vadd.s32 v24, v4  }
0x93: {  	v8 =	vadd.s32 v25, v4;
	_ =	sdelay $0x3  }
0x94: {  	v6 =	vld.idx.msk [tilespmem:v6+s2+$0x0], $0xffff  }
0x95: {  	v8 =	vld.idx.msk [tilespmem:v8+s2+$0x0], $0xffff;
	_ =	sdelay $0x2  }
0x96: {  	v2 =	vsel vm12, v9, v2;
	v63 =	vadd.s32 v28, v4  }
0x97: {  	v6 =	vmul.f32 v2, v6  }
0x98: {  	v2 =	vmul.f32 v2, v8  }
0x99: {  	[tilespmem:v26+s9+$0x0] =	vst.idx.msk $0xffff, v6  }
0x9a: {  	[tilespmem:v27+s9+$0x0] =	vst.idx.msk $0xffff, v2  }
0x9b: {  	[tilespmem:v63+s10+$0x0] =	vst.idx.msk $0xffff, v15  }
0x9c: {  	v2 =	vld.idx.msk [tilespmem:v29+s2+$0x0], $0xffff  }
0x9d: {  	v6 =	vld.idx.msk [tilespmem:v30+s2+$0x0], $0xffff;
	_ =	sdelay $0x1  }
0x9e: {  	v8 =	vld.idx.msk [tilespmem:v31+s2+$0x0], $0xffff;
	_ =	sdelay $0x1  }
0x9f: {  	v9 =	vld.idx.msk [tilespmem:v32+s2+$0x0], $0xffff  }
0xa0: {  	vm9 =	vgt.f32 v6, v2  }
0xa1: {  	v2 =	vsel vm9, v6, v2;
	v6 =	vld.idx.msk [tilespmem:v33+s2+$0x0], $0xffff  }
0xa2: {  	vm10 =	vgt.f32 v8, v2  }
0xa3: {  	v2 =	vsel vm10, v8, v2;
	v8 =	vld.idx.msk [tilespmem:v34+s2+$0x0], $0xffff  }
0xa4: {  	vm11 =	vgt.f32 v9, v2  }
0xa5: {  	v2 =	vsel vm11, v9, v2;
	v9 =	vld.idx.msk [tilespmem:v35+s2+$0x0], $0xffff  }
0xa6: {  	vm15 =	vgt.f32 v6, v2  }
0xa7: {  	v11 =	vsel vm9, $0x1, v3;
	v2 =	vsel vm15, v6, v2;
	v6 =	vld.idx.msk [tilespmem:v36+s2+$0x0], $0xffff  }
0xa8: {  	v63 =	vsel vm10, $0x2, v11;
	vm9 =	vgt.f32 v8, v2  }
0xa9: {  	v63 =	vsel vm11, $0x3, v63;
	v2 =	vsel vm9, v8, v2  }
0xaa: {  	v8 =	vsel vm15, $0x4, v63;
	vm11 =	vgt.f32 v9, v2  }
0xab: {  	v8 =	vsel vm9, $0x5, v8;
	v2 =	vsel vm11, v9, v2  }
0xac: {  	v8 =	vsel vm11, $0x6, v8;
	vm9 =	vgt.f32 v6, v2  }
0xad: {  	v63 =	vsel vm9, $0x7, v8  }
0xae: {  	v8 =	vadd.s32 v37, v63  }
0xaf: {  	v9 =	vadd.s32 v38, v63;
	_ =	sdelay $0x3  }
0xb0: {  	v8 =	vld.idx.msk [tilespmem:v8+s2+$0x0], $0xffff  }
0xb1: {  	v9 =	vld.idx.msk [tilespmem:v9+s2+$0x0], $0xffff;
	_ =	sdelay $0x2  }
0xb2: {  	v2 =	vsel vm9, v6, v2;
	v6 =	vadd.s32 v41, v63  }
0xb3: {  	v8 =	vmul.f32 v2, v8  }
0xb4: {  	v2 =	vmul.f32 v2, v9  }
0xb5: {  	[tilespmem:v39+s9+$0x0] =	vst.idx.msk $0xffff, v8  }
0xb6: {  	[tilespmem:v40+s9+$0x0] =	vst.idx.msk $0xffff, v2  }
0xb7: {  	[tilespmem:v6+s10+$0x0] =	vst.idx.msk $0xffff, v15  }
0xb8: {  	vm15 =	veq.s32 v5, $0x0;
	v2 =	vld.idx.msk [tilespmem:v42+s2+$0x0], $0xffff  }
0xb9: {  	v8 =	vmpcnt.ones.xlane vm15;
	vm15 =	veq.s32 v5, $0x1;
	v6 =	vld.idx.msk [tilespmem:v43+s2+$0x0], $0xffff  }
0xba: {  	v9 =	vmpcnt.ones.xlane vm15  }
0xbb: {  	vm15 =	veq.s32 v5, $0x2;
	v8 =	vcvt.s32.f32 v8;
	v10 =	vld.idx.msk [tilespmem:v44+s2+$0x0], $0xffff  }
0xbc: {  	v11 =	vmpcnt.ones.xlane vm15;
	v9 =	vcvt.s32.f32 v9  }
0xbd: {  	vm15 =	veq.s32 v5, $0x3;
	v12 =	vld.idx.msk [tilespmem:v45+s2+$0x0], $0xffff;
	v8 =	vnsel vm0, $0x0, v8  }
0xbe: {  	v11 =	vcvt.s32.f32 v11;
	v9 =	vsel vm2, $0x0, v9;
	vm10 =	vgt.f32 v6, v2  }
0xbf: {  	v8 =	vadd.f32 v9, v8;
	v9 =	vmpcnt.ones.xlane vm15;
	v2 =	vsel vm10, v6, v2;
	v6 =	vld.idx.msk [tilespmem:v46+s2+$0x0], $0xffff  }
0xc0: {  	vm1 =	vgt.f32 v10, v2  }
0xc1: {  	v11 =	vsel vm3, $0x0, v11;
	v9 =	vcvt.s32.f32 v9;
	v2 =	vsel vm1, v10, v2;
	v10 =	vld.idx.msk [tilespmem:v47+s2+$0x0], $0xffff  }
0xc2: {  	v8 =	vadd.f32 v11, v8;
	v11 =	vsel vm10, $0x1, v3;
	vm15 =	vgt.f32 v12, v2  }
0xc3: {  	v9 =	vsel vm4, $0x0, v9;
	v11 =	vsel vm1, $0x2, v11;
	v2 =	vsel vm15, v12, v2;
	v12 =	vld.idx.msk [tilespmem:v48+s2+$0x0], $0xffff  }
0xc4: {  	vm1 =	veq.s32 v5, $0x4;
	v11 =	vsel vm15, $0x3, v11;
	vm15 =	vgt.f32 v6, v2  }
0xc5: {  	v13 =	vmpcnt.ones.xlane vm1;
	vm1 =	veq.s32 v5, $0x5;
	v5 =	vld.idx.msk [tilespmem:v49+s2+$0x0], $0xffff;
	v2 =	vsel vm15, v6, v2  }
0xc6: {  	v8 =	vadd.f32 v9, v8;
	v6 =	vmpcnt.ones.xlane vm1;
	vm1 =	vgt.f32 v10, v2  }
0xc7: {  	v11 =	vsel vm15, $0x4, v11;
	vm15 =	vmneg vm14;
	v2 =	vsel vm1, v10, v2  }
0xc8: {  	v9 =	vsel vm1, $0x5, v11;
	v10 =	vcvt.s32.f32 v13;
	vm10 =	vgt.f32 v12, v2  }
0xc9: {  	v6 =	vcvt.s32.f32 v6;
	vm1 =	vmand vm15, vm8;
	v11 =	vsel vm10, v12, v2  }
0xca: {  	vm15 =	vcmask $0xF14;
	v2 =	vsel vm10, $0x6, v9;
	vm8 =	vgt.f32 v5, v11  }
0xcb: {  	v9 =	vsel vm15, $0x0, v10;
	v10 =	vmpcnt.ones.xlane vm1;
	v2 =	vsel vm8, $0x7, v2  }
0xcc: {  	v6 =	vsel vm5, $0x0, v6;
	v8 =	vadd.f32 v9, v8;
	v9 =	vadd.s32 v50, v2  }
0xcd: {  	v12 =	vmpcnt.ones.xlane vm14;
	v10 =	vcvt.s32.f32 v10;
	v13 =	vadd.s32 v51, v2  }
0xce: {  	v6 =	vadd.f32 v6, v8  }
0xcf: {  	vm1 =	veq.s32 v4, $0x0;
	v8 =	vsel vm6, $0x0, v10;
	v10 =	vcvt.s32.f32 v12  }
0xd0: {  	v12 =	vmpcnt.ones.xlane vm1;
	v6 =	vadd.f32 v8, v6  }
0xd1: {  	vm1 =	veq.s32 v4, $0x1;
	v8 =	vsel vm7, $0x0, v10;
	v9 =	vld.idx.msk [tilespmem:v9+s2+$0x0], $0xffff  }
0xd2: {  	v10 =	vcvt.s32.f32 v12;
	v12 =	vmpcnt.ones.xlane vm1;
	v6 =	vadd.f32 v8, v6;
	v8 =	vld.idx.msk [tilespmem:v13+s2+$0x0], $0xffff  }
0xd3: {  	v5 =	vsel vm8, v5, v11;
	v11 =	vadd.s32 v54, v2  }
0xd4: {  	vm1 =	veq.s32 v4, $0x2;
	v10 =	vnsel vm0, $0x0, v10;
	v12 =	vcvt.s32.f32 v12  }
0xd5: {  	v6 =	vadd.f32 v10, v6;
	v10 =	vmpcnt.ones.xlane vm1;
	vm1 =	veq.s32 v4, $0x3  }
0xd6: {  	v13 =	vmpcnt.ones.xlane vm1;
	v9 =	vmul.f32 v5, v9  }
0xd7: {  	v12 =	vsel vm2, $0x0, v12;
	v10 =	vcvt.s32.f32 v10;
	v5 =	vmul.f32 v5, v8  }
0xd8: {  	vm1 =	veq.s32 v4, $0x4;
	v6 =	vadd.f32 v12, v6;
	[tilespmem:v52+s9+$0x0] =	vst.idx.msk $0xffff, v9  }
0xd9: {  	v8 =	vsel vm3, $0x0, v10;
	v10 =	vmpcnt.ones.xlane vm1;
	v9 =	vcvt.s32.f32 v13;
	[tilespmem:v53+s9+$0x0] =	vst.idx.msk $0xffff, v5  }
0xda: {  	vm14 =	veq.s32 v4, $0x5;
	vm1 =	vmneg vm12;
	v5 =	vadd.f32 v8, v6;
	[tilespmem:v11+s10+$0x0] =	vst.idx.msk $0xffff, v15  }
0xdb: {  	v6 =	vcvt.s32.f32 v10;
	v8 =	vmpcnt.ones.xlane vm14;
	v4 =	vsel vm4, $0x0, v9;
	v9 =	vld.idx.msk [tilespmem:v55+s2+$0x0], $0xffff  }
0xdc: {  	vm1 =	vmand vm1, vm13;
	v4 =	vadd.f32 v4, v5;
	v5 =	vld.idx.msk [tilespmem:v56+s2+$0x0], $0xffff  }
0xdd: {  	v10 =	vmpcnt.ones.xlane vm1;
	v6 =	vsel vm15, $0x0, v6;
	v8 =	vcvt.s32.f32 v8  }
0xde: {  	v4 =	vadd.f32 v6, v4;
	v6 =	vld.idx.msk [tilespmem:v57+s2+$0x0], $0xffff  }
0xdf: {  	v10 =	vcvt.s32.f32 v10;
	v8 =	vsel vm5, $0x0, v8  }
0xe0: {  	vm1 =	veq.s32 v63, $0x0;
	v11 =	vld.idx.msk [tilespmem:v58+s2+$0x0], $0xffff;
	v4 =	vadd.f32 v8, v4;
	v8 =	vmpcnt.ones.xlane vm12  }
0xe1: {  	v12 =	vmpcnt.ones.xlane vm1;
	v10 =	vsel vm6, $0x0, v10;
	vm1 =	vgt.f32 v5, v9  }
0xe2: {  	vm12 =	veq.s32 v63, $0x1;
	v8 =	vcvt.s32.f32 v8;
	v5 =	vsel vm1, v5, v9;
	v9 =	vld.idx.msk [tilespmem:v59+s2+$0x0], $0xffff  }
0xe3: {  	v4 =	vadd.f32 v10, v4;
	v10 =	vcvt.s32.f32 v12;
	vm13 =	vgt.f32 v6, v5  }
0xe4: {  	v12 =	vmpcnt.ones.xlane vm12;
	v8 =	vsel vm7, $0x0, v8;
	v5 =	vsel vm13, v6, v5;
	v6 =	vld.idx.msk [tilespmem:v60+s2+$0x0], $0xffff  }
0xe5: {  	vm14 =	veq.s32 v63, $0x2;
	v4 =	vadd.f32 v8, v4;
	vm12 =	vgt.f32 v11, v5  }
0xe6: {  	v8 =	vnsel vm0, $0x0, v10;
	v10 =	vcvt.s32.f32 v12;
	v5 =	vsel vm12, v11, v5;
	v11 =	vld.idx.msk [tilespmem:v61+s2+$0x0], $0xffff  }
0xe7: {  	v4 =	vadd.f32 v8, v4;
	v8 =	vmpcnt.ones.xlane vm14;
	vm14 =	vgt.f32 v9, v5  }
0xe8: {  	v12 =	vsel vm1, $0x1, v3;
	v10 =	vsel vm2, $0x0, v10;
	v5 =	vsel vm14, v9, v5;
	v9 =	vld.idx.msk [tilespmem:v62+s2+$0x0], $0xffff  }
0xe9: {  	v10 =	vadd.f32 v10, v4;
	v4 =	vsel vm13, $0x2, v12;
	vm1 =	vgt.f32 v6, v5  }
0xea: {  	v8 =	vcvt.s32.f32 v8;
	v4 =	vsel vm12, $0x3, v4;
	v5 =	vsel vm1, v6, v5  }
0xeb: {  	v12 =	vor.u32 $0x2010, v0;
	v4 =	vsel vm14, $0x4, v4;
	vm13 =	vgt.f32 v11, v5  }
0xec: {  	vm12 =	veq.s32 v63, $0x3;
	v4 =	vsel vm1, $0x5, v4;
	v5 =	vsel vm13, v11, v5  }
0xed: {  	v6 =	vmpcnt.ones.xlane vm12;
	v4 =	vsel vm13, $0x6, v4;
	vm12 =	vgt.f32 v9, v5  }
0xee: {  	v8 =	vsel vm3, $0x0, v8;
	v11 =	vor.u32 $0x2008, v0;
	v4 =	vsel vm12, $0x7, v4  }
0xef: {  	vm1 =	veq.s32 v63, $0x4;
	v6 =	vcvt.s32.f32 v6;
	v11 =	vadd.s32 v11, v4  }
0xf0: {  	v13 =	vmpcnt.ones.xlane vm1;
	vm1 =	veq.s32 v63, $0x5;
	v12 =	vadd.s32 v12, v4  }
0xf1: {  	v8 =	vadd.f32 v8, v10;
	v63 =	vmpcnt.ones.xlane vm1  }
0xf2: {  	vm1 =	vmneg vm9;
	v6 =	vsel vm4, $0x0, v6;
	v13 =	vcvt.s32.f32 v13  }
0xf3: {  	vm1 =	vmand vm1, vm11;
	v6 =	vadd.f32 v6, v8  }
0xf4: {  	v10 =	vcvt.s32.f32 v63;
	v8 =	vsel vm15, $0x0, v13;
	v13 =	vmpcnt.ones.xlane vm1;
	v11 =	vld.idx.msk [tilespmem:v11+s2+$0x0], $0xffff  }
0xf5: {  	v6 =	vadd.f32 v8, v6;
	v8 =	vld.idx.msk [tilespmem:v12+s2+$0x0], $0xffff  }
0xf6: {  	v10 =	vsel vm5, $0x0, v10;
	v12 =	vcvt.s32.f32 v13;
	v13 =	vor.u32 $0x80, v7  }
0xf7: {  	v63 =	vor.u32 $0x200, v14;
	v6 =	vadd.f32 v10, v6;
	v10 =	vor.u32 $0x81, v7  }
0xf8: {  	v5 =	vsel vm12, v9, v5;
	v9 =	vadd.s32 v63, v4  }
0xf9: {  	v16 =	vor.u32 $0x2800, v0;
	v63 =	vmpcnt.ones.xlane vm9;
	v11 =	vmul.f32 v5, v11  }
0xfa: {  	vm1 =	veq.s32 v2, $0x0;
	v5 =	vmul.f32 v5, v8;
	v8 =	vor.u32 $0x2801, v0  }
0xfb: {  	v63 =	vcvt.s32.f32 v63;
	v12 =	vsel vm6, $0x0, v12;
	[tilespmem:v13+s9+$0x0] =	vst.idx.msk $0xffff, v11;
	v11 =	vmpcnt.ones.xlane vm1  }
0xfc: {  	v6 =	vadd.f32 v12, v6;
	vm1 =	veq.s32 v2, $0x1;
	[tilespmem:v10+s9+$0x0] =	vst.idx.msk $0xffff, v5;
	v5 =	vor.u32 $0x2802, v0  }
0xfd: {  	v63 =	vsel vm7, $0x0, v63;
	v12 =	vmpcnt.ones.xlane vm1;
	v11 =	vcvt.s32.f32 v11;
	[tilespmem:v9+s10+$0x0] =	vst.idx.msk $0xffff, v15  }
0xfe: {  	v6 =	vadd.f32 v63, v6;
	v13 =	vor.u32 $0x2803, v0;
	vm1 =	veq.s32 v2, $0x2;
	v10 =	vld.idx.msk [tilespmem:v16+s2+$0x0], $0xffff  }
0xff: {  	v63 =	vcvt.s32.f32 v12;
	v12 =	vmpcnt.ones.xlane vm1;
	v8 =	vld.idx.msk [tilespmem:v8+s2+$0x0], $0xffff;
	v11 =	vnsel vm0, $0x0, v11  }
0x100: {  	v6 =	vadd.f32 v11, v6  }
0x101: {  	v9 =	vsel vm2, $0x0, v63;
	v11 =	vcvt.s32.f32 v12;
	v12 =	vor.u32 $0x2804, v0;
	v5 =	vld.idx.msk [tilespmem:v5+s2+$0x0], $0xffff  }
0x102: {  	vm1 =	veq.s32 v2, $0x3;
	v6 =	vadd.f32 v9, v6  }
0x103: {  	v16 =	vor.u32 $0x2805, v0;
	v63 =	vmpcnt.ones.xlane vm1;
	v11 =	vsel vm3, $0x0, v11  }
0x104: {  	vm14 =	veq.s32 v2, $0x4;
	vm1 =	vgt.f32 v8, v10;
	v6 =	vadd.f32 v11, v6;
	v11 =	vld.idx.msk [tilespmem:v13+s2+$0x0], $0xffff  }
0x105: {  	v9 =	vcvt.s32.f32 v63;
	v8 =	vsel vm1, v8, v10;
	v10 =	vor.u32 $0x2806, v0  }
0x106: {  	v13 =	vmpcnt.ones.xlane vm14;
	vm14 =	veq.s32 v2, $0x5;
	v2 =	vld.idx.msk [tilespmem:v12+s2+$0x0], $0xffff;
	vm11 =	vgt.f32 v5, v8  }
0x107: {  	v5 =	vsel vm11, v5, v8;
	v8 =	vor.u32 $0x2807, v0  }
0x108: {  	v16 =	vld.idx.msk [tilespmem:v16+s2+$0x0], $0xffff;
	v9 =	vsel vm4, $0x0, v9;
	v12 =	vmpcnt.ones.xlane vm14;
	vm14 =	vmneg vm8  }
0x109: {  	v13 =	vcvt.s32.f32 v13;
	vm9 =	vmand vm14, vm10;
	vm10 =	vgt.f32 v11, v5  }
0x10a: {  	v6 =	vadd.f32 v9, v6;
	v10 =	vld.idx.msk [tilespmem:v10+s2+$0x0], $0xffff;
	v5 =	vsel vm10, v11, v5  }
0x10b: {  	v12 =	vcvt.s32.f32 v12;
	v63 =	vsel vm15, $0x0, v13;
	vm14 =	vgt.f32 v2, v5  }
0x10c: {  	v6 =	vadd.f32 v63, v6;
	v63 =	vsel vm1, $0x1, v3;
	v2 =	vsel vm14, v2, v5;
	v5 =	vld.idx.msk [tilespmem:v8+s2+$0x0], $0xffff  }
0x10d: {  	v9 =	vmpcnt.ones.xlane vm9;
	v8 =	vsel vm11, $0x2, v63;
	vm1 =	vgt.f32 v16, v2  }
0x10e: {  	v12 =	vsel vm5, $0x0, v12;
	v8 =	vsel vm10, $0x3, v8;
	v2 =	vsel vm1, v16, v2  }
0x10f: {  	v9 =	vcvt.s32.f32 v9;
	v8 =	vsel vm14, $0x4, v8;
	vm9 =	vgt.f32 v10, v2  }
0x110: {  	v63 =	vmpcnt.ones.xlane vm8;
	v8 =	vsel vm1, $0x5, v8;
	v2 =	vsel vm9, v10, v2  }
0x111: {  	v6 =	vadd.f32 v12, v6;
	v8 =	vsel vm9, $0x6, v8;
	vm8 =	vgt.f32 v5, v2  }
0x112: {  	v10 =	vcvt.s32.f32 v63;
	v63 =	vor.u32 $0x2808, v0;
	v8 =	vsel vm8, $0x7, v8  }
0x113: {  	v13 =	vor.u32 $0x2810, v0;
	v9 =	vsel vm6, $0x0, v9;
	v11 =	vadd.s32 v63, v8  }
0x114: {  	v6 =	vadd.f32 v9, v6;
	vm1 =	veq.s32 v4, $0x0;
	v9 =	vadd.s32 v13, v8  }
0x115: {  	v12 =	vmpcnt.ones.xlane vm1  }
0x116: {  	vm1 =	veq.s32 v4, $0x1  }
0x117: {  	v10 =	vsel vm7, $0x0, v10;
	v12 =	vcvt.s32.f32 v12;
	v13 =	vmpcnt.ones.xlane vm1  }
0x118: {  	v16 =	vor.u32 $0x280, v14;
	v2 =	vsel vm8, v5, v2;
	v6 =	vadd.f32 v10, v6;
	v10 =	vld.idx.msk [tilespmem:v11+s2+$0x0], $0xffff  }
0x119: {  	vm1 =	veq.s32 v4, $0x2;
	v63 =	vnsel vm0, $0x0, v12;
	v12 =	vcvt.s32.f32 v13;
	v9 =	vld.idx.msk [tilespmem:v9+s2+$0x0], $0xffff  }
0x11a: {  	v6 =	vadd.f32 v63, v6;
	v13 =	vor.u32 $0xA1, v7;
	v11 =	vor.u32 $0xA0, v7  }
0x11b: {  	v63 =	vsel vm2, $0x0, v12;
	v12 =	vmpcnt.ones.xlane vm1;
	vm1 =	veq.s32 v4, $0x3  }
0x11c: {  	v5 =	vadd.s32 v16, v8;
	v6 =	vadd.f32 v63, v6;
	v16 =	vmpcnt.ones.xlane vm1  }
0x11d: {  	v63 =	vor.u32 $0x3000, v0;
	v12 =	vcvt.s32.f32 v12;
	v10 =	vmul.f32 v2, v10  }
0x11e: {  	vm14 =	veq.s32 v4, $0x5;
	v2 =	vmul.f32 v2, v9;
	v9 =	vor.u32 $0x3001, v0  }
0x11f: {  	vm1 =	veq.s32 v4, $0x4;
	[tilespmem:v11+s9+$0x0] =	vst.idx.msk $0xffff, v10;
	v10 =	vsel vm3, $0x0, v12;
	v11 =	vcvt.s32.f32 v16  }
0x120: {  	v12 =	vmpcnt.ones.xlane vm1;
	vm1 =	vmneg vm12;
	[tilespmem:v13+s9+$0x0] =	vst.idx.msk $0xffff, v2;
	v2 =	vor.u32 $0x3002, v0  }
0x121: {  	v4 =	vmpcnt.ones.xlane vm14;
	v6 =	vadd.f32 v10, v6;
	vm1 =	vmand vm1, vm13;
	[tilespmem:v5+s10+$0x0] =	vst.idx.msk $0xffff, v15  }
0x122: {  	v10 =	vsel vm4, $0x0, v11;
	v11 =	vcvt.s32.f32 v12;
	v12 =	vor.u32 $0x3003, v0;
	v5 =	vld.idx.msk [tilespmem:v63+s2+$0x0], $0xffff  }
0x123: {  	v6 =	vadd.f32 v10, v6;
	v63 =	vmpcnt.ones.xlane vm1;
	v9 =	vld.idx.msk [tilespmem:v9+s2+$0x0], $0xffff  }
0x124: {  	v4 =	vcvt.s32.f32 v4;
	v13 =	vor.u32 $0x3004, v0;
	v11 =	vsel vm15, $0x0, v11  }
0x125: {  	v6 =	vadd.f32 v11, v6;
	v10 =	vcvt.s32.f32 v63;
	v63 =	vmpcnt.ones.xlane vm12;
	v2 =	vld.idx.msk [tilespmem:v2+s2+$0x0], $0xffff  }
0x126: {  	v4 =	vsel vm5, $0x0, v4;
	v16 =	vor.u32 $0x3005, v0  }
0x127: {  	v4 =	vadd.f32 v4, v6;
	v6 =	vsel vm6, $0x0, v10;
	v10 =	vcvt.s32.f32 v63;
	v63 =	vld.idx.msk [tilespmem:v12+s2+$0x0], $0xffff  }
0x128: {  	vm1 =	veq.s32 v8, $0x0;
	v12 =	vor.u32 $0x3006, v0;
	vm10 =	vgt.f32 v9, v5  }
0x129: {  	v4 =	vadd.f32 v6, v4;
	v6 =	vmpcnt.ones.xlane vm1;
	v5 =	vsel vm10, v9, v5;
	v9 =	vld.idx.msk [tilespmem:v13+s2+$0x0], $0xffff  }
0x12a: {  	vm12 =	veq.s32 v8, $0x1;
	v13 =	vor.u32 $0x3007, v0;
	vm1 =	vgt.f32 v2, v5  }
0x12b: {  	v10 =	vsel vm7, $0x0, v10;
	v6 =	vcvt.s32.f32 v6;
	v2 =	vsel vm1, v2, v5;
	v5 =	vld.idx.msk [tilespmem:v16+s2+$0x0], $0xffff  }
0x12c: {  	v4 =	vadd.f32 v10, v4;
	v10 =	vmpcnt.ones.xlane vm12;
	vm11 =	vgt.f32 v63, v2  }
0x12d: {  	vm12 =	veq.s32 v8, $0x2;
	v6 =	vnsel vm0, $0x0, v6;
	v2 =	vsel vm11, v63, v2;
	v63 =	vld.idx.msk [tilespmem:v12+s2+$0x0], $0xffff  }
0x12e: {  	v10 =	vcvt.s32.f32 v10;
	v12 =	vmpcnt.ones.xlane vm12;
	vm12 =	vgt.f32 v9, v2  }
0x12f: {  	v4 =	vadd.f32 v6, v4;
	v6 =	vsel vm10, $0x1, v3;
	v2 =	vsel vm12, v9, v2;
	v9 =	vld.idx.msk [tilespmem:v13+s2+$0x0], $0xffff  }
0x130: {  	v10 =	vsel vm2, $0x0, v10;
	v6 =	vsel vm1, $0x2, v6;
	vm1 =	vgt.f32 v5, v2  }
0x131: {  	v12 =	vcvt.s32.f32 v12;
	v6 =	vsel vm11, $0x3, v6;
	v2 =	vsel vm1, v5, v2  }
0x132: {  	v4 =	vadd.f32 v10, v4;
	v5 =	vsel vm12, $0x4, v6;
	vm11 =	vgt.f32 v63, v2  }
0x133: {  	v6 =	vsel vm3, $0x0, v12;
	v5 =	vsel vm1, $0x5, v5;
	v2 =	vsel vm11, v63, v2  }
0x134: {  	vm1 =	veq.s32 v8, $0x3;
	v5 =	vsel vm11, $0x6, v5;
	vm10 =	vgt.f32 v9, v2  }
0x135: {  	v10 =	vmpcnt.ones.xlane vm1;
	v63 =	vor.u32 $0x3008, v0;
	v5 =	vsel vm10, $0x7, v5  }
0x136: {  	v12 =	vor.u32 $0x3010, v0;
	vm1 =	veq.s32 v8, $0x4;
	v11 =	vadd.s32 v63, v5  }
0x137: {  	v13 =	vmpcnt.ones.xlane vm1;
	v10 =	vcvt.s32.f32 v10;
	v12 =	vadd.s32 v12, v5  }
0x138: {  	v4 =	vadd.f32 v6, v4;
	vm1 =	veq.s32 v8, $0x5  }
0x139: {  	v8 =	vcvt.s32.f32 v13;
	v63 =	vmpcnt.ones.xlane vm1;
	v6 =	vsel vm4, $0x0, v10  }
0x13a: {  	v4 =	vadd.f32 v6, v4  }
0x13b: {  	v6 =	vsel vm15, $0x0, v8;
	v8 =	vcvt.s32.f32 v63;
	v10 =	vld.idx.msk [tilespmem:v11+s2+$0x0], $0xffff  }
0x13c: {  	vm1 =	vmneg vm8;
	v4 =	vadd.f32 v6, v4;
	v6 =	vld.idx.msk [tilespmem:v12+s2+$0x0], $0xffff  }
0x13d: {  	v13 =	vor.u32 $0x300, v14;
	v8 =	vsel vm5, $0x0, v8;
	v12 =	vor.u32 $0xC0, v7  }
0x13e: {  	vm1 =	vmand vm1, vm9;
	v4 =	vadd.f32 v8, v4;
	v8 =	vor.u32 $0xC1, v7  }
0x13f: {  	v2 =	vsel vm10, v9, v2;
	v9 =	vadd.s32 v13, v5;
	v63 =	vmpcnt.ones.xlane vm1  }
0x140: {  	v16 =	vor.u32 $0x3800, v0;
	v13 =	vmpcnt.ones.xlane vm8;
	v10 =	vmul.f32 v2, v10  }
0x141: {  	v11 =	vcvt.s32.f32 v63;
	v2 =	vmul.f32 v2, v6;
	v6 =	vor.u32 $0x3801, v0  }
0x142: {  	vm1 =	veq.s32 v5, $0x0;
	v13 =	vcvt.s32.f32 v13;
	[tilespmem:v12+s9+$0x0] =	vst.idx.msk $0xffff, v10  }
0x143: {  	v63 =	vmpcnt.ones.xlane vm1;
	v11 =	vsel vm6, $0x0, v11;
	[tilespmem:v8+s9+$0x0] =	vst.idx.msk $0xffff, v2;
	v2 =	vor.u32 $0x3802, v0  }
0x144: {  	vm1 =	veq.s32 v5, $0x1;
	v4 =	vadd.f32 v11, v4;
	v12 =	vor.u32 $0x3803, v0;
	[tilespmem:v9+s10+$0x0] =	vst.idx.msk $0xffff, v15  }
0x145: {  	v8 =	vsel vm7, $0x0, v13;
	v9 =	vcvt.s32.f32 v63;
	v63 =	vmpcnt.ones.xlane vm1;
	v11 =	vld.idx.msk [tilespmem:v16+s2+$0x0], $0xffff  }
0x146: {  	v13 =	vor.u32 $0x3804, v0;
	vm1 =	veq.s32 v5, $0x2;
	v4 =	vadd.f32 v8, v4;
	v6 =	vld.idx.msk [tilespmem:v6+s2+$0x0], $0xffff  }
0x147: {  	v8 =	vmpcnt.ones.xlane vm1;
	v9 =	vnsel vm0, $0x0, v9;
	v10 =	vcvt.s32.f32 v63  }
0x148: {  	v4 =	vadd.f32 v9, v4;
	v2 =	vld.idx.msk [tilespmem:v2+s2+$0x0], $0xffff  }
0x149: {  	v8 =	vcvt.s32.f32 v8;
	v63 =	vsel vm2, $0x0, v10;
	v10 =	vor.u32 $0x3805, v0  }
0x14a: {  	vm1 =	veq.s32 v5, $0x3;
	v16 =	vor.u32 $0x3806, v0;
	v9 =	vld.idx.msk [tilespmem:v12+s2+$0x0], $0xffff;
	v4 =	vadd.f32 v63, v4  }
0x14b: {  	v12 =	vmpcnt.ones.xlane vm1;
	v8 =	vsel vm3, $0x0, v8;
	vm1 =	vgt.f32 v6, v11  }
0x14c: {  	v4 =	vadd.f32 v8, v4;
	v6 =	vsel vm1, v6, v11;
	v8 =	vld.idx.msk [tilespmem:v13+s2+$0x0], $0xffff  }
0x14d: {  	v63 =	vcvt.s32.f32 v12;
	v12 =	vor.u32 $0x3807, v0;
	vm8 =	vgt.f32 v2, v6  }
0x14e: {  	vm12 =	veq.s32 v5, $0x5;
	vm9 =	veq.s32 v5, $0x4;
	v5 =	vld.idx.msk [tilespmem:v10+s2+$0x0], $0xffff;
	v2 =	vsel vm8, v2, v6  }
0x14f: {  	v63 =	vsel vm4, $0x0, v63;
	v6 =	vmpcnt.ones.xlane vm9;
	vm9 =	vgt.f32 v9, v2  }
0x150: {  	v11 =	vld.idx.msk [tilespmem:v16+s2+$0x0], $0xffff;
	v10 =	vmpcnt.ones.xlane vm12;
	vm12 =	vmneg vm10;
	v2 =	vsel vm9, v9, v2  }
0x151: {  	vm11 =	vmand vm12, vm11;
	v6 =	vcvt.s32.f32 v6;
	vm12 =	vgt.f32 v8, v2  }
0x152: {  	v13 =	vsel vm1, $0x1, v3;
	v4 =	vadd.f32 v63, v4;
	v2 =	vsel vm12, v8, v2;
	v8 =	vld.idx.msk [tilespmem:v12+s2+$0x0], $0xffff  }
0x153: {  	v63 =	vsel vm8, $0x2, v13;
	v6 =	vsel vm15, $0x0, v6;
	vm1 =	vgt.f32 v5, v2  }
0x154: {  	v9 =	vsel vm9, $0x3, v63;
	v4 =	vadd.f32 v6, v4;
	v2 =	vsel vm1, v5, v2  }
0x155: {  	v6 =	vsel vm12, $0x4, v9;
	v9 =	vmpcnt.ones.xlane vm11;
	vm13 =	vgt.f32 v11, v2  }
0x156: {  	v5 =	vcvt.s32.f32 v10;
	v6 =	vsel vm1, $0x5, v6;
	v2 =	vsel vm13, v11, v2  }
0x157: {  	v63 =	vmpcnt.ones.xlane vm10;
	v6 =	vsel vm13, $0x6, v6;
	vm8 =	vgt.f32 v8, v2  }
0x158: {  	v9 =	vcvt.s32.f32 v9;
	v5 =	vsel vm5, $0x0, v5;
	v6 =	vsel vm8, $0x7, v6  }
0x159: {  	v4 =	vadd.f32 v5, v4;
	v5 =	vcvt.s32.f32 v63;
	vm1 =	veq.s32 v6, $0x0  }
0x15a: {  	v9 =	vsel vm6, $0x0, v9;
	v63 =	vmpcnt.ones.xlane vm1  }
0x15b: {  	v4 =	vadd.f32 v9, v4;
	v5 =	vsel vm7, $0x0, v5;
	vm1 =	veq.s32 v6, $0x1  }
0x15c: {  	v9 =	vor.u32 $0x3808, v0;
	v10 =	vcvt.s32.f32 v63;
	v63 =	vmpcnt.ones.xlane vm1  }
0x15d: {  	v4 =	vadd.f32 v5, v4;
	v5 =	vadd.s32 v9, v6;
	vm1 =	veq.s32 v6, $0x2  }
0x15e: {  	v9 =	vnsel vm0, $0x0, v10;
	v10 =	vcvt.s32.f32 v63;
	v63 =	vmpcnt.ones.xlane vm1  }
0x15f: {  	v12 =	vor.u32 $0x3810, v0;
	vm1 =	veq.s32 v6, $0x3;
	v4 =	vadd.f32 v9, v4  }
0x160: {  	v9 =	vsel vm2, $0x0, v10;
	v10 =	vcvt.s32.f32 v63;
	v63 =	vmpcnt.ones.xlane vm1  }
0x161: {  	v12 =	vadd.s32 v12, v6;
	vm1 =	veq.s32 v6, $0x4;
	v4 =	vadd.f32 v9, v4  }
0x162: {  	v9 =	vsel vm3, $0x0, v10;
	v10 =	vcvt.s32.f32 v63;
	v63 =	vmpcnt.ones.xlane vm1  }
0x163: {  	vm14 =	veq.s32 v6, $0x5;
	vm1 =	vmneg vm8;
	v4 =	vadd.f32 v9, v4  }
0x164: {  	v9 =	vsel vm4, $0x0, v10;
	v10 =	vcvt.s32.f32 v63;
	v63 =	vmpcnt.ones.xlane vm14  }
0x165: {  	v16 =	vor.u32 $0xE1, v7;
	v5 =	vld.idx.msk [tilespmem:v5+s2+$0x0], $0xffff;
	vm1 =	vmand vm1, vm13;
	v4 =	vadd.f32 v9, v4  }
0x166: {  	v9 =	vld.idx.msk [tilespmem:v12+s2+$0x0], $0xffff;
	v12 =	vmpcnt.ones.xlane vm1;
	v10 =	vsel vm15, $0x0, v10;
	v11 =	vcvt.s32.f32 v63  }
0x167: {  	v13 =	vor.u32 $0xE0, v7;
	v63 =	vor.u32 $0x380, v14;
	v4 =	vadd.f32 v10, v4  }
0x168: {  	v10 =	vsel vm5, $0x0, v11;
	v11 =	vcvt.s32.f32 v12;
	v12 =	vmpcnt.ones.xlane vm8  }
0x169: {  	v2 =	vsel vm8, v8, v2;
	v6 =	vadd.s32 v63, v6;
	v4 =	vadd.f32 v10, v4  }
0x16a: {  	v5 =	vmul.f32 v2, v5;
	v8 =	vsel vm6, $0x0, v11;
	v63 =	vcvt.s32.f32 v12  }
0x16b: {  	v2 =	vmul.f32 v2, v9;
	v4 =	vadd.f32 v8, v4  }
0x16c: {  	[tilespmem:v13+s9+$0x0] =	vst.idx.msk $0xffff, v5;
	v5 =	vsel vm7, $0x0, v63  }
0x16d: {  	[tilespmem:v16+s9+$0x0] =	vst.idx.msk $0xffff, v2;
	v2 =	vadd.f32 v5, v4  }
0x16e: {  	[tilespmem:v6+s10+$0x0] =	vst.idx.msk $0xffff, v15  }
0x16f: {  	[tilespmem:$0x4500] =	vst v2  }
0x170: {  	[hbm4b:s4+s2] =	stream.linear.scatter [tilespmem:s9], [sflag:$0x1], $0x100, $0x38;
	[tilespmem:$0x4580] =	vst v63  }
0x171: {  	_ =	swait.ge [sflag:s8], $0x100  }
0x172: {  	[sflag:s8] =	ssyncset.done $0x0  }
0x173: {  	[sflag:s8] =	ssyncadd.s32 $0xFFFFFF00  }
0x174: {  	[hbm4b:s5+s2] =	stream.linear.scatter [tilespmem:s10], [sflag:$0x1], $0x400, $0x38;
	[tilespmem:$0x4580] =	vst v63  }
0x175: {  	_ =	swait.ge [sflag:s8], $0x400  }
0x176: {  	p0 =	sne.s32 s7, $0x1;
	[sflag:s8] =	ssyncset.done $0x0  }
.Ltmp0:
0x177: {  	[sflag:s8] =	ssyncadd.s32 $0xFFFFFC00;
	(pc) =	sbr.rel @p0 .LBB2_1-.Ltmp0, $4  }
0x178: {  	[hbm4b:s6+s2] =	stream.linear.scatter [tilespmem:s11], [sflag:$0x1], $0x10, $0x38;
	[tilespmem:$0x4580] =	vst v63  }
0x179: {  	_ =	swait.ge [sflag:s8], $0x10  }
0x17a: {  	[sflag:s8] =	ssyncset.done $0x0  }
0x17b: {  	s7 =	sadd.s32 $0xFFFFFFFF, s7;
	[sflag:s8] =	ssyncadd.s32 $0xFFFFFFF0  }
0x17c: {  	_ =	sfence.sel $0x180000  }
0x17d: {  	[bflag:$0x0] =	sbarrier.arrive $0xFFFF  }
0x17e: {  	p0 =	sne.s32 s0, $0x0;
	_ =	strace $0x90000047  }
0x17f: {  	s0 =	sadd.s32 @!p0 $0x100000, s1;
	[bflag:$0x2] =	sbarrier.arrive $0xFFFF  }
0x180: {  	[sflag:s0] =	ssyncadd.tile.s32 @!p0 $0x1;
	_ =	shalt  }
.Lfunc_end2:
_tile_overlayer_lowered:
.L_overlay_start_2:
0x181: {  	(tag) =	ssettag $0x2  }
0x182: {  	s0 =	rddreg [dreg:$0x0];
	s2 =	stileid.u32  }
0x183: {  	s1 =	rddreg [dreg:$0x1];
	p0 =	sne.s32 s2, $0x0  }
0x184: {  	s3 =	rddreg [dreg:$0x2];
	[bflag:$0x3] =	sbarrier.arrive $0xFFFF;
	s2 =	simm.s32 @!p0 $0x1C01  }
0x185: {  	[timem:s3], [sflag:s2] =	dma.local @!p0 [hbm:s0], s1  }
0x186: {  	s0 =	simm.s32 @!p0 $0x1  }
0x187: {  	_ =	swait.ge @!p0 [sflag:s0], s1  }
0x188: {  	s1 =	ssub.s32 @!p0 $0x0, s1;
	[sflag:s0] =	ssyncset.done @!p0 $0x0  }
0x189: {  	[sflag:s0] =	ssyncadd.s32 @!p0 s1  }
0x18a: {  	[bflag:$0x3] =	sbarrier.arrive $0xFFFF  }
0x18b: {  	_ =	shalt  }

</sc_bundles>
